<compile_context>
chip_gen: v7x
topology: tpu7x:2x2x1
jax: 0.10.2.dev20260603
libtpu: 0.0.44.dev20260713+nightly
codegen_flags: <defaults>
</compile_context>

<pallas_src>
import functools

import jax
import jax.numpy as jnp
from jax import lax
from jax.experimental import pallas as pl
from jax.experimental.pallas import tpu as pltpu
from jax.experimental.pallas import tpu_sc as plsc

D = 128
NUM_CORES = 2
NUM_SUBCORES = 16
NW = NUM_CORES * NUM_SUBCORES
BATCH = 4096
BPW = BATCH // NW
L_T = (20, 50)
L_F = 200
TOT_T = sum(L_T)


def _run_pipeline(ct, k, fire_gather, wait_gather, fire_write, wait_write):
    for b in range(k - 1):
        fire_gather(b, b)
    wait_gather(0)
    fire_write(0, 0)
    fire_gather(k - 1, k - 1)

    main_len = ct - k
    blocks = main_len // k

    def block(gi, _):
        for u in range(k):
            j = 1 + gi * k + u
            b = (1 + u) % k
            bp = u % k
            wait_gather(b)
            fire_write(j, b)
            wait_write(bp)
            fire_gather(j + k - 1, bp)
        return 0

    lax.fori_loop(0, blocks, block, 0)
    for r in range(blocks * k, main_len):
        j = 1 + r
        wait_gather(j % k)
        fire_write(j, j % k)
        wait_write((j - 1) % k)
        fire_gather(j + k - 1, (j - 1) % k)
    for j in range(ct - k + 1, ct):
        wait_gather(j % k)
        fire_write(j, j % k)
    for j in range(ct - k, ct):
        wait_write(j % k)


def _gather_kernel(idx20, idx50, idx200, t20, t50, t200):
    mesh = plsc.VectorSubcoreMesh(core_axis_name="c", subcore_axis_name="s")
    out_type = (
        jax.ShapeDtypeStruct((L_T[0], BATCH, D), jnp.float32),
        jax.ShapeDtypeStruct((L_T[1], BATCH, D), jnp.float32),
        jax.ShapeDtypeStruct((BATCH, L_F, D), jnp.float32),
    )

    @functools.partial(
        pl.kernel,
        out_type=out_type,
        mesh=mesh,
        scratch_types=[
            pltpu.VMEM((TOT_T, BPW), jnp.int32),
            pltpu.VMEM((BPW * L_F // 2,), jnp.int32),
            pltpu.VMEM((L_F, D), jnp.float32),
            pltpu.VMEM((L_F, D), jnp.float32),
            pltpu.VMEM((L_F, D), jnp.float32),
            pltpu.VMEM((L_F, D), jnp.float32),
            [pltpu.SemaphoreType.DMA] * 4,
            [pltpu.SemaphoreType.DMA] * 4,
        ],
    )
    def body(i20, i50, i200, tb20, tb50, tb200, o20, o50, o200,
             idx_t, idx_f, rb0, rb1, rb2, rb3, gsems, wsems):
        wid = lax.axis_index("s") * NUM_CORES + lax.axis_index("c")
        gsem = tuple(gsems)
        wsem = tuple(wsems)
        base_b = wid * BPW

        tcb = 0
        for idx_hbm, l in ((i20, L_T[0]), (i50, L_T[1])):
            pltpu.sync_copy(idx_hbm.at[:, pl.ds(base_b, BPW)],
                            idx_t.at[pl.ds(tcb, l)])
            tcb += l

        rows2 = (rb0.at[pl.ds(0, BPW)], rb1.at[pl.ds(0, BPW)],
                 rb2.at[pl.ds(0, BPW)], rb3.at[pl.ds(0, BPW)])
        tcb = 0
        for t_hbm, out_hbm, ct in ((tb20, o20, L_T[0]),
                                   (tb50, o50, L_T[1])):

            def fire_gather(j, b, t_hbm=t_hbm, tcb=tcb):
                pltpu.async_copy(t_hbm.at[idx_t.at[tcb + j]],
                                 rows2[b], gsem[b])

            def wait_gather(b, t_hbm=t_hbm, tcb=tcb):
                pltpu.make_async_copy(t_hbm.at[idx_t.at[tcb]],
                                      rows2[b], gsem[b]).wait()

            def fire_write(j, b, out_hbm=out_hbm):
                pltpu.async_copy(rows2[b],
                                 out_hbm.at[j, pl.ds(base_b, BPW)],
                                 wsem[b])

            def wait_write(b, out_hbm=out_hbm):
                pltpu.make_async_copy(rows2[b],
                                      out_hbm.at[0, pl.ds(base_b, BPW)],
                                      wsem[b]).wait()

            _run_pipeline(ct, 4, fire_gather, wait_gather, fire_write,
                          wait_write)
            tcb += ct

        rows4 = (rb0, rb1, rb2, rb3)
        half_b = BPW // 2

        for half in range(2):
            pltpu.sync_copy(
                i200.at[pl.ds((base_b + half * half_b) * L_F,
                              half_b * L_F)], idx_f)

            def fire_gather_f(j, b, half=half):
                pltpu.async_copy(
                    tb200.at[idx_f.at[pl.ds(j * L_F, L_F)]],
                    rows4[b], gsem[b])

            def wait_gather_f(b, half=half):
                pltpu.make_async_copy(
                    tb200.at[idx_f.at[pl.ds(0, L_F)]],
                    rows4[b], gsem[b]).wait()

            def fire_write_f(j, b, half=half):
                pltpu.async_copy(
                    rows4[b],
                    o200.at[base_b + half * half_b + j], wsem[b])

            def wait_write_f(b, half=half):
                pltpu.make_async_copy(
                    rows4[b], o200.at[base_b], wsem[b]).wait()

            _run_pipeline(half_b, 4, fire_gather_f, wait_gather_f,
                          fire_write_f, wait_write_f)

    return body(idx20, idx50, idx200, t20, t50, t200)


def kernel(idx_20, idx_50, idx_200, table_20, table_50, table_200):
    o20, o50, o200 = _gather_kernel(
        idx_20.T.astype(jnp.int32),
        idx_50.T.astype(jnp.int32),
        idx_200.reshape(-1).astype(jnp.int32),
        table_20, table_50, table_200,
    )
    return (
        jnp.transpose(o20, (1, 0, 2)),
        jnp.transpose(o50, (1, 0, 2)),
        o200,
    )

# --- scband reference (transcript-rebuilt; emitter-appended) ---
"""Pipeline reference for scband-path-embedding-layer-61838939128051 (READ-ONLY COPY).

The authoritative reference and input builder live on the scoring server;
editing this copy changes nothing except your own understanding.
"""

import jax, jax.numpy as jnp
import numpy as np

NUM_EMBEDDINGS = 100000
EMBEDDING_DIM = 128
BATCH = 4096
PATH_LENGTHS = (20, 50, 200)

def setup_inputs(seed: int = 0) -> dict:
    key = jax.random.key(seed)
    ks = jax.random.split(key, 6)
    idx_20 = jax.random.randint(ks[0], (BATCH, 20), 0, NUM_EMBEDDINGS, dtype=jnp.int64 if jax.config.jax_enable_x64 else jnp.int32)
    idx_50 = jax.random.randint(ks[1], (BATCH, 50), 0, NUM_EMBEDDINGS, dtype=jnp.int64 if jax.config.jax_enable_x64 else jnp.int32)
    idx_200 = jax.random.randint(ks[2], (BATCH, 200), 0, NUM_EMBEDDINGS, dtype=jnp.int64 if jax.config.jax_enable_x64 else jnp.int32)
    table_20 = jax.random.normal(ks[3], (NUM_EMBEDDINGS, EMBEDDING_DIM), dtype=jnp.float32)
    table_50 = jax.random.normal(ks[4], (NUM_EMBEDDINGS, EMBEDDING_DIM), dtype=jnp.float32)
    table_200 = jax.random.normal(ks[5], (NUM_EMBEDDINGS, EMBEDDING_DIM), dtype=jnp.float32)
    return {
        "idx_20": idx_20,
        "idx_50": idx_50,
        "idx_200": idx_200,
        "table_20": table_20,
        "table_50": table_50,
        "table_200": table_200,
    }

def reference(idx_20, idx_50, idx_200, table_20, table_50, table_200):
    # Faithful translation of PathEmbeddingLayer.forward:
    # {k: self.embeddings[k](v) for k, v in x_paths.items()}
    # One independent nn.Embedding table per path length; each lookup is a row gather.
    out_20 = jnp.take(table_20, idx_20, axis=0)
    out_50 = jnp.take(table_50, idx_50, axis=0)
    out_200 = jnp.take(table_200, idx_200, axis=0)
    return (out_20, out_50, out_200)

if __name__ == "__main__":
    import jax
    _d = setup_inputs()
    print(jax.jit(kernel)(*tuple(_d.values())))

</pallas_src>

<mosaic_0001>
#map = affine_map<(d0, d1) -> (0, 0)>
#map1 = affine_map<(d0, d1) -> (0)>
#map2 = affine_map<(d0, d1) -> (0, 0, 0)>
module attributes {stable_mosaic.version = 14 : i64} {
  func.func @body(%arg0: i32, %arg1: i32, %arg2: memref<20x4096xi32, #tpu.memory_space<hbm>>, %arg3: memref<50x4096xi32, #tpu.memory_space<hbm>>, %arg4: memref<819200xi32, #tpu.memory_space<hbm>>, %arg5: memref<100000x128xf32, #tpu.memory_space<hbm>>, %arg6: memref<100000x128xf32, #tpu.memory_space<hbm>>, %arg7: memref<100000x128xf32, #tpu.memory_space<hbm>>, %arg8: memref<20x4096x128xf32, #tpu.memory_space<hbm>>, %arg9: memref<50x4096x128xf32, #tpu.memory_space<hbm>>, %arg10: memref<4096x200x128xf32, #tpu.memory_space<hbm>>, %arg11: memref<70x128xi32, #tpu.memory_space<vmem>>, %arg12: memref<12800xi32, #tpu.memory_space<vmem>>, %arg13: memref<200x128xf32, #tpu.memory_space<vmem>>, %arg14: memref<200x128xf32, #tpu.memory_space<vmem>>, %arg15: memref<200x128xf32, #tpu.memory_space<vmem>>, %arg16: memref<200x128xf32, #tpu.memory_space<vmem>>, %arg17: memref<!tpu.dma_semaphore, #tpu.memory_space<semaphore_mem>>, %arg18: memref<!tpu.dma_semaphore, #tpu.memory_space<semaphore_mem>>, %arg19: memref<!tpu.dma_semaphore, #tpu.memory_space<semaphore_mem>>, %arg20: memref<!tpu.dma_semaphore, #tpu.memory_space<semaphore_mem>>, %arg21: memref<!tpu.dma_semaphore, #tpu.memory_space<semaphore_mem>>, %arg22: memref<!tpu.dma_semaphore, #tpu.memory_space<semaphore_mem>>, %arg23: memref<!tpu.dma_semaphore, #tpu.memory_space<semaphore_mem>>, %arg24: memref<!tpu.dma_semaphore, #tpu.memory_space<semaphore_mem>>) attributes {dimension_semantics = [#tpu.dimension_semantics<core_parallel>, #tpu.dimension_semantics<subcore_parallel>], iteration_bounds = array<i64: 2, 16>, scalar_prefetch = 0 : i64, scratch_operands = 14 : i64, tpu.core_type = #tpu.core_type<sc_vector_subcore>, window_params = [{transform_indices = #map}, {transform_indices = #map}, {transform_indices = #map1}, {transform_indices = #map}, {transform_indices = #map}, {transform_indices = #map}, {transform_indices = #map2}, {transform_indices = #map2}, {transform_indices = #map2}]} {
    %mul3A = arith.constant 2 : i32
    %mul3A_0 = arith.muli %arg1, %mul3A : i32
    %add3A = arith.addi %mul3A_0, %arg0 : i32
    %mul3A_1 = arith.constant 128 : i32
    %mul3A_2 = arith.muli %add3A, %mul3A_1 : i32
    "tpu.region"() ({
      %run_scoped3A = tpu.sem_alloc : memref<!tpu.dma_semaphore, #tpu.memory_space<semaphore_mem>>
      %dma_start3A_736 = arith.constant 0 : i32
      %dma_start3A_737 = arith.constant 0 : i32
      %dma_start3A_738 = tpu.memref_slice %arg11[%dma_start3A_736, %dma_start3A_737] : memref<70x128xi32, #tpu.memory_space<vmem>> -> memref<20x128xi32, #tpu.memory_space<vmem>>
      %dma_start3A_739 = arith.constant 0 : i32
      %dma_start3A_740 = tpu.memref_slice %arg2[%dma_start3A_739, %mul3A_2] : memref<20x4096xi32, #tpu.memory_space<hbm>> -> memref<20x128xi32, #tpu.memory_space<hbm>>
      %dma_start3A_741 = arith.constant 0 : i32
      %dma_start3A_742 = arith.constant 0 : i32
      %dma_start3A_743 = tpu.memref_slice %arg11[%dma_start3A_741, %dma_start3A_742] : memref<70x128xi32, #tpu.memory_space<vmem>> -> memref<20x128xi32, #tpu.memory_space<vmem>>
      %dma_start3A_744 = arith.constant 0 : i32
      %dma_start3A_745 = tpu.memref_slice %arg2[%dma_start3A_744, %mul3A_2] : memref<20x4096xi32, #tpu.memory_space<hbm>> -> memref<20x128xi32, #tpu.memory_space<hbm>>
      tpu.enqueue_dma source(%dma_start3A_745 : memref<20x128xi32, #tpu.memory_space<hbm>>) target(%dma_start3A_743 : memref<20x128xi32, #tpu.memory_space<vmem>>) target_semaphore(%run_scoped3A : memref<!tpu.dma_semaphore, #tpu.memory_space<semaphore_mem>>)
      %dma_wait3A_746 = arith.constant 0 : i32
      %dma_wait3A_747 = arith.constant 0 : i32
      %dma_wait3A_748 = tpu.memref_slice %arg11[%dma_wait3A_746, %dma_wait3A_747] : memref<70x128xi32, #tpu.memory_space<vmem>> -> memref<20x128xi32, #tpu.memory_space<vmem>>
      %dma_wait3A_749 = arith.constant 0 : i32
      %dma_wait3A_750 = tpu.memref_slice %arg2[%dma_wait3A_749, %mul3A_2] : memref<20x4096xi32, #tpu.memory_space<hbm>> -> memref<20x128xi32, #tpu.memory_space<hbm>>
      %dma_wait3A_751 = arith.constant 0 : i32
      %dma_wait3A_752 = arith.constant 0 : i32
      %dma_wait3A_753 = tpu.memref_slice %arg11[%dma_wait3A_751, %dma_wait3A_752] : memref<70x128xi32, #tpu.memory_space<vmem>> -> memref<20x128xi32, #tpu.memory_space<vmem>>
      %dma_wait3A_754 = arith.constant 0 : i32
      %dma_wait3A_755 = tpu.memref_slice %arg2[%dma_wait3A_754, %mul3A_2] : memref<20x4096xi32, #tpu.memory_space<hbm>> -> memref<20x128xi32, #tpu.memory_space<hbm>>
      tpu.wait_dma2 semaphore(%run_scoped3A : memref<!tpu.dma_semaphore, #tpu.memory_space<semaphore_mem>>) src(%dma_wait3A_755 : memref<20x128xi32, #tpu.memory_space<hbm>>) dst(%dma_wait3A_753 : memref<20x128xi32, #tpu.memory_space<vmem>>)
      tpu.yield
    }) : () -> ()
    "tpu.region"() ({
      %run_scoped3A = tpu.sem_alloc : memref<!tpu.dma_semaphore, #tpu.memory_space<semaphore_mem>>
      %dma_start3A_736 = arith.constant 20 : i32
      %dma_start3A_737 = arith.constant 0 : i32
      %dma_start3A_738 = tpu.memref_slice %arg11[%dma_start3A_736, %dma_start3A_737] : memref<70x128xi32, #tpu.memory_space<vmem>> -> memref<50x128xi32, #tpu.memory_space<vmem>>
      %dma_start3A_739 = arith.constant 0 : i32
      %dma_start3A_740 = tpu.memref_slice %arg3[%dma_start3A_739, %mul3A_2] : memref<50x4096xi32, #tpu.memory_space<hbm>> -> memref<50x128xi32, #tpu.memory_space<hbm>>
      %dma_start3A_741 = arith.constant 20 : i32
      %dma_start3A_742 = arith.constant 0 : i32
      %dma_start3A_743 = tpu.memref_slice %arg11[%dma_start3A_741, %dma_start3A_742] : memref<70x128xi32, #tpu.memory_space<vmem>> -> memref<50x128xi32, #tpu.memory_space<vmem>>
      %dma_start3A_744 = arith.constant 0 : i32
      %dma_start3A_745 = tpu.memref_slice %arg3[%dma_start3A_744, %mul3A_2] : memref<50x4096xi32, #tpu.memory_space<hbm>> -> memref<50x128xi32, #tpu.memory_space<hbm>>
      tpu.enqueue_dma source(%dma_start3A_745 : memref<50x128xi32, #tpu.memory_space<hbm>>) target(%dma_start3A_743 : memref<50x128xi32, #tpu.memory_space<vmem>>) target_semaphore(%run_scoped3A : memref<!tpu.dma_semaphore, #tpu.memory_space<semaphore_mem>>)
      %dma_wait3A_746 = arith.constant 20 : i32
      %dma_wait3A_747 = arith.constant 0 : i32
      %dma_wait3A_748 = tpu.memref_slice %arg11[%dma_wait3A_746, %dma_wait3A_747] : memref<70x128xi32, #tpu.memory_space<vmem>> -> memref<50x128xi32, #tpu.memory_space<vmem>>
      %dma_wait3A_749 = arith.constant 0 : i32
      %dma_wait3A_750 = tpu.memref_slice %arg3[%dma_wait3A_749, %mul3A_2] : memref<50x4096xi32, #tpu.memory_space<hbm>> -> memref<50x128xi32, #tpu.memory_space<hbm>>
      %dma_wait3A_751 = arith.constant 20 : i32
      %dma_wait3A_752 = arith.constant 0 : i32
      %dma_wait3A_753 = tpu.memref_slice %arg11[%dma_wait3A_751, %dma_wait3A_752] : memref<70x128xi32, #tpu.memory_space<vmem>> -> memref<50x128xi32, #tpu.memory_space<vmem>>
      %dma_wait3A_754 = arith.constant 0 : i32
      %dma_wait3A_755 = tpu.memref_slice %arg3[%dma_wait3A_754, %mul3A_2] : memref<50x4096xi32, #tpu.memory_space<hbm>> -> memref<50x128xi32, #tpu.memory_space<hbm>>
      tpu.wait_dma2 semaphore(%run_scoped3A : memref<!tpu.dma_semaphore, #tpu.memory_space<semaphore_mem>>) src(%dma_wait3A_755 : memref<50x128xi32, #tpu.memory_space<hbm>>) dst(%dma_wait3A_753 : memref<50x128xi32, #tpu.memory_space<vmem>>)
      tpu.yield
    }) : () -> ()
    %dma_start3A = arith.constant 0 : i32
    %dma_start3A_3 = arith.constant 0 : i32
    %dma_start3A_4 = arith.constant 0 : i32
    %dma_start3A_5 = tpu.memref_slice %arg13[%dma_start3A_3, %dma_start3A_4] : memref<200x128xf32, #tpu.memory_space<vmem>> -> memref<128x128xf32, #tpu.memory_space<vmem>>
    %dma_start3A_6 = arith.constant 0 : i32
    %dma_start3A_7 = tpu.memref_slice %arg11[%dma_start3A, %dma_start3A_6] : memref<70x128xi32, #tpu.memory_space<vmem>> -> memref<1x128xi32, #tpu.memory_space<vmem>>
    %dma_start3A_8 = tpu.memref_squeeze %dma_start3A_7 : memref<1x128xi32, #tpu.memory_space<vmem>> -> memref<128xi32, #tpu.memory_space<vmem>>
    %dma_start3A_9 = arith.constant 0 : i32
    %dma_start3A_10 = arith.constant 0 : i32
    %dma_start3A_11 = tpu.memref_slice %arg5[%dma_start3A_9, %dma_start3A_10] : memref<100000x128xf32, #tpu.memory_space<hbm>> -> memref<100000x128xf32, #tpu.memory_space<hbm>>
    tpu.enqueue_indirect_dma source(%dma_start3A_11 : memref<100000x128xf32, #tpu.memory_space<hbm>>) target(%dma_start3A_5 : memref<128x128xf32, #tpu.memory_space<vmem>>) offsets(%dma_start3A_8 : memref<128xi32, #tpu.memory_space<vmem>>) semaphore(%arg17 : memref<!tpu.dma_semaphore, #tpu.memory_space<semaphore_mem>>)
    %dma_start3A_12 = arith.constant 1 : i32
    %dma_start3A_13 = arith.constant 0 : i32
    %dma_start3A_14 = arith.constant 0 : i32
    %dma_start3A_15 = tpu.memref_slice %arg14[%dma_start3A_13, %dma_start3A_14] : memref<200x128xf32, #tpu.memory_space<vmem>> -> memref<128x128xf32, #tpu.memory_space<vmem>>
    %dma_start3A_16 = arith.constant 0 : i32
    %dma_start3A_17 = tpu.memref_slice %arg11[%dma_start3A_12, %dma_start3A_16] : memref<70x128xi32, #tpu.memory_space<vmem>> -> memref<1x128xi32, #tpu.memory_space<vmem>>
    %dma_start3A_18 = tpu.memref_squeeze %dma_start3A_17 : memref<1x128xi32, #tpu.memory_space<vmem>> -> memref<128xi32, #tpu.memory_space<vmem>>
    %dma_start3A_19 = arith.constant 0 : i32
    %dma_start3A_20 = arith.constant 0 : i32
    %dma_start3A_21 = tpu.memref_slice %arg5[%dma_start3A_19, %dma_start3A_20] : memref<100000x128xf32, #tpu.memory_space<hbm>> -> memref<100000x128xf32, #tpu.memory_space<hbm>>
    tpu.enqueue_indirect_dma source(%dma_start3A_21 : memref<100000x128xf32, #tpu.memory_space<hbm>>) target(%dma_start3A_15 : memref<128x128xf32, #tpu.memory_space<vmem>>) offsets(%dma_start3A_18 : memref<128xi32, #tpu.memory_space<vmem>>) semaphore(%arg18 : memref<!tpu.dma_semaphore, #tpu.memory_space<semaphore_mem>>)
    %dma_start3A_22 = arith.constant 2 : i32
    %dma_start3A_23 = arith.constant 0 : i32
    %dma_start3A_24 = arith.constant 0 : i32
    %dma_start3A_25 = tpu.memref_slice %arg15[%dma_start3A_23, %dma_start3A_24] : memref<200x128xf32, #tpu.memory_space<vmem>> -> memref<128x128xf32, #tpu.memory_space<vmem>>
    %dma_start3A_26 = arith.constant 0 : i32
    %dma_start3A_27 = tpu.memref_slice %arg11[%dma_start3A_22, %dma_start3A_26] : memref<70x128xi32, #tpu.memory_space<vmem>> -> memref<1x128xi32, #tpu.memory_space<vmem>>
    %dma_start3A_28 = tpu.memref_squeeze %dma_start3A_27 : memref<1x128xi32, #tpu.memory_space<vmem>> -> memref<128xi32, #tpu.memory_space<vmem>>
    %dma_start3A_29 = arith.constant 0 : i32
    %dma_start3A_30 = arith.constant 0 : i32
    %dma_start3A_31 = tpu.memref_slice %arg5[%dma_start3A_29, %dma_start3A_30] : memref<100000x128xf32, #tpu.memory_space<hbm>> -> memref<100000x128xf32, #tpu.memory_space<hbm>>
    tpu.enqueue_indirect_dma source(%dma_start3A_31 : memref<100000x128xf32, #tpu.memory_space<hbm>>) target(%dma_start3A_25 : memref<128x128xf32, #tpu.memory_space<vmem>>) offsets(%dma_start3A_28 : memref<128xi32, #tpu.memory_space<vmem>>) semaphore(%arg19 : memref<!tpu.dma_semaphore, #tpu.memory_space<semaphore_mem>>)
    %dma_wait3A = arith.constant 0 : i32
    %dma_wait3A_32 = arith.constant 0 : i32
    %dma_wait3A_33 = arith.constant 0 : i32
    %dma_wait3A_34 = tpu.memref_slice %arg13[%dma_wait3A_32, %dma_wait3A_33] : memref<200x128xf32, #tpu.memory_space<vmem>> -> memref<128x128xf32, #tpu.memory_space<vmem>>
    %dma_wait3A_35 = arith.constant 0 : i32
    %dma_wait3A_36 = tpu.memref_slice %arg11[%dma_wait3A, %dma_wait3A_35] : memref<70x128xi32, #tpu.memory_space<vmem>> -> memref<1x128xi32, #tpu.memory_space<vmem>>
    %dma_wait3A_37 = tpu.memref_squeeze %dma_wait3A_36 : memref<1x128xi32, #tpu.memory_space<vmem>> -> memref<128xi32, #tpu.memory_space<vmem>>
    %dma_wait3A_38 = arith.constant 0 : i32
    %dma_wait3A_39 = arith.constant 0 : i32
    %dma_wait3A_40 = tpu.memref_slice %arg5[%dma_wait3A_38, %dma_wait3A_39] : memref<100000x128xf32, #tpu.memory_space<hbm>> -> memref<100000x128xf32, #tpu.memory_space<hbm>>
    tpu.wait_indirect_dma semaphore(%arg17 : memref<!tpu.dma_semaphore, #tpu.memory_space<semaphore_mem>>) src(%dma_wait3A_40 : memref<100000x128xf32, #tpu.memory_space<hbm>>) dst(%dma_wait3A_34 : memref<128x128xf32, #tpu.memory_space<vmem>>)
    %dma_start3A_41 = arith.constant 0 : i32
    %dma_start3A_42 = arith.constant 0 : i32
    %dma_start3A_43 = arith.constant 0 : i32
    %dma_start3A_44 = tpu.memref_slice %arg13[%dma_start3A_42, %dma_start3A_43] : memref<200x128xf32, #tpu.memory_space<vmem>> -> memref<128x128xf32, #tpu.memory_space<vmem>>
    %dma_start3A_45 = arith.constant 0 : i32
    %dma_start3A_46 = tpu.memref_slice %arg8[%dma_start3A_41, %mul3A_2, %dma_start3A_45] : memref<20x4096x128xf32, #tpu.memory_space<hbm>> -> memref<1x128x128xf32, #tpu.memory_space<hbm>>
    %dma_start3A_47 = tpu.memref_squeeze %dma_start3A_46 : memref<1x128x128xf32, #tpu.memory_space<hbm>> -> memref<128x128xf32, #tpu.memory_space<hbm>>
    %dma_start3A_48 = arith.constant 0 : i32
    %dma_start3A_49 = tpu.memref_slice %arg8[%dma_start3A_41, %mul3A_2, %dma_start3A_48] : memref<20x4096x128xf32, #tpu.memory_space<hbm>> -> memref<1x128x128xf32, #tpu.memory_space<hbm>>
    %dma_start3A_50 = tpu.memref_squeeze %dma_start3A_49 : memref<1x128x128xf32, #tpu.memory_space<hbm>> -> memref<128x128xf32, #tpu.memory_space<hbm>>
    %dma_start3A_51 = arith.constant 0 : i32
    %dma_start3A_52 = arith.constant 0 : i32
    %dma_start3A_53 = tpu.memref_slice %arg13[%dma_start3A_51, %dma_start3A_52] : memref<200x128xf32, #tpu.memory_space<vmem>> -> memref<128x128xf32, #tpu.memory_space<vmem>>
    tpu.enqueue_dma source(%dma_start3A_53 : memref<128x128xf32, #tpu.memory_space<vmem>>) target(%dma_start3A_50 : memref<128x128xf32, #tpu.memory_space<hbm>>) target_semaphore(%arg21 : memref<!tpu.dma_semaphore, #tpu.memory_space<semaphore_mem>>)
    %dma_start3A_54 = arith.constant 3 : i32
    %dma_start3A_55 = arith.constant 0 : i32
    %dma_start3A_56 = arith.constant 0 : i32
    %dma_start3A_57 = tpu.memref_slice %arg16[%dma_start3A_55, %dma_start3A_56] : memref<200x128xf32, #tpu.memory_space<vmem>> -> memref<128x128xf32, #tpu.memory_space<vmem>>
    %dma_start3A_58 = arith.constant 0 : i32
    %dma_start3A_59 = tpu.memref_slice %arg11[%dma_start3A_54, %dma_start3A_58] : memref<70x128xi32, #tpu.memory_space<vmem>> -> memref<1x128xi32, #tpu.memory_space<vmem>>
    %dma_start3A_60 = tpu.memref_squeeze %dma_start3A_59 : memref<1x128xi32, #tpu.memory_space<vmem>> -> memref<128xi32, #tpu.memory_space<vmem>>
    %dma_start3A_61 = arith.constant 0 : i32
    %dma_start3A_62 = arith.constant 0 : i32
    %dma_start3A_63 = tpu.memref_slice %arg5[%dma_start3A_61, %dma_start3A_62] : memref<100000x128xf32, #tpu.memory_space<hbm>> -> memref<100000x128xf32, #tpu.memory_space<hbm>>
    tpu.enqueue_indirect_dma source(%dma_start3A_63 : memref<100000x128xf32, #tpu.memory_space<hbm>>) target(%dma_start3A_57 : memref<128x128xf32, #tpu.memory_space<vmem>>) offsets(%dma_start3A_60 : memref<128xi32, #tpu.memory_space<vmem>>) semaphore(%arg20 : memref<!tpu.dma_semaphore, #tpu.memory_space<semaphore_mem>>)
    %scan3A = arith.constant 0 : i32
    %scan3A_64 = arith.constant 0 : i32
    %scan3A_65 = arith.constant 4 : i32
    %scan3A_66 = arith.addi %scan3A_64, %scan3A_65 : i32
    %scan3A_67 = arith.constant 1 : i32
    %scan3A_68 = scf.for %scan3A_736 = %scan3A_64 to %scan3A_66 step %scan3A_67 iter_args(%scan3A_737 = %scan3A) -> (i32)  : i32 {
      %mul3A_738 = arith.constant 4 : i32
      %mul3A_739 = arith.muli %scan3A_736, %mul3A_738 : i32
      %add3A_740 = arith.constant 1 : i32
      %add3A_741 = arith.addi %add3A_740, %mul3A_739 : i32
      %add3A_742 = arith.constant 0 : i32
      %add3A_743 = arith.addi %add3A_741, %add3A_742 : i32
      %dma_wait3A_744 = arith.constant 0 : i32
      %dma_wait3A_745 = arith.constant 0 : i32
      %dma_wait3A_746 = arith.constant 0 : i32
      %dma_wait3A_747 = tpu.memref_slice %arg14[%dma_wait3A_745, %dma_wait3A_746] : memref<200x128xf32, #tpu.memory_space<vmem>> -> memref<128x128xf32, #tpu.memory_space<vmem>>
      %dma_wait3A_748 = arith.constant 0 : i32
      %dma_wait3A_749 = tpu.memref_slice %arg11[%dma_wait3A_744, %dma_wait3A_748] : memref<70x128xi32, #tpu.memory_space<vmem>> -> memref<1x128xi32, #tpu.memory_space<vmem>>
      %dma_wait3A_750 = tpu.memref_squeeze %dma_wait3A_749 : memref<1x128xi32, #tpu.memory_space<vmem>> -> memref<128xi32, #tpu.memory_space<vmem>>
      %dma_wait3A_751 = arith.constant 0 : i32
      %dma_wait3A_752 = arith.constant 0 : i32
      %dma_wait3A_753 = tpu.memref_slice %arg5[%dma_wait3A_751, %dma_wait3A_752] : memref<100000x128xf32, #tpu.memory_space<hbm>> -> memref<100000x128xf32, #tpu.memory_space<hbm>>
      tpu.wait_indirect_dma semaphore(%arg18 : memref<!tpu.dma_semaphore, #tpu.memory_space<semaphore_mem>>) src(%dma_wait3A_753 : memref<100000x128xf32, #tpu.memory_space<hbm>>) dst(%dma_wait3A_747 : memref<128x128xf32, #tpu.memory_space<vmem>>)
      %dma_start3A_754 = arith.constant 0 : i32
      %dma_start3A_755 = arith.constant 0 : i32
      %dma_start3A_756 = tpu.memref_slice %arg14[%dma_start3A_754, %dma_start3A_755] : memref<200x128xf32, #tpu.memory_space<vmem>> -> memref<128x128xf32, #tpu.memory_space<vmem>>
      %dma_start3A_757 = arith.constant 0 : i32
      %dma_start3A_758 = tpu.memref_slice %arg8[%add3A_743, %mul3A_2, %dma_start3A_757] : memref<20x4096x128xf32, #tpu.memory_space<hbm>> -> memref<1x128x128xf32, #tpu.memory_space<hbm>>
      %dma_start3A_759 = tpu.memref_squeeze %dma_start3A_758 : memref<1x128x128xf32, #tpu.memory_space<hbm>> -> memref<128x128xf32, #tpu.memory_space<hbm>>
      %dma_start3A_760 = arith.constant 0 : i32
      %dma_start3A_761 = tpu.memref_slice %arg8[%add3A_743, %mul3A_2, %dma_start3A_760] : memref<20x4096x128xf32, #tpu.memory_space<hbm>> -> memref<1x128x128xf32, #tpu.memory_space<hbm>>
      %dma_start3A_762 = tpu.memref_squeeze %dma_start3A_761 : memref<1x128x128xf32, #tpu.memory_space<hbm>> -> memref<128x128xf32, #tpu.memory_space<hbm>>
      %dma_start3A_763 = arith.constant 0 : i32
      %dma_start3A_764 = arith.constant 0 : i32
      %dma_start3A_765 = tpu.memref_slice %arg14[%dma_start3A_763, %dma_start3A_764] : memref<200x128xf32, #tpu.memory_space<vmem>> -> memref<128x128xf32, #tpu.memory_space<vmem>>
      tpu.enqueue_dma source(%dma_start3A_765 : memref<128x128xf32, #tpu.memory_space<vmem>>) target(%dma_start3A_762 : memref<128x128xf32, #tpu.memory_space<hbm>>) target_semaphore(%arg22 : memref<!tpu.dma_semaphore, #tpu.memory_space<semaphore_mem>>)
      %dma_wait3A_766 = arith.constant 0 : i32
      %dma_wait3A_767 = arith.constant 0 : i32
      %dma_wait3A_768 = arith.constant 0 : i32
      %dma_wait3A_769 = tpu.memref_slice %arg13[%dma_wait3A_767, %dma_wait3A_768] : memref<200x128xf32, #tpu.memory_space<vmem>> -> memref<128x128xf32, #tpu.memory_space<vmem>>
      %dma_wait3A_770 = arith.constant 0 : i32
      %dma_wait3A_771 = tpu.memref_slice %arg8[%dma_wait3A_766, %mul3A_2, %dma_wait3A_770] : memref<20x4096x128xf32, #tpu.memory_space<hbm>> -> memref<1x128x128xf32, #tpu.memory_space<hbm>>
      %dma_wait3A_772 = tpu.memref_squeeze %dma_wait3A_771 : memref<1x128x128xf32, #tpu.memory_space<hbm>> -> memref<128x128xf32, #tpu.memory_space<hbm>>
      %dma_wait3A_773 = arith.constant 0 : i32
      %dma_wait3A_774 = tpu.memref_slice %arg8[%dma_wait3A_766, %mul3A_2, %dma_wait3A_773] : memref<20x4096x128xf32, #tpu.memory_space<hbm>> -> memref<1x128x128xf32, #tpu.memory_space<hbm>>
      %dma_wait3A_775 = tpu.memref_squeeze %dma_wait3A_774 : memref<1x128x128xf32, #tpu.memory_space<hbm>> -> memref<128x128xf32, #tpu.memory_space<hbm>>
      %dma_wait3A_776 = arith.constant 0 : i32
      %dma_wait3A_777 = arith.constant 0 : i32
      %dma_wait3A_778 = tpu.memref_slice %arg13[%dma_wait3A_776, %dma_wait3A_777] : memref<200x128xf32, #tpu.memory_space<vmem>> -> memref<128x128xf32, #tpu.memory_space<vmem>>
      tpu.wait_dma2 semaphore(%arg21 : memref<!tpu.dma_semaphore, #tpu.memory_space<semaphore_mem>>) src(%dma_wait3A_778 : memref<128x128xf32, #tpu.memory_space<vmem>>) dst(%dma_wait3A_775 : memref<128x128xf32, #tpu.memory_space<hbm>>)
      %add3A_779 = arith.constant 4 : i32
      %add3A_780 = arith.addi %add3A_743, %add3A_779 : i32
      %sub3A = arith.constant 1 : i32
      %sub3A_781 = arith.subi %add3A_780, %sub3A : i32
      %add3A_782 = arith.constant 0 : i32
      %add3A_783 = arith.addi %add3A_782, %sub3A_781 : i32
      %dma_start3A_784 = arith.constant 0 : i32
      %dma_start3A_785 = arith.constant 0 : i32
      %dma_start3A_786 = tpu.memref_slice %arg13[%dma_start3A_784, %dma_start3A_785] : memref<200x128xf32, #tpu.memory_space<vmem>> -> memref<128x128xf32, #tpu.memory_space<vmem>>
      %dma_start3A_787 = arith.constant 0 : i32
      %dma_start3A_788 = tpu.memref_slice %arg11[%add3A_783, %dma_start3A_787] : memref<70x128xi32, #tpu.memory_space<vmem>> -> memref<1x128xi32, #tpu.memory_space<vmem>>
      %dma_start3A_789 = tpu.memref_squeeze %dma_start3A_788 : memref<1x128xi32, #tpu.memory_space<vmem>> -> memref<128xi32, #tpu.memory_space<vmem>>
      %dma_start3A_790 = arith.constant 0 : i32
      %dma_start3A_791 = arith.constant 0 : i32
      %dma_start3A_792 = tpu.memref_slice %arg5[%dma_start3A_790, %dma_start3A_791] : memref<100000x128xf32, #tpu.memory_space<hbm>> -> memref<100000x128xf32, #tpu.memory_space<hbm>>
      tpu.enqueue_indirect_dma source(%dma_start3A_792 : memref<100000x128xf32, #tpu.memory_space<hbm>>) target(%dma_start3A_786 : memref<128x128xf32, #tpu.memory_space<vmem>>) offsets(%dma_start3A_789 : memref<128xi32, #tpu.memory_space<vmem>>) semaphore(%arg17 : memref<!tpu.dma_semaphore, #tpu.memory_space<semaphore_mem>>)
      %mul3A_793 = arith.constant 4 : i32
      %mul3A_794 = arith.muli %scan3A_736, %mul3A_793 : i32
      %add3A_795 = arith.constant 1 : i32
      %add3A_796 = arith.addi %add3A_795, %mul3A_794 : i32
      %add3A_797 = arith.constant 1 : i32
      %add3A_798 = arith.addi %add3A_796, %add3A_797 : i32
      %dma_wait3A_799 = arith.constant 0 : i32
      %dma_wait3A_800 = arith.constant 0 : i32
      %dma_wait3A_801 = arith.constant 0 : i32
      %dma_wait3A_802 = tpu.memref_slice %arg15[%dma_wait3A_800, %dma_wait3A_801] : memref<200x128xf32, #tpu.memory_space<vmem>> -> memref<128x128xf32, #tpu.memory_space<vmem>>
      %dma_wait3A_803 = arith.constant 0 : i32
      %dma_wait3A_804 = tpu.memref_slice %arg11[%dma_wait3A_799, %dma_wait3A_803] : memref<70x128xi32, #tpu.memory_space<vmem>> -> memref<1x128xi32, #tpu.memory_space<vmem>>
      %dma_wait3A_805 = tpu.memref_squeeze %dma_wait3A_804 : memref<1x128xi32, #tpu.memory_space<vmem>> -> memref<128xi32, #tpu.memory_space<vmem>>
      %dma_wait3A_806 = arith.constant 0 : i32
      %dma_wait3A_807 = arith.constant 0 : i32
      %dma_wait3A_808 = tpu.memref_slice %arg5[%dma_wait3A_806, %dma_wait3A_807] : memref<100000x128xf32, #tpu.memory_space<hbm>> -> memref<100000x128xf32, #tpu.memory_space<hbm>>
      tpu.wait_indirect_dma semaphore(%arg19 : memref<!tpu.dma_semaphore, #tpu.memory_space<semaphore_mem>>) src(%dma_wait3A_808 : memref<100000x128xf32, #tpu.memory_space<hbm>>) dst(%dma_wait3A_802 : memref<128x128xf32, #tpu.memory_space<vmem>>)
      %dma_start3A_809 = arith.constant 0 : i32
      %dma_start3A_810 = arith.constant 0 : i32
      %dma_start3A_811 = tpu.memref_slice %arg15[%dma_start3A_809, %dma_start3A_810] : memref<200x128xf32, #tpu.memory_space<vmem>> -> memref<128x128xf32, #tpu.memory_space<vmem>>
      %dma_start3A_812 = arith.constant 0 : i32
      %dma_start3A_813 = tpu.memref_slice %arg8[%add3A_798, %mul3A_2, %dma_start3A_812] : memref<20x4096x128xf32, #tpu.memory_space<hbm>> -> memref<1x128x128xf32, #tpu.memory_space<hbm>>
      %dma_start3A_814 = tpu.memref_squeeze %dma_start3A_813 : memref<1x128x128xf32, #tpu.memory_space<hbm>> -> memref<128x128xf32, #tpu.memory_space<hbm>>
      %dma_start3A_815 = arith.constant 0 : i32
      %dma_start3A_816 = tpu.memref_slice %arg8[%add3A_798, %mul3A_2, %dma_start3A_815] : memref<20x4096x128xf32, #tpu.memory_space<hbm>> -> memref<1x128x128xf32, #tpu.memory_space<hbm>>
      %dma_start3A_817 = tpu.memref_squeeze %dma_start3A_816 : memref<1x128x128xf32, #tpu.memory_space<hbm>> -> memref<128x128xf32, #tpu.memory_space<hbm>>
      %dma_start3A_818 = arith.constant 0 : i32
      %dma_start3A_819 = arith.constant 0 : i32
      %dma_start3A_820 = tpu.memref_slice %arg15[%dma_start3A_818, %dma_start3A_819] : memref<200x128xf32, #tpu.memory_space<vmem>> -> memref<128x128xf32, #tpu.memory_space<vmem>>
      tpu.enqueue_dma source(%dma_start3A_820 : memref<128x128xf32, #tpu.memory_space<vmem>>) target(%dma_start3A_817 : memref<128x128xf32, #tpu.memory_space<hbm>>) target_semaphore(%arg23 : memref<!tpu.dma_semaphore, #tpu.memory_space<semaphore_mem>>)
      %dma_wait3A_821 = arith.constant 0 : i32
      %dma_wait3A_822 = arith.constant 0 : i32
      %dma_wait3A_823 = arith.constant 0 : i32
      %dma_wait3A_824 = tpu.memref_slice %arg14[%dma_wait3A_822, %dma_wait3A_823] : memref<200x128xf32, #tpu.memory_space<vmem>> -> memref<128x128xf32, #tpu.memory_space<vmem>>
      %dma_wait3A_825 = arith.constant 0 : i32
      %dma_wait3A_826 = tpu.memref_slice %arg8[%dma_wait3A_821, %mul3A_2, %dma_wait3A_825] : memref<20x4096x128xf32, #tpu.memory_space<hbm>> -> memref<1x128x128xf32, #tpu.memory_space<hbm>>
      %dma_wait3A_827 = tpu.memref_squeeze %dma_wait3A_826 : memref<1x128x128xf32, #tpu.memory_space<hbm>> -> memref<128x128xf32, #tpu.memory_space<hbm>>
      %dma_wait3A_828 = arith.constant 0 : i32
      %dma_wait3A_829 = tpu.memref_slice %arg8[%dma_wait3A_821, %mul3A_2, %dma_wait3A_828] : memref<20x4096x128xf32, #tpu.memory_space<hbm>> -> memref<1x128x128xf32, #tpu.memory_space<hbm>>
      %dma_wait3A_830 = tpu.memref_squeeze %dma_wait3A_829 : memref<1x128x128xf32, #tpu.memory_space<hbm>> -> memref<128x128xf32, #tpu.memory_space<hbm>>
      %dma_wait3A_831 = arith.constant 0 : i32
      %dma_wait3A_832 = arith.constant 0 : i32
      %dma_wait3A_833 = tpu.memref_slice %arg14[%dma_wait3A_831, %dma_wait3A_832] : memref<200x128xf32, #tpu.memory_space<vmem>> -> memref<128x128xf32, #tpu.memory_space<vmem>>
      tpu.wait_dma2 semaphore(%arg22 : memref<!tpu.dma_semaphore, #tpu.memory_space<semaphore_mem>>) src(%dma_wait3A_833 : memref<128x128xf32, #tpu.memory_space<vmem>>) dst(%dma_wait3A_830 : memref<128x128xf32, #tpu.memory_space<hbm>>)
      %add3A_834 = arith.constant 4 : i32
      %add3A_835 = arith.addi %add3A_798, %add3A_834 : i32
      %sub3A_836 = arith.constant 1 : i32
      %sub3A_837 = arith.subi %add3A_835, %sub3A_836 : i32
      %add3A_838 = arith.constant 0 : i32
      %add3A_839 = arith.addi %add3A_838, %sub3A_837 : i32
      %dma_start3A_840 = arith.constant 0 : i32
      %dma_start3A_841 = arith.constant 0 : i32
      %dma_start3A_842 = tpu.memref_slice %arg14[%dma_start3A_840, %dma_start3A_841] : memref<200x128xf32, #tpu.memory_space<vmem>> -> memref<128x128xf32, #tpu.memory_space<vmem>>
      %dma_start3A_843 = arith.constant 0 : i32
      %dma_start3A_844 = tpu.memref_slice %arg11[%add3A_839, %dma_start3A_843] : memref<70x128xi32, #tpu.memory_space<vmem>> -> memref<1x128xi32, #tpu.memory_space<vmem>>
      %dma_start3A_845 = tpu.memref_squeeze %dma_start3A_844 : memref<1x128xi32, #tpu.memory_space<vmem>> -> memref<128xi32, #tpu.memory_space<vmem>>
      %dma_start3A_846 = arith.constant 0 : i32
      %dma_start3A_847 = arith.constant 0 : i32
      %dma_start3A_848 = tpu.memref_slice %arg5[%dma_start3A_846, %dma_start3A_847] : memref<100000x128xf32, #tpu.memory_space<hbm>> -> memref<100000x128xf32, #tpu.memory_space<hbm>>
      tpu.enqueue_indirect_dma source(%dma_start3A_848 : memref<100000x128xf32, #tpu.memory_space<hbm>>) target(%dma_start3A_842 : memref<128x128xf32, #tpu.memory_space<vmem>>) offsets(%dma_start3A_845 : memref<128xi32, #tpu.memory_space<vmem>>) semaphore(%arg18 : memref<!tpu.dma_semaphore, #tpu.memory_space<semaphore_mem>>)
      %mul3A_849 = arith.constant 4 : i32
      %mul3A_850 = arith.muli %scan3A_736, %mul3A_849 : i32
      %add3A_851 = arith.constant 1 : i32
      %add3A_852 = arith.addi %add3A_851, %mul3A_850 : i32
      %add3A_853 = arith.constant 2 : i32
      %add3A_854 = arith.addi %add3A_852, %add3A_853 : i32
      %dma_wait3A_855 = arith.constant 0 : i32
      %dma_wait3A_856 = arith.constant 0 : i32
      %dma_wait3A_857 = arith.constant 0 : i32
      %dma_wait3A_858 = tpu.memref_slice %arg16[%dma_wait3A_856, %dma_wait3A_857] : memref<200x128xf32, #tpu.memory_space<vmem>> -> memref<128x128xf32, #tpu.memory_space<vmem>>
      %dma_wait3A_859 = arith.constant 0 : i32
      %dma_wait3A_860 = tpu.memref_slice %arg11[%dma_wait3A_855, %dma_wait3A_859] : memref<70x128xi32, #tpu.memory_space<vmem>> -> memref<1x128xi32, #tpu.memory_space<vmem>>
      %dma_wait3A_861 = tpu.memref_squeeze %dma_wait3A_860 : memref<1x128xi32, #tpu.memory_space<vmem>> -> memref<128xi32, #tpu.memory_space<vmem>>
      %dma_wait3A_862 = arith.constant 0 : i32
      %dma_wait3A_863 = arith.constant 0 : i32
      %dma_wait3A_864 = tpu.memref_slice %arg5[%dma_wait3A_862, %dma_wait3A_863] : memref<100000x128xf32, #tpu.memory_space<hbm>> -> memref<100000x128xf32, #tpu.memory_space<hbm>>
      tpu.wait_indirect_dma semaphore(%arg20 : memref<!tpu.dma_semaphore, #tpu.memory_space<semaphore_mem>>) src(%dma_wait3A_864 : memref<100000x128xf32, #tpu.memory_space<hbm>>) dst(%dma_wait3A_858 : memref<128x128xf32, #tpu.memory_space<vmem>>)
      %dma_start3A_865 = arith.constant 0 : i32
      %dma_start3A_866 = arith.constant 0 : i32
      %dma_start3A_867 = tpu.memref_slice %arg16[%dma_start3A_865, %dma_start3A_866] : memref<200x128xf32, #tpu.memory_space<vmem>> -> memref<128x128xf32, #tpu.memory_space<vmem>>
      %dma_start3A_868 = arith.constant 0 : i32
      %dma_start3A_869 = tpu.memref_slice %arg8[%add3A_854, %mul3A_2, %dma_start3A_868] : memref<20x4096x128xf32, #tpu.memory_space<hbm>> -> memref<1x128x128xf32, #tpu.memory_space<hbm>>
      %dma_start3A_870 = tpu.memref_squeeze %dma_start3A_869 : memref<1x128x128xf32, #tpu.memory_space<hbm>> -> memref<128x128xf32, #tpu.memory_space<hbm>>
      %dma_start3A_871 = arith.constant 0 : i32
      %dma_start3A_872 = tpu.memref_slice %arg8[%add3A_854, %mul3A_2, %dma_start3A_871] : memref<20x4096x128xf32, #tpu.memory_space<hbm>> -> memref<1x128x128xf32, #tpu.memory_space<hbm>>
      %dma_start3A_873 = tpu.memref_squeeze %dma_start3A_872 : memref<1x128x128xf32, #tpu.memory_space<hbm>> -> memref<128x128xf32, #tpu.memory_space<hbm>>
      %dma_start3A_874 = arith.constant 0 : i32
      %dma_start3A_875 = arith.constant 0 : i32
      %dma_start3A_876 = tpu.memref_slice %arg16[%dma_start3A_874, %dma_start3A_875] : memref<200x128xf32, #tpu.memory_space<vmem>> -> memref<128x128xf32, #tpu.memory_space<vmem>>
      tpu.enqueue_dma source(%dma_start3A_876 : memref<128x128xf32, #tpu.memory_space<vmem>>) target(%dma_start3A_873 : memref<128x128xf32, #tpu.memory_space<hbm>>) target_semaphore(%arg24 : memref<!tpu.dma_semaphore, #tpu.memory_space<semaphore_mem>>)
      %dma_wait3A_877 = arith.constant 0 : i32
      %dma_wait3A_878 = arith.constant 0 : i32
      %dma_wait3A_879 = arith.constant 0 : i32
      %dma_wait3A_880 = tpu.memref_slice %arg15[%dma_wait3A_878, %dma_wait3A_879] : memref<200x128xf32, #tpu.memory_space<vmem>> -> memref<128x128xf32, #tpu.memory_space<vmem>>
      %dma_wait3A_881 = arith.constant 0 : i32
      %dma_wait3A_882 = tpu.memref_slice %arg8[%dma_wait3A_877, %mul3A_2, %dma_wait3A_881] : memref<20x4096x128xf32, #tpu.memory_space<hbm>> -> memref<1x128x128xf32, #tpu.memory_space<hbm>>
      %dma_wait3A_883 = tpu.memref_squeeze %dma_wait3A_882 : memref<1x128x128xf32, #tpu.memory_space<hbm>> -> memref<128x128xf32, #tpu.memory_space<hbm>>
      %dma_wait3A_884 = arith.constant 0 : i32
      %dma_wait3A_885 = tpu.memref_slice %arg8[%dma_wait3A_877, %mul3A_2, %dma_wait3A_884] : memref<20x4096x128xf32, #tpu.memory_space<hbm>> -> memref<1x128x128xf32, #tpu.memory_space<hbm>>
      %dma_wait3A_886 = tpu.memref_squeeze %dma_wait3A_885 : memref<1x128x128xf32, #tpu.memory_space<hbm>> -> memref<128x128xf32, #tpu.memory_space<hbm>>
      %dma_wait3A_887 = arith.constant 0 : i32
      %dma_wait3A_888 = arith.constant 0 : i32
      %dma_wait3A_889 = tpu.memref_slice %arg15[%dma_wait3A_887, %dma_wait3A_888] : memref<200x128xf32, #tpu.memory_space<vmem>> -> memref<128x128xf32, #tpu.memory_space<vmem>>
      tpu.wait_dma2 semaphore(%arg23 : memref<!tpu.dma_semaphore, #tpu.memory_space<semaphore_mem>>) src(%dma_wait3A_889 : memref<128x128xf32, #tpu.memory_space<vmem>>) dst(%dma_wait3A_886 : memref<128x128xf32, #tpu.memory_space<hbm>>)
      %add3A_890 = arith.constant 4 : i32
      %add3A_891 = arith.addi %add3A_854, %add3A_890 : i32
      %sub3A_892 = arith.constant 1 : i32
      %sub3A_893 = arith.subi %add3A_891, %sub3A_892 : i32
      %add3A_894 = arith.constant 0 : i32
      %add3A_895 = arith.addi %add3A_894, %sub3A_893 : i32
      %dma_start3A_896 = arith.constant 0 : i32
      %dma_start3A_897 = arith.constant 0 : i32
      %dma_start3A_898 = tpu.memref_slice %arg15[%dma_start3A_896, %dma_start3A_897] : memref<200x128xf32, #tpu.memory_space<vmem>> -> memref<128x128xf32, #tpu.memory_space<vmem>>
      %dma_start3A_899 = arith.constant 0 : i32
      %dma_start3A_900 = tpu.memref_slice %arg11[%add3A_895, %dma_start3A_899] : memref<70x128xi32, #tpu.memory_space<vmem>> -> memref<1x128xi32, #tpu.memory_space<vmem>>
      %dma_start3A_901 = tpu.memref_squeeze %dma_start3A_900 : memref<1x128xi32, #tpu.memory_space<vmem>> -> memref<128xi32, #tpu.memory_space<vmem>>
      %dma_start3A_902 = arith.constant 0 : i32
      %dma_start3A_903 = arith.constant 0 : i32
      %dma_start3A_904 = tpu.memref_slice %arg5[%dma_start3A_902, %dma_start3A_903] : memref<100000x128xf32, #tpu.memory_space<hbm>> -> memref<100000x128xf32, #tpu.memory_space<hbm>>
      tpu.enqueue_indirect_dma source(%dma_start3A_904 : memref<100000x128xf32, #tpu.memory_space<hbm>>) target(%dma_start3A_898 : memref<128x128xf32, #tpu.memory_space<vmem>>) offsets(%dma_start3A_901 : memref<128xi32, #tpu.memory_space<vmem>>) semaphore(%arg19 : memref<!tpu.dma_semaphore, #tpu.memory_space<semaphore_mem>>)
      %mul3A_905 = arith.constant 4 : i32
      %mul3A_906 = arith.muli %scan3A_736, %mul3A_905 : i32
      %add3A_907 = arith.constant 1 : i32
      %add3A_908 = arith.addi %add3A_907, %mul3A_906 : i32
      %add3A_909 = arith.constant 3 : i32
      %add3A_910 = arith.addi %add3A_908, %add3A_909 : i32
      %dma_wait3A_911 = arith.constant 0 : i32
      %dma_wait3A_912 = arith.constant 0 : i32
      %dma_wait3A_913 = arith.constant 0 : i32
      %dma_wait3A_914 = tpu.memref_slice %arg13[%dma_wait3A_912, %dma_wait3A_913] : memref<200x128xf32, #tpu.memory_space<vmem>> -> memref<128x128xf32, #tpu.memory_space<vmem>>
      %dma_wait3A_915 = arith.constant 0 : i32
      %dma_wait3A_916 = tpu.memref_slice %arg11[%dma_wait3A_911, %dma_wait3A_915] : memref<70x128xi32, #tpu.memory_space<vmem>> -> memref<1x128xi32, #tpu.memory_space<vmem>>
      %dma_wait3A_917 = tpu.memref_squeeze %dma_wait3A_916 : memref<1x128xi32, #tpu.memory_space<vmem>> -> memref<128xi32, #tpu.memory_space<vmem>>
      %dma_wait3A_918 = arith.constant 0 : i32
      %dma_wait3A_919 = arith.constant 0 : i32
      %dma_wait3A_920 = tpu.memref_slice %arg5[%dma_wait3A_918, %dma_wait3A_919] : memref<100000x128xf32, #tpu.memory_space<hbm>> -> memref<100000x128xf32, #tpu.memory_space<hbm>>
      tpu.wait_indirect_dma semaphore(%arg17 : memref<!tpu.dma_semaphore, #tpu.memory_space<semaphore_mem>>) src(%dma_wait3A_920 : memref<100000x128xf32, #tpu.memory_space<hbm>>) dst(%dma_wait3A_914 : memref<128x128xf32, #tpu.memory_space<vmem>>)
      %dma_start3A_921 = arith.constant 0 : i32
      %dma_start3A_922 = arith.constant 0 : i32
      %dma_start3A_923 = tpu.memref_slice %arg13[%dma_start3A_921, %dma_start3A_922] : memref<200x128xf32, #tpu.memory_space<vmem>> -> memref<128x128xf32, #tpu.memory_space<vmem>>
      %dma_start3A_924 = arith.constant 0 : i32
      %dma_start3A_925 = tpu.memref_slice %arg8[%add3A_910, %mul3A_2, %dma_start3A_924] : memref<20x4096x128xf32, #tpu.memory_space<hbm>> -> memref<1x128x128xf32, #tpu.memory_space<hbm>>
      %dma_start3A_926 = tpu.memref_squeeze %dma_start3A_925 : memref<1x128x128xf32, #tpu.memory_space<hbm>> -> memref<128x128xf32, #tpu.memory_space<hbm>>
      %dma_start3A_927 = arith.constant 0 : i32
      %dma_start3A_928 = tpu.memref_slice %arg8[%add3A_910, %mul3A_2, %dma_start3A_927] : memref<20x4096x128xf32, #tpu.memory_space<hbm>> -> memref<1x128x128xf32, #tpu.memory_space<hbm>>
      %dma_start3A_929 = tpu.memref_squeeze %dma_start3A_928 : memref<1x128x128xf32, #tpu.memory_space<hbm>> -> memref<128x128xf32, #tpu.memory_space<hbm>>
      %dma_start3A_930 = arith.constant 0 : i32
      %dma_start3A_931 = arith.constant 0 : i32
      %dma_start3A_932 = tpu.memref_slice %arg13[%dma_start3A_930, %dma_start3A_931] : memref<200x128xf32, #tpu.memory_space<vmem>> -> memref<128x128xf32, #tpu.memory_space<vmem>>
      tpu.enqueue_dma source(%dma_start3A_932 : memref<128x128xf32, #tpu.memory_space<vmem>>) target(%dma_start3A_929 : memref<128x128xf32, #tpu.memory_space<hbm>>) target_semaphore(%arg21 : memref<!tpu.dma_semaphore, #tpu.memory_space<semaphore_mem>>)
      %dma_wait3A_933 = arith.constant 0 : i32
      %dma_wait3A_934 = arith.constant 0 : i32
      %dma_wait3A_935 = arith.constant 0 : i32
      %dma_wait3A_936 = tpu.memref_slice %arg16[%dma_wait3A_934, %dma_wait3A_935] : memref<200x128xf32, #tpu.memory_space<vmem>> -> memref<128x128xf32, #tpu.memory_space<vmem>>
      %dma_wait3A_937 = arith.constant 0 : i32
      %dma_wait3A_938 = tpu.memref_slice %arg8[%dma_wait3A_933, %mul3A_2, %dma_wait3A_937] : memref<20x4096x128xf32, #tpu.memory_space<hbm>> -> memref<1x128x128xf32, #tpu.memory_space<hbm>>
      %dma_wait3A_939 = tpu.memref_squeeze %dma_wait3A_938 : memref<1x128x128xf32, #tpu.memory_space<hbm>> -> memref<128x128xf32, #tpu.memory_space<hbm>>
      %dma_wait3A_940 = arith.constant 0 : i32
      %dma_wait3A_941 = tpu.memref_slice %arg8[%dma_wait3A_933, %mul3A_2, %dma_wait3A_940] : memref<20x4096x128xf32, #tpu.memory_space<hbm>> -> memref<1x128x128xf32, #tpu.memory_space<hbm>>
      %dma_wait3A_942 = tpu.memref_squeeze %dma_wait3A_941 : memref<1x128x128xf32, #tpu.memory_space<hbm>> -> memref<128x128xf32, #tpu.memory_space<hbm>>
      %dma_wait3A_943 = arith.constant 0 : i32
      %dma_wait3A_944 = arith.constant 0 : i32
      %dma_wait3A_945 = tpu.memref_slice %arg16[%dma_wait3A_943, %dma_wait3A_944] : memref<200x128xf32, #tpu.memory_space<vmem>> -> memref<128x128xf32, #tpu.memory_space<vmem>>
      tpu.wait_dma2 semaphore(%arg24 : memref<!tpu.dma_semaphore, #tpu.memory_space<semaphore_mem>>) src(%dma_wait3A_945 : memref<128x128xf32, #tpu.memory_space<vmem>>) dst(%dma_wait3A_942 : memref<128x128xf32, #tpu.memory_space<hbm>>)
      %add3A_946 = arith.constant 4 : i32
      %add3A_947 = arith.addi %add3A_910, %add3A_946 : i32
      %sub3A_948 = arith.constant 1 : i32
      %sub3A_949 = arith.subi %add3A_947, %sub3A_948 : i32
      %add3A_950 = arith.constant 0 : i32
      %add3A_951 = arith.addi %add3A_950, %sub3A_949 : i32
      %dma_start3A_952 = arith.constant 0 : i32
      %dma_start3A_953 = arith.constant 0 : i32
      %dma_start3A_954 = tpu.memref_slice %arg16[%dma_start3A_952, %dma_start3A_953] : memref<200x128xf32, #tpu.memory_space<vmem>> -> memref<128x128xf32, #tpu.memory_space<vmem>>
      %dma_start3A_955 = arith.constant 0 : i32
      %dma_start3A_956 = tpu.memref_slice %arg11[%add3A_951, %dma_start3A_955] : memref<70x128xi32, #tpu.memory_space<vmem>> -> memref<1x128xi32, #tpu.memory_space<vmem>>
      %dma_start3A_957 = tpu.memref_squeeze %dma_start3A_956 : memref<1x128xi32, #tpu.memory_space<vmem>> -> memref<128xi32, #tpu.memory_space<vmem>>
      %dma_start3A_958 = arith.constant 0 : i32
      %dma_start3A_959 = arith.constant 0 : i32
      %dma_start3A_960 = tpu.memref_slice %arg5[%dma_start3A_958, %dma_start3A_959] : memref<100000x128xf32, #tpu.memory_space<hbm>> -> memref<100000x128xf32, #tpu.memory_space<hbm>>
      tpu.enqueue_indirect_dma source(%dma_start3A_960 : memref<100000x128xf32, #tpu.memory_space<hbm>>) target(%dma_start3A_954 : memref<128x128xf32, #tpu.memory_space<vmem>>) offsets(%dma_start3A_957 : memref<128xi32, #tpu.memory_space<vmem>>) semaphore(%arg20 : memref<!tpu.dma_semaphore, #tpu.memory_space<semaphore_mem>>)
      %scan3A_961 = arith.constant 0 : i32
      scf.yield %scan3A_961 : i32
    }
    %scan3A_69 = arith.constant 4 : i32
    %dma_wait3A_70 = arith.constant 0 : i32
    %dma_wait3A_71 = arith.constant 0 : i32
    %dma_wait3A_72 = arith.constant 0 : i32
    %dma_wait3A_73 = tpu.memref_slice %arg14[%dma_wait3A_71, %dma_wait3A_72] : memref<200x128xf32, #tpu.memory_space<vmem>> -> memref<128x128xf32, #tpu.memory_space<vmem>>
    %dma_wait3A_74 = arith.constant 0 : i32
    %dma_wait3A_75 = tpu.memref_slice %arg11[%dma_wait3A_70, %dma_wait3A_74] : memref<70x128xi32, #tpu.memory_space<vmem>> -> memref<1x128xi32, #tpu.memory_space<vmem>>
    %dma_wait3A_76 = tpu.memref_squeeze %dma_wait3A_75 : memref<1x128xi32, #tpu.memory_space<vmem>> -> memref<128xi32, #tpu.memory_space<vmem>>
    %dma_wait3A_77 = arith.constant 0 : i32
    %dma_wait3A_78 = arith.constant 0 : i32
    %dma_wait3A_79 = tpu.memref_slice %arg5[%dma_wait3A_77, %dma_wait3A_78] : memref<100000x128xf32, #tpu.memory_space<hbm>> -> memref<100000x128xf32, #tpu.memory_space<hbm>>
    tpu.wait_indirect_dma semaphore(%arg18 : memref<!tpu.dma_semaphore, #tpu.memory_space<semaphore_mem>>) src(%dma_wait3A_79 : memref<100000x128xf32, #tpu.memory_space<hbm>>) dst(%dma_wait3A_73 : memref<128x128xf32, #tpu.memory_space<vmem>>)
    %dma_start3A_80 = arith.constant 17 : i32
    %dma_start3A_81 = arith.constant 0 : i32
    %dma_start3A_82 = arith.constant 0 : i32
    %dma_start3A_83 = tpu.memref_slice %arg14[%dma_start3A_81, %dma_start3A_82] : memref<200x128xf32, #tpu.memory_space<vmem>> -> memref<128x128xf32, #tpu.memory_space<vmem>>
    %dma_start3A_84 = arith.constant 0 : i32
    %dma_start3A_85 = tpu.memref_slice %arg8[%dma_start3A_80, %mul3A_2, %dma_start3A_84] : memref<20x4096x128xf32, #tpu.memory_space<hbm>> -> memref<1x128x128xf32, #tpu.memory_space<hbm>>
    %dma_start3A_86 = tpu.memref_squeeze %dma_start3A_85 : memref<1x128x128xf32, #tpu.memory_space<hbm>> -> memref<128x128xf32, #tpu.memory_space<hbm>>
    %dma_start3A_87 = arith.constant 0 : i32
    %dma_start3A_88 = tpu.memref_slice %arg8[%dma_start3A_80, %mul3A_2, %dma_start3A_87] : memref<20x4096x128xf32, #tpu.memory_space<hbm>> -> memref<1x128x128xf32, #tpu.memory_space<hbm>>
    %dma_start3A_89 = tpu.memref_squeeze %dma_start3A_88 : memref<1x128x128xf32, #tpu.memory_space<hbm>> -> memref<128x128xf32, #tpu.memory_space<hbm>>
    %dma_start3A_90 = arith.constant 0 : i32
    %dma_start3A_91 = arith.constant 0 : i32
    %dma_start3A_92 = tpu.memref_slice %arg14[%dma_start3A_90, %dma_start3A_91] : memref<200x128xf32, #tpu.memory_space<vmem>> -> memref<128x128xf32, #tpu.memory_space<vmem>>
    tpu.enqueue_dma source(%dma_start3A_92 : memref<128x128xf32, #tpu.memory_space<vmem>>) target(%dma_start3A_89 : memref<128x128xf32, #tpu.memory_space<hbm>>) target_semaphore(%arg22 : memref<!tpu.dma_semaphore, #tpu.memory_space<semaphore_mem>>)
    %dma_wait3A_93 = arith.constant 0 : i32
    %dma_wait3A_94 = arith.constant 0 : i32
    %dma_wait3A_95 = arith.constant 0 : i32
    %dma_wait3A_96 = tpu.memref_slice %arg15[%dma_wait3A_94, %dma_wait3A_95] : memref<200x128xf32, #tpu.memory_space<vmem>> -> memref<128x128xf32, #tpu.memory_space<vmem>>
    %dma_wait3A_97 = arith.constant 0 : i32
    %dma_wait3A_98 = tpu.memref_slice %arg11[%dma_wait3A_93, %dma_wait3A_97] : memref<70x128xi32, #tpu.memory_space<vmem>> -> memref<1x128xi32, #tpu.memory_space<vmem>>
    %dma_wait3A_99 = tpu.memref_squeeze %dma_wait3A_98 : memref<1x128xi32, #tpu.memory_space<vmem>> -> memref<128xi32, #tpu.memory_space<vmem>>
    %dma_wait3A_100 = arith.constant 0 : i32
    %dma_wait3A_101 = arith.constant 0 : i32
    %dma_wait3A_102 = tpu.memref_slice %arg5[%dma_wait3A_100, %dma_wait3A_101] : memref<100000x128xf32, #tpu.memory_space<hbm>> -> memref<100000x128xf32, #tpu.memory_space<hbm>>
    tpu.wait_indirect_dma semaphore(%arg19 : memref<!tpu.dma_semaphore, #tpu.memory_space<semaphore_mem>>) src(%dma_wait3A_102 : memref<100000x128xf32, #tpu.memory_space<hbm>>) dst(%dma_wait3A_96 : memref<128x128xf32, #tpu.memory_space<vmem>>)
    %dma_start3A_103 = arith.constant 18 : i32
    %dma_start3A_104 = arith.constant 0 : i32
    %dma_start3A_105 = arith.constant 0 : i32
    %dma_start3A_106 = tpu.memref_slice %arg15[%dma_start3A_104, %dma_start3A_105] : memref<200x128xf32, #tpu.memory_space<vmem>> -> memref<128x128xf32, #tpu.memory_space<vmem>>
    %dma_start3A_107 = arith.constant 0 : i32
    %dma_start3A_108 = tpu.memref_slice %arg8[%dma_start3A_103, %mul3A_2, %dma_start3A_107] : memref<20x4096x128xf32, #tpu.memory_space<hbm>> -> memref<1x128x128xf32, #tpu.memory_space<hbm>>
    %dma_start3A_109 = tpu.memref_squeeze %dma_start3A_108 : memref<1x128x128xf32, #tpu.memory_space<hbm>> -> memref<128x128xf32, #tpu.memory_space<hbm>>
    %dma_start3A_110 = arith.constant 0 : i32
    %dma_start3A_111 = tpu.memref_slice %arg8[%dma_start3A_103, %mul3A_2, %dma_start3A_110] : memref<20x4096x128xf32, #tpu.memory_space<hbm>> -> memref<1x128x128xf32, #tpu.memory_space<hbm>>
    %dma_start3A_112 = tpu.memref_squeeze %dma_start3A_111 : memref<1x128x128xf32, #tpu.memory_space<hbm>> -> memref<128x128xf32, #tpu.memory_space<hbm>>
    %dma_start3A_113 = arith.constant 0 : i32
    %dma_start3A_114 = arith.constant 0 : i32
    %dma_start3A_115 = tpu.memref_slice %arg15[%dma_start3A_113, %dma_start3A_114] : memref<200x128xf32, #tpu.memory_space<vmem>> -> memref<128x128xf32, #tpu.memory_space<vmem>>
    tpu.enqueue_dma source(%dma_start3A_115 : memref<128x128xf32, #tpu.memory_space<vmem>>) target(%dma_start3A_112 : memref<128x128xf32, #tpu.memory_space<hbm>>) target_semaphore(%arg23 : memref<!tpu.dma_semaphore, #tpu.memory_space<semaphore_mem>>)
    %dma_wait3A_116 = arith.constant 0 : i32
    %dma_wait3A_117 = arith.constant 0 : i32
    %dma_wait3A_118 = arith.constant 0 : i32
    %dma_wait3A_119 = tpu.memref_slice %arg16[%dma_wait3A_117, %dma_wait3A_118] : memref<200x128xf32, #tpu.memory_space<vmem>> -> memref<128x128xf32, #tpu.memory_space<vmem>>
    %dma_wait3A_120 = arith.constant 0 : i32
    %dma_wait3A_121 = tpu.memref_slice %arg11[%dma_wait3A_116, %dma_wait3A_120] : memref<70x128xi32, #tpu.memory_space<vmem>> -> memref<1x128xi32, #tpu.memory_space<vmem>>
    %dma_wait3A_122 = tpu.memref_squeeze %dma_wait3A_121 : memref<1x128xi32, #tpu.memory_space<vmem>> -> memref<128xi32, #tpu.memory_space<vmem>>
    %dma_wait3A_123 = arith.constant 0 : i32
    %dma_wait3A_124 = arith.constant 0 : i32
    %dma_wait3A_125 = tpu.memref_slice %arg5[%dma_wait3A_123, %dma_wait3A_124] : memref<100000x128xf32, #tpu.memory_space<hbm>> -> memref<100000x128xf32, #tpu.memory_space<hbm>>
    tpu.wait_indirect_dma semaphore(%arg20 : memref<!tpu.dma_semaphore, #tpu.memory_space<semaphore_mem>>) src(%dma_wait3A_125 : memref<100000x128xf32, #tpu.memory_space<hbm>>) dst(%dma_wait3A_119 : memref<128x128xf32, #tpu.memory_space<vmem>>)
    %dma_start3A_126 = arith.constant 19 : i32
    %dma_start3A_127 = arith.constant 0 : i32
    %dma_start3A_128 = arith.constant 0 : i32
    %dma_start3A_129 = tpu.memref_slice %arg16[%dma_start3A_127, %dma_start3A_128] : memref<200x128xf32, #tpu.memory_space<vmem>> -> memref<128x128xf32, #tpu.memory_space<vmem>>
    %dma_start3A_130 = arith.constant 0 : i32
    %dma_start3A_131 = tpu.memref_slice %arg8[%dma_start3A_126, %mul3A_2, %dma_start3A_130] : memref<20x4096x128xf32, #tpu.memory_space<hbm>> -> memref<1x128x128xf32, #tpu.memory_space<hbm>>
    %dma_start3A_132 = tpu.memref_squeeze %dma_start3A_131 : memref<1x128x128xf32, #tpu.memory_space<hbm>> -> memref<128x128xf32, #tpu.memory_space<hbm>>
    %dma_start3A_133 = arith.constant 0 : i32
    %dma_start3A_134 = tpu.memref_slice %arg8[%dma_start3A_126, %mul3A_2, %dma_start3A_133] : memref<20x4096x128xf32, #tpu.memory_space<hbm>> -> memref<1x128x128xf32, #tpu.memory_space<hbm>>
    %dma_start3A_135 = tpu.memref_squeeze %dma_start3A_134 : memref<1x128x128xf32, #tpu.memory_space<hbm>> -> memref<128x128xf32, #tpu.memory_space<hbm>>
    %dma_start3A_136 = arith.constant 0 : i32
    %dma_start3A_137 = arith.constant 0 : i32
    %dma_start3A_138 = tpu.memref_slice %arg16[%dma_start3A_136, %dma_start3A_137] : memref<200x128xf32, #tpu.memory_space<vmem>> -> memref<128x128xf32, #tpu.memory_space<vmem>>
    tpu.enqueue_dma source(%dma_start3A_138 : memref<128x128xf32, #tpu.memory_space<vmem>>) target(%dma_start3A_135 : memref<128x128xf32, #tpu.memory_space<hbm>>) target_semaphore(%arg24 : memref<!tpu.dma_semaphore, #tpu.memory_space<semaphore_mem>>)
    %dma_wait3A_139 = arith.constant 0 : i32
    %dma_wait3A_140 = arith.constant 0 : i32
    %dma_wait3A_141 = arith.constant 0 : i32
    %dma_wait3A_142 = tpu.memref_slice %arg13[%dma_wait3A_140, %dma_wait3A_141] : memref<200x128xf32, #tpu.memory_space<vmem>> -> memref<128x128xf32, #tpu.memory_space<vmem>>
    %dma_wait3A_143 = arith.constant 0 : i32
    %dma_wait3A_144 = tpu.memref_slice %arg8[%dma_wait3A_139, %mul3A_2, %dma_wait3A_143] : memref<20x4096x128xf32, #tpu.memory_space<hbm>> -> memref<1x128x128xf32, #tpu.memory_space<hbm>>
    %dma_wait3A_145 = tpu.memref_squeeze %dma_wait3A_144 : memref<1x128x128xf32, #tpu.memory_space<hbm>> -> memref<128x128xf32, #tpu.memory_space<hbm>>
    %dma_wait3A_146 = arith.constant 0 : i32
    %dma_wait3A_147 = tpu.memref_slice %arg8[%dma_wait3A_139, %mul3A_2, %dma_wait3A_146] : memref<20x4096x128xf32, #tpu.memory_space<hbm>> -> memref<1x128x128xf32, #tpu.memory_space<hbm>>
    %dma_wait3A_148 = tpu.memref_squeeze %dma_wait3A_147 : memref<1x128x128xf32, #tpu.memory_space<hbm>> -> memref<128x128xf32, #tpu.memory_space<hbm>>
    %dma_wait3A_149 = arith.constant 0 : i32
    %dma_wait3A_150 = arith.constant 0 : i32
    %dma_wait3A_151 = tpu.memref_slice %arg13[%dma_wait3A_149, %dma_wait3A_150] : memref<200x128xf32, #tpu.memory_space<vmem>> -> memref<128x128xf32, #tpu.memory_space<vmem>>
    tpu.wait_dma2 semaphore(%arg21 : memref<!tpu.dma_semaphore, #tpu.memory_space<semaphore_mem>>) src(%dma_wait3A_151 : memref<128x128xf32, #tpu.memory_space<vmem>>) dst(%dma_wait3A_148 : memref<128x128xf32, #tpu.memory_space<hbm>>)
    %dma_wait3A_152 = arith.constant 0 : i32
    %dma_wait3A_153 = arith.constant 0 : i32
    %dma_wait3A_154 = arith.constant 0 : i32
    %dma_wait3A_155 = tpu.memref_slice %arg14[%dma_wait3A_153, %dma_wait3A_154] : memref<200x128xf32, #tpu.memory_space<vmem>> -> memref<128x128xf32, #tpu.memory_space<vmem>>
    %dma_wait3A_156 = arith.constant 0 : i32
    %dma_wait3A_157 = tpu.memref_slice %arg8[%dma_wait3A_152, %mul3A_2, %dma_wait3A_156] : memref<20x4096x128xf32, #tpu.memory_space<hbm>> -> memref<1x128x128xf32, #tpu.memory_space<hbm>>
    %dma_wait3A_158 = tpu.memref_squeeze %dma_wait3A_157 : memref<1x128x128xf32, #tpu.memory_space<hbm>> -> memref<128x128xf32, #tpu.memory_space<hbm>>
    %dma_wait3A_159 = arith.constant 0 : i32
    %dma_wait3A_160 = tpu.memref_slice %arg8[%dma_wait3A_152, %mul3A_2, %dma_wait3A_159] : memref<20x4096x128xf32, #tpu.memory_space<hbm>> -> memref<1x128x128xf32, #tpu.memory_space<hbm>>
    %dma_wait3A_161 = tpu.memref_squeeze %dma_wait3A_160 : memref<1x128x128xf32, #tpu.memory_space<hbm>> -> memref<128x128xf32, #tpu.memory_space<hbm>>
    %dma_wait3A_162 = arith.constant 0 : i32
    %dma_wait3A_163 = arith.constant 0 : i32
    %dma_wait3A_164 = tpu.memref_slice %arg14[%dma_wait3A_162, %dma_wait3A_163] : memref<200x128xf32, #tpu.memory_space<vmem>> -> memref<128x128xf32, #tpu.memory_space<vmem>>
    tpu.wait_dma2 semaphore(%arg22 : memref<!tpu.dma_semaphore, #tpu.memory_space<semaphore_mem>>) src(%dma_wait3A_164 : memref<128x128xf32, #tpu.memory_space<vmem>>) dst(%dma_wait3A_161 : memref<128x128xf32, #tpu.memory_space<hbm>>)
    %dma_wait3A_165 = arith.constant 0 : i32
    %dma_wait3A_166 = arith.constant 0 : i32
    %dma_wait3A_167 = arith.constant 0 : i32
    %dma_wait3A_168 = tpu.memref_slice %arg15[%dma_wait3A_166, %dma_wait3A_167] : memref<200x128xf32, #tpu.memory_space<vmem>> -> memref<128x128xf32, #tpu.memory_space<vmem>>
    %dma_wait3A_169 = arith.constant 0 : i32
    %dma_wait3A_170 = tpu.memref_slice %arg8[%dma_wait3A_165, %mul3A_2, %dma_wait3A_169] : memref<20x4096x128xf32, #tpu.memory_space<hbm>> -> memref<1x128x128xf32, #tpu.memory_space<hbm>>
    %dma_wait3A_171 = tpu.memref_squeeze %dma_wait3A_170 : memref<1x128x128xf32, #tpu.memory_space<hbm>> -> memref<128x128xf32, #tpu.memory_space<hbm>>
    %dma_wait3A_172 = arith.constant 0 : i32
    %dma_wait3A_173 = tpu.memref_slice %arg8[%dma_wait3A_165, %mul3A_2, %dma_wait3A_172] : memref<20x4096x128xf32, #tpu.memory_space<hbm>> -> memref<1x128x128xf32, #tpu.memory_space<hbm>>
    %dma_wait3A_174 = tpu.memref_squeeze %dma_wait3A_173 : memref<1x128x128xf32, #tpu.memory_space<hbm>> -> memref<128x128xf32, #tpu.memory_space<hbm>>
    %dma_wait3A_175 = arith.constant 0 : i32
    %dma_wait3A_176 = arith.constant 0 : i32
    %dma_wait3A_177 = tpu.memref_slice %arg15[%dma_wait3A_175, %dma_wait3A_176] : memref<200x128xf32, #tpu.memory_space<vmem>> -> memref<128x128xf32, #tpu.memory_space<vmem>>
    tpu.wait_dma2 semaphore(%arg23 : memref<!tpu.dma_semaphore, #tpu.memory_space<semaphore_mem>>) src(%dma_wait3A_177 : memref<128x128xf32, #tpu.memory_space<vmem>>) dst(%dma_wait3A_174 : memref<128x128xf32, #tpu.memory_space<hbm>>)
    %dma_wait3A_178 = arith.constant 0 : i32
    %dma_wait3A_179 = arith.constant 0 : i32
    %dma_wait3A_180 = arith.constant 0 : i32
    %dma_wait3A_181 = tpu.memref_slice %arg16[%dma_wait3A_179, %dma_wait3A_180] : memref<200x128xf32, #tpu.memory_space<vmem>> -> memref<128x128xf32, #tpu.memory_space<vmem>>
    %dma_wait3A_182 = arith.constant 0 : i32
    %dma_wait3A_183 = tpu.memref_slice %arg8[%dma_wait3A_178, %mul3A_2, %dma_wait3A_182] : memref<20x4096x128xf32, #tpu.memory_space<hbm>> -> memref<1x128x128xf32, #tpu.memory_space<hbm>>
    %dma_wait3A_184 = tpu.memref_squeeze %dma_wait3A_183 : memref<1x128x128xf32, #tpu.memory_space<hbm>> -> memref<128x128xf32, #tpu.memory_space<hbm>>
    %dma_wait3A_185 = arith.constant 0 : i32
    %dma_wait3A_186 = tpu.memref_slice %arg8[%dma_wait3A_178, %mul3A_2, %dma_wait3A_185] : memref<20x4096x128xf32, #tpu.memory_space<hbm>> -> memref<1x128x128xf32, #tpu.memory_space<hbm>>
    %dma_wait3A_187 = tpu.memref_squeeze %dma_wait3A_186 : memref<1x128x128xf32, #tpu.memory_space<hbm>> -> memref<128x128xf32, #tpu.memory_space<hbm>>
    %dma_wait3A_188 = arith.constant 0 : i32
    %dma_wait3A_189 = arith.constant 0 : i32
    %dma_wait3A_190 = tpu.memref_slice %arg16[%dma_wait3A_188, %dma_wait3A_189] : memref<200x128xf32, #tpu.memory_space<vmem>> -> memref<128x128xf32, #tpu.memory_space<vmem>>
    tpu.wait_dma2 semaphore(%arg24 : memref<!tpu.dma_semaphore, #tpu.memory_space<semaphore_mem>>) src(%dma_wait3A_190 : memref<128x128xf32, #tpu.memory_space<vmem>>) dst(%dma_wait3A_187 : memref<128x128xf32, #tpu.memory_space<hbm>>)
    %dma_start3A_191 = arith.constant 20 : i32
    %dma_start3A_192 = arith.constant 0 : i32
    %dma_start3A_193 = arith.constant 0 : i32
    %dma_start3A_194 = tpu.memref_slice %arg13[%dma_start3A_192, %dma_start3A_193] : memref<200x128xf32, #tpu.memory_space<vmem>> -> memref<128x128xf32, #tpu.memory_space<vmem>>
    %dma_start3A_195 = arith.constant 0 : i32
    %dma_start3A_196 = tpu.memref_slice %arg11[%dma_start3A_191, %dma_start3A_195] : memref<70x128xi32, #tpu.memory_space<vmem>> -> memref<1x128xi32, #tpu.memory_space<vmem>>
    %dma_start3A_197 = tpu.memref_squeeze %dma_start3A_196 : memref<1x128xi32, #tpu.memory_space<vmem>> -> memref<128xi32, #tpu.memory_space<vmem>>
    %dma_start3A_198 = arith.constant 0 : i32
    %dma_start3A_199 = arith.constant 0 : i32
    %dma_start3A_200 = tpu.memref_slice %arg6[%dma_start3A_198, %dma_start3A_199] : memref<100000x128xf32, #tpu.memory_space<hbm>> -> memref<100000x128xf32, #tpu.memory_space<hbm>>
    tpu.enqueue_indirect_dma source(%dma_start3A_200 : memref<100000x128xf32, #tpu.memory_space<hbm>>) target(%dma_start3A_194 : memref<128x128xf32, #tpu.memory_space<vmem>>) offsets(%dma_start3A_197 : memref<128xi32, #tpu.memory_space<vmem>>) semaphore(%arg17 : memref<!tpu.dma_semaphore, #tpu.memory_space<semaphore_mem>>)
    %dma_start3A_201 = arith.constant 21 : i32
    %dma_start3A_202 = arith.constant 0 : i32
    %dma_start3A_203 = arith.constant 0 : i32
    %dma_start3A_204 = tpu.memref_slice %arg14[%dma_start3A_202, %dma_start3A_203] : memref<200x128xf32, #tpu.memory_space<vmem>> -> memref<128x128xf32, #tpu.memory_space<vmem>>
    %dma_start3A_205 = arith.constant 0 : i32
    %dma_start3A_206 = tpu.memref_slice %arg11[%dma_start3A_201, %dma_start3A_205] : memref<70x128xi32, #tpu.memory_space<vmem>> -> memref<1x128xi32, #tpu.memory_space<vmem>>
    %dma_start3A_207 = tpu.memref_squeeze %dma_start3A_206 : memref<1x128xi32, #tpu.memory_space<vmem>> -> memref<128xi32, #tpu.memory_space<vmem>>
    %dma_start3A_208 = arith.constant 0 : i32
    %dma_start3A_209 = arith.constant 0 : i32
    %dma_start3A_210 = tpu.memref_slice %arg6[%dma_start3A_208, %dma_start3A_209] : memref<100000x128xf32, #tpu.memory_space<hbm>> -> memref<100000x128xf32, #tpu.memory_space<hbm>>
    tpu.enqueue_indirect_dma source(%dma_start3A_210 : memref<100000x128xf32, #tpu.memory_space<hbm>>) target(%dma_start3A_204 : memref<128x128xf32, #tpu.memory_space<vmem>>) offsets(%dma_start3A_207 : memref<128xi32, #tpu.memory_space<vmem>>) semaphore(%arg18 : memref<!tpu.dma_semaphore, #tpu.memory_space<semaphore_mem>>)
    %dma_start3A_211 = arith.constant 22 : i32
    %dma_start3A_212 = arith.constant 0 : i32
    %dma_start3A_213 = arith.constant 0 : i32
    %dma_start3A_214 = tpu.memref_slice %arg15[%dma_start3A_212, %dma_start3A_213] : memref<200x128xf32, #tpu.memory_space<vmem>> -> memref<128x128xf32, #tpu.memory_space<vmem>>
    %dma_start3A_215 = arith.constant 0 : i32
    %dma_start3A_216 = tpu.memref_slice %arg11[%dma_start3A_211, %dma_start3A_215] : memref<70x128xi32, #tpu.memory_space<vmem>> -> memref<1x128xi32, #tpu.memory_space<vmem>>
    %dma_start3A_217 = tpu.memref_squeeze %dma_start3A_216 : memref<1x128xi32, #tpu.memory_space<vmem>> -> memref<128xi32, #tpu.memory_space<vmem>>
    %dma_start3A_218 = arith.constant 0 : i32
    %dma_start3A_219 = arith.constant 0 : i32
    %dma_start3A_220 = tpu.memref_slice %arg6[%dma_start3A_218, %dma_start3A_219] : memref<100000x128xf32, #tpu.memory_space<hbm>> -> memref<100000x128xf32, #tpu.memory_space<hbm>>
    tpu.enqueue_indirect_dma source(%dma_start3A_220 : memref<100000x128xf32, #tpu.memory_space<hbm>>) target(%dma_start3A_214 : memref<128x128xf32, #tpu.memory_space<vmem>>) offsets(%dma_start3A_217 : memref<128xi32, #tpu.memory_space<vmem>>) semaphore(%arg19 : memref<!tpu.dma_semaphore, #tpu.memory_space<semaphore_mem>>)
    %dma_wait3A_221 = arith.constant 20 : i32
    %dma_wait3A_222 = arith.constant 0 : i32
    %dma_wait3A_223 = arith.constant 0 : i32
    %dma_wait3A_224 = tpu.memref_slice %arg13[%dma_wait3A_222, %dma_wait3A_223] : memref<200x128xf32, #tpu.memory_space<vmem>> -> memref<128x128xf32, #tpu.memory_space<vmem>>
    %dma_wait3A_225 = arith.constant 0 : i32
    %dma_wait3A_226 = tpu.memref_slice %arg11[%dma_wait3A_221, %dma_wait3A_225] : memref<70x128xi32, #tpu.memory_space<vmem>> -> memref<1x128xi32, #tpu.memory_space<vmem>>
    %dma_wait3A_227 = tpu.memref_squeeze %dma_wait3A_226 : memref<1x128xi32, #tpu.memory_space<vmem>> -> memref<128xi32, #tpu.memory_space<vmem>>
    %dma_wait3A_228 = arith.constant 0 : i32
    %dma_wait3A_229 = arith.constant 0 : i32
    %dma_wait3A_230 = tpu.memref_slice %arg6[%dma_wait3A_228, %dma_wait3A_229] : memref<100000x128xf32, #tpu.memory_space<hbm>> -> memref<100000x128xf32, #tpu.memory_space<hbm>>
    tpu.wait_indirect_dma semaphore(%arg17 : memref<!tpu.dma_semaphore, #tpu.memory_space<semaphore_mem>>) src(%dma_wait3A_230 : memref<100000x128xf32, #tpu.memory_space<hbm>>) dst(%dma_wait3A_224 : memref<128x128xf32, #tpu.memory_space<vmem>>)
    %dma_start3A_231 = arith.constant 0 : i32
    %dma_start3A_232 = arith.constant 0 : i32
    %dma_start3A_233 = arith.constant 0 : i32
    %dma_start3A_234 = tpu.memref_slice %arg13[%dma_start3A_232, %dma_start3A_233] : memref<200x128xf32, #tpu.memory_space<vmem>> -> memref<128x128xf32, #tpu.memory_space<vmem>>
    %dma_start3A_235 = arith.constant 0 : i32
    %dma_start3A_236 = tpu.memref_slice %arg9[%dma_start3A_231, %mul3A_2, %dma_start3A_235] : memref<50x4096x128xf32, #tpu.memory_space<hbm>> -> memref<1x128x128xf32, #tpu.memory_space<hbm>>
    %dma_start3A_237 = tpu.memref_squeeze %dma_start3A_236 : memref<1x128x128xf32, #tpu.memory_space<hbm>> -> memref<128x128xf32, #tpu.memory_space<hbm>>
    %dma_start3A_238 = arith.constant 0 : i32
    %dma_start3A_239 = tpu.memref_slice %arg9[%dma_start3A_231, %mul3A_2, %dma_start3A_238] : memref<50x4096x128xf32, #tpu.memory_space<hbm>> -> memref<1x128x128xf32, #tpu.memory_space<hbm>>
    %dma_start3A_240 = tpu.memref_squeeze %dma_start3A_239 : memref<1x128x128xf32, #tpu.memory_space<hbm>> -> memref<128x128xf32, #tpu.memory_space<hbm>>
    %dma_start3A_241 = arith.constant 0 : i32
    %dma_start3A_242 = arith.constant 0 : i32
    %dma_start3A_243 = tpu.memref_slice %arg13[%dma_start3A_241, %dma_start3A_242] : memref<200x128xf32, #tpu.memory_space<vmem>> -> memref<128x128xf32, #tpu.memory_space<vmem>>
    tpu.enqueue_dma source(%dma_start3A_243 : memref<128x128xf32, #tpu.memory_space<vmem>>) target(%dma_start3A_240 : memref<128x128xf32, #tpu.memory_space<hbm>>) target_semaphore(%arg21 : memref<!tpu.dma_semaphore, #tpu.memory_space<semaphore_mem>>)
    %dma_start3A_244 = arith.constant 23 : i32
    %dma_start3A_245 = arith.constant 0 : i32
    %dma_start3A_246 = arith.constant 0 : i32
    %dma_start3A_247 = tpu.memref_slice %arg16[%dma_start3A_245, %dma_start3A_246] : memref<200x128xf32, #tpu.memory_space<vmem>> -> memref<128x128xf32, #tpu.memory_space<vmem>>
    %dma_start3A_248 = arith.constant 0 : i32
    %dma_start3A_249 = tpu.memref_slice %arg11[%dma_start3A_244, %dma_start3A_248] : memref<70x128xi32, #tpu.memory_space<vmem>> -> memref<1x128xi32, #tpu.memory_space<vmem>>
    %dma_start3A_250 = tpu.memref_squeeze %dma_start3A_249 : memref<1x128xi32, #tpu.memory_space<vmem>> -> memref<128xi32, #tpu.memory_space<vmem>>
    %dma_start3A_251 = arith.constant 0 : i32
    %dma_start3A_252 = arith.constant 0 : i32
    %dma_start3A_253 = tpu.memref_slice %arg6[%dma_start3A_251, %dma_start3A_252] : memref<100000x128xf32, #tpu.memory_space<hbm>> -> memref<100000x128xf32, #tpu.memory_space<hbm>>
    tpu.enqueue_indirect_dma source(%dma_start3A_253 : memref<100000x128xf32, #tpu.memory_space<hbm>>) target(%dma_start3A_247 : memref<128x128xf32, #tpu.memory_space<vmem>>) offsets(%dma_start3A_250 : memref<128xi32, #tpu.memory_space<vmem>>) semaphore(%arg20 : memref<!tpu.dma_semaphore, #tpu.memory_space<semaphore_mem>>)
    %scan3A_254 = arith.constant 0 : i32
    %scan3A_255 = arith.constant 0 : i32
    %scan3A_256 = arith.constant 11 : i32
    %scan3A_257 = arith.addi %scan3A_255, %scan3A_256 : i32
    %scan3A_258 = arith.constant 1 : i32
    %scan3A_259 = scf.for %scan3A_736 = %scan3A_255 to %scan3A_257 step %scan3A_258 iter_args(%scan3A_737 = %scan3A_254) -> (i32)  : i32 {
      %mul3A_738 = arith.constant 4 : i32
      %mul3A_739 = arith.muli %scan3A_736, %mul3A_738 : i32
      %add3A_740 = arith.constant 1 : i32
      %add3A_741 = arith.addi %add3A_740, %mul3A_739 : i32
      %add3A_742 = arith.constant 0 : i32
      %add3A_743 = arith.addi %add3A_741, %add3A_742 : i32
      %dma_wait3A_744 = arith.constant 20 : i32
      %dma_wait3A_745 = arith.constant 0 : i32
      %dma_wait3A_746 = arith.constant 0 : i32
      %dma_wait3A_747 = tpu.memref_slice %arg14[%dma_wait3A_745, %dma_wait3A_746] : memref<200x128xf32, #tpu.memory_space<vmem>> -> memref<128x128xf32, #tpu.memory_space<vmem>>
      %dma_wait3A_748 = arith.constant 0 : i32
      %dma_wait3A_749 = tpu.memref_slice %arg11[%dma_wait3A_744, %dma_wait3A_748] : memref<70x128xi32, #tpu.memory_space<vmem>> -> memref<1x128xi32, #tpu.memory_space<vmem>>
      %dma_wait3A_750 = tpu.memref_squeeze %dma_wait3A_749 : memref<1x128xi32, #tpu.memory_space<vmem>> -> memref<128xi32, #tpu.memory_space<vmem>>
      %dma_wait3A_751 = arith.constant 0 : i32
      %dma_wait3A_752 = arith.constant 0 : i32
      %dma_wait3A_753 = tpu.memref_slice %arg6[%dma_wait3A_751, %dma_wait3A_752] : memref<100000x128xf32, #tpu.memory_space<hbm>> -> memref<100000x128xf32, #tpu.memory_space<hbm>>
      tpu.wait_indirect_dma semaphore(%arg18 : memref<!tpu.dma_semaphore, #tpu.memory_space<semaphore_mem>>) src(%dma_wait3A_753 : memref<100000x128xf32, #tpu.memory_space<hbm>>) dst(%dma_wait3A_747 : memref<128x128xf32, #tpu.memory_space<vmem>>)
      %dma_start3A_754 = arith.constant 0 : i32
      %dma_start3A_755 = arith.constant 0 : i32
      %dma_start3A_756 = tpu.memref_slice %arg14[%dma_start3A_754, %dma_start3A_755] : memref<200x128xf32, #tpu.memory_space<vmem>> -> memref<128x128xf32, #tpu.memory_space<vmem>>
      %dma_start3A_757 = arith.constant 0 : i32
      %dma_start3A_758 = tpu.memref_slice %arg9[%add3A_743, %mul3A_2, %dma_start3A_757] : memref<50x4096x128xf32, #tpu.memory_space<hbm>> -> memref<1x128x128xf32, #tpu.memory_space<hbm>>
      %dma_start3A_759 = tpu.memref_squeeze %dma_start3A_758 : memref<1x128x128xf32, #tpu.memory_space<hbm>> -> memref<128x128xf32, #tpu.memory_space<hbm>>
      %dma_start3A_760 = arith.constant 0 : i32
      %dma_start3A_761 = tpu.memref_slice %arg9[%add3A_743, %mul3A_2, %dma_start3A_760] : memref<50x4096x128xf32, #tpu.memory_space<hbm>> -> memref<1x128x128xf32, #tpu.memory_space<hbm>>
      %dma_start3A_762 = tpu.memref_squeeze %dma_start3A_761 : memref<1x128x128xf32, #tpu.memory_space<hbm>> -> memref<128x128xf32, #tpu.memory_space<hbm>>
      %dma_start3A_763 = arith.constant 0 : i32
      %dma_start3A_764 = arith.constant 0 : i32
      %dma_start3A_765 = tpu.memref_slice %arg14[%dma_start3A_763, %dma_start3A_764] : memref<200x128xf32, #tpu.memory_space<vmem>> -> memref<128x128xf32, #tpu.memory_space<vmem>>
      tpu.enqueue_dma source(%dma_start3A_765 : memref<128x128xf32, #tpu.memory_space<vmem>>) target(%dma_start3A_762 : memref<128x128xf32, #tpu.memory_space<hbm>>) target_semaphore(%arg22 : memref<!tpu.dma_semaphore, #tpu.memory_space<semaphore_mem>>)
      %dma_wait3A_766 = arith.constant 0 : i32
      %dma_wait3A_767 = arith.constant 0 : i32
      %dma_wait3A_768 = arith.constant 0 : i32
      %dma_wait3A_769 = tpu.memref_slice %arg13[%dma_wait3A_767, %dma_wait3A_768] : memref<200x128xf32, #tpu.memory_space<vmem>> -> memref<128x128xf32, #tpu.memory_space<vmem>>
      %dma_wait3A_770 = arith.constant 0 : i32
      %dma_wait3A_771 = tpu.memref_slice %arg9[%dma_wait3A_766, %mul3A_2, %dma_wait3A_770] : memref<50x4096x128xf32, #tpu.memory_space<hbm>> -> memref<1x128x128xf32, #tpu.memory_space<hbm>>
      %dma_wait3A_772 = tpu.memref_squeeze %dma_wait3A_771 : memref<1x128x128xf32, #tpu.memory_space<hbm>> -> memref<128x128xf32, #tpu.memory_space<hbm>>
      %dma_wait3A_773 = arith.constant 0 : i32
      %dma_wait3A_774 = tpu.memref_slice %arg9[%dma_wait3A_766, %mul3A_2, %dma_wait3A_773] : memref<50x4096x128xf32, #tpu.memory_space<hbm>> -> memref<1x128x128xf32, #tpu.memory_space<hbm>>
      %dma_wait3A_775 = tpu.memref_squeeze %dma_wait3A_774 : memref<1x128x128xf32, #tpu.memory_space<hbm>> -> memref<128x128xf32, #tpu.memory_space<hbm>>
      %dma_wait3A_776 = arith.constant 0 : i32
      %dma_wait3A_777 = arith.constant 0 : i32
      %dma_wait3A_778 = tpu.memref_slice %arg13[%dma_wait3A_776, %dma_wait3A_777] : memref<200x128xf32, #tpu.memory_space<vmem>> -> memref<128x128xf32, #tpu.memory_space<vmem>>
      tpu.wait_dma2 semaphore(%arg21 : memref<!tpu.dma_semaphore, #tpu.memory_space<semaphore_mem>>) src(%dma_wait3A_778 : memref<128x128xf32, #tpu.memory_space<vmem>>) dst(%dma_wait3A_775 : memref<128x128xf32, #tpu.memory_space<hbm>>)
      %add3A_779 = arith.constant 4 : i32
      %add3A_780 = arith.addi %add3A_743, %add3A_779 : i32
      %sub3A = arith.constant 1 : i32
      %sub3A_781 = arith.subi %add3A_780, %sub3A : i32
      %add3A_782 = arith.constant 20 : i32
      %add3A_783 = arith.addi %add3A_782, %sub3A_781 : i32
      %dma_start3A_784 = arith.constant 0 : i32
      %dma_start3A_785 = arith.constant 0 : i32
      %dma_start3A_786 = tpu.memref_slice %arg13[%dma_start3A_784, %dma_start3A_785] : memref<200x128xf32, #tpu.memory_space<vmem>> -> memref<128x128xf32, #tpu.memory_space<vmem>>
      %dma_start3A_787 = arith.constant 0 : i32
      %dma_start3A_788 = tpu.memref_slice %arg11[%add3A_783, %dma_start3A_787] : memref<70x128xi32, #tpu.memory_space<vmem>> -> memref<1x128xi32, #tpu.memory_space<vmem>>
      %dma_start3A_789 = tpu.memref_squeeze %dma_start3A_788 : memref<1x128xi32, #tpu.memory_space<vmem>> -> memref<128xi32, #tpu.memory_space<vmem>>
      %dma_start3A_790 = arith.constant 0 : i32
      %dma_start3A_791 = arith.constant 0 : i32
      %dma_start3A_792 = tpu.memref_slice %arg6[%dma_start3A_790, %dma_start3A_791] : memref<100000x128xf32, #tpu.memory_space<hbm>> -> memref<100000x128xf32, #tpu.memory_space<hbm>>
      tpu.enqueue_indirect_dma source(%dma_start3A_792 : memref<100000x128xf32, #tpu.memory_space<hbm>>) target(%dma_start3A_786 : memref<128x128xf32, #tpu.memory_space<vmem>>) offsets(%dma_start3A_789 : memref<128xi32, #tpu.memory_space<vmem>>) semaphore(%arg17 : memref<!tpu.dma_semaphore, #tpu.memory_space<semaphore_mem>>)
      %mul3A_793 = arith.constant 4 : i32
      %mul3A_794 = arith.muli %scan3A_736, %mul3A_793 : i32
      %add3A_795 = arith.constant 1 : i32
      %add3A_796 = arith.addi %add3A_795, %mul3A_794 : i32
      %add3A_797 = arith.constant 1 : i32
      %add3A_798 = arith.addi %add3A_796, %add3A_797 : i32
      %dma_wait3A_799 = arith.constant 20 : i32
      %dma_wait3A_800 = arith.constant 0 : i32
      %dma_wait3A_801 = arith.constant 0 : i32
      %dma_wait3A_802 = tpu.memref_slice %arg15[%dma_wait3A_800, %dma_wait3A_801] : memref<200x128xf32, #tpu.memory_space<vmem>> -> memref<128x128xf32, #tpu.memory_space<vmem>>
      %dma_wait3A_803 = arith.constant 0 : i32
      %dma_wait3A_804 = tpu.memref_slice %arg11[%dma_wait3A_799, %dma_wait3A_803] : memref<70x128xi32, #tpu.memory_space<vmem>> -> memref<1x128xi32, #tpu.memory_space<vmem>>
      %dma_wait3A_805 = tpu.memref_squeeze %dma_wait3A_804 : memref<1x128xi32, #tpu.memory_space<vmem>> -> memref<128xi32, #tpu.memory_space<vmem>>
      %dma_wait3A_806 = arith.constant 0 : i32
      %dma_wait3A_807 = arith.constant 0 : i32
      %dma_wait3A_808 = tpu.memref_slice %arg6[%dma_wait3A_806, %dma_wait3A_807] : memref<100000x128xf32, #tpu.memory_space<hbm>> -> memref<100000x128xf32, #tpu.memory_space<hbm>>
      tpu.wait_indirect_dma semaphore(%arg19 : memref<!tpu.dma_semaphore, #tpu.memory_space<semaphore_mem>>) src(%dma_wait3A_808 : memref<100000x128xf32, #tpu.memory_space<hbm>>) dst(%dma_wait3A_802 : memref<128x128xf32, #tpu.memory_space<vmem>>)
      %dma_start3A_809 = arith.constant 0 : i32
      %dma_start3A_810 = arith.constant 0 : i32
      %dma_start3A_811 = tpu.memref_slice %arg15[%dma_start3A_809, %dma_start3A_810] : memref<200x128xf32, #tpu.memory_space<vmem>> -> memref<128x128xf32, #tpu.memory_space<vmem>>
      %dma_start3A_812 = arith.constant 0 : i32
      %dma_start3A_813 = tpu.memref_slice %arg9[%add3A_798, %mul3A_2, %dma_start3A_812] : memref<50x4096x128xf32, #tpu.memory_space<hbm>> -> memref<1x128x128xf32, #tpu.memory_space<hbm>>
      %dma_start3A_814 = tpu.memref_squeeze %dma_start3A_813 : memref<1x128x128xf32, #tpu.memory_space<hbm>> -> memref<128x128xf32, #tpu.memory_space<hbm>>
      %dma_start3A_815 = arith.constant 0 : i32
      %dma_start3A_816 = tpu.memref_slice %arg9[%add3A_798, %mul3A_2, %dma_start3A_815] : memref<50x4096x128xf32, #tpu.memory_space<hbm>> -> memref<1x128x128xf32, #tpu.memory_space<hbm>>
      %dma_start3A_817 = tpu.memref_squeeze %dma_start3A_816 : memref<1x128x128xf32, #tpu.memory_space<hbm>> -> memref<128x128xf32, #tpu.memory_space<hbm>>
      %dma_start3A_818 = arith.constant 0 : i32
      %dma_start3A_819 = arith.constant 0 : i32
      %dma_start3A_820 = tpu.memref_slice %arg15[%dma_start3A_818, %dma_start3A_819] : memref<200x128xf32, #tpu.memory_space<vmem>> -> memref<128x128xf32, #tpu.memory_space<vmem>>
      tpu.enqueue_dma source(%dma_start3A_820 : memref<128x128xf32, #tpu.memory_space<vmem>>) target(%dma_start3A_817 : memref<128x128xf32, #tpu.memory_space<hbm>>) target_semaphore(%arg23 : memref<!tpu.dma_semaphore, #tpu.memory_space<semaphore_mem>>)
      %dma_wait3A_821 = arith.constant 0 : i32
      %dma_wait3A_822 = arith.constant 0 : i32
      %dma_wait3A_823 = arith.constant 0 : i32
      %dma_wait3A_824 = tpu.memref_slice %arg14[%dma_wait3A_822, %dma_wait3A_823] : memref<200x128xf32, #tpu.memory_space<vmem>> -> memref<128x128xf32, #tpu.memory_space<vmem>>
      %dma_wait3A_825 = arith.constant 0 : i32
      %dma_wait3A_826 = tpu.memref_slice %arg9[%dma_wait3A_821, %mul3A_2, %dma_wait3A_825] : memref<50x4096x128xf32, #tpu.memory_space<hbm>> -> memref<1x128x128xf32, #tpu.memory_space<hbm>>
      %dma_wait3A_827 = tpu.memref_squeeze %dma_wait3A_826 : memref<1x128x128xf32, #tpu.memory_space<hbm>> -> memref<128x128xf32, #tpu.memory_space<hbm>>
      %dma_wait3A_828 = arith.constant 0 : i32
      %dma_wait3A_829 = tpu.memref_slice %arg9[%dma_wait3A_821, %mul3A_2, %dma_wait3A_828] : memref<50x4096x128xf32, #tpu.memory_space<hbm>> -> memref<1x128x128xf32, #tpu.memory_space<hbm>>
      %dma_wait3A_830 = tpu.memref_squeeze %dma_wait3A_829 : memref<1x128x128xf32, #tpu.memory_space<hbm>> -> memref<128x128xf32, #tpu.memory_space<hbm>>
      %dma_wait3A_831 = arith.constant 0 : i32
      %dma_wait3A_832 = arith.constant 0 : i32
      %dma_wait3A_833 = tpu.memref_slice %arg14[%dma_wait3A_831, %dma_wait3A_832] : memref<200x128xf32, #tpu.memory_space<vmem>> -> memref<128x128xf32, #tpu.memory_space<vmem>>
      tpu.wait_dma2 semaphore(%arg22 : memref<!tpu.dma_semaphore, #tpu.memory_space<semaphore_mem>>) src(%dma_wait3A_833 : memref<128x128xf32, #tpu.memory_space<vmem>>) dst(%dma_wait3A_830 : memref<128x128xf32, #tpu.memory_space<hbm>>)
      %add3A_834 = arith.constant 4 : i32
      %add3A_835 = arith.addi %add3A_798, %add3A_834 : i32
      %sub3A_836 = arith.constant 1 : i32
      %sub3A_837 = arith.subi %add3A_835, %sub3A_836 : i32
      %add3A_838 = arith.constant 20 : i32
      %add3A_839 = arith.addi %add3A_838, %sub3A_837 : i32
      %dma_start3A_840 = arith.constant 0 : i32
      %dma_start3A_841 = arith.constant 0 : i32
      %dma_start3A_842 = tpu.memref_slice %arg14[%dma_start3A_840, %dma_start3A_841] : memref<200x128xf32, #tpu.memory_space<vmem>> -> memref<128x128xf32, #tpu.memory_space<vmem>>
      %dma_start3A_843 = arith.constant 0 : i32
      %dma_start3A_844 = tpu.memref_slice %arg11[%add3A_839, %dma_start3A_843] : memref<70x128xi32, #tpu.memory_space<vmem>> -> memref<1x128xi32, #tpu.memory_space<vmem>>
      %dma_start3A_845 = tpu.memref_squeeze %dma_start3A_844 : memref<1x128xi32, #tpu.memory_space<vmem>> -> memref<128xi32, #tpu.memory_space<vmem>>
      %dma_start3A_846 = arith.constant 0 : i32
      %dma_start3A_847 = arith.constant 0 : i32
      %dma_start3A_848 = tpu.memref_slice %arg6[%dma_start3A_846, %dma_start3A_847] : memref<100000x128xf32, #tpu.memory_space<hbm>> -> memref<100000x128xf32, #tpu.memory_space<hbm>>
      tpu.enqueue_indirect_dma source(%dma_start3A_848 : memref<100000x128xf32, #tpu.memory_space<hbm>>) target(%dma_start3A_842 : memref<128x128xf32, #tpu.memory_space<vmem>>) offsets(%dma_start3A_845 : memref<128xi32, #tpu.memory_space<vmem>>) semaphore(%arg18 : memref<!tpu.dma_semaphore, #tpu.memory_space<semaphore_mem>>)
      %mul3A_849 = arith.constant 4 : i32
      %mul3A_850 = arith.muli %scan3A_736, %mul3A_849 : i32
      %add3A_851 = arith.constant 1 : i32
      %add3A_852 = arith.addi %add3A_851, %mul3A_850 : i32
      %add3A_853 = arith.constant 2 : i32
      %add3A_854 = arith.addi %add3A_852, %add3A_853 : i32
      %dma_wait3A_855 = arith.constant 20 : i32
      %dma_wait3A_856 = arith.constant 0 : i32
      %dma_wait3A_857 = arith.constant 0 : i32
      %dma_wait3A_858 = tpu.memref_slice %arg16[%dma_wait3A_856, %dma_wait3A_857] : memref<200x128xf32, #tpu.memory_space<vmem>> -> memref<128x128xf32, #tpu.memory_space<vmem>>
      %dma_wait3A_859 = arith.constant 0 : i32
      %dma_wait3A_860 = tpu.memref_slice %arg11[%dma_wait3A_855, %dma_wait3A_859] : memref<70x128xi32, #tpu.memory_space<vmem>> -> memref<1x128xi32, #tpu.memory_space<vmem>>
      %dma_wait3A_861 = tpu.memref_squeeze %dma_wait3A_860 : memref<1x128xi32, #tpu.memory_space<vmem>> -> memref<128xi32, #tpu.memory_space<vmem>>
      %dma_wait3A_862 = arith.constant 0 : i32
      %dma_wait3A_863 = arith.constant 0 : i32
      %dma_wait3A_864 = tpu.memref_slice %arg6[%dma_wait3A_862, %dma_wait3A_863] : memref<100000x128xf32, #tpu.memory_space<hbm>> -> memref<100000x128xf32, #tpu.memory_space<hbm>>
      tpu.wait_indirect_dma semaphore(%arg20 : memref<!tpu.dma_semaphore, #tpu.memory_space<semaphore_mem>>) src(%dma_wait3A_864 : memref<100000x128xf32, #tpu.memory_space<hbm>>) dst(%dma_wait3A_858 : memref<128x128xf32, #tpu.memory_space<vmem>>)
      %dma_start3A_865 = arith.constant 0 : i32
      %dma_start3A_866 = arith.constant 0 : i32
      %dma_start3A_867 = tpu.memref_slice %arg16[%dma_start3A_865, %dma_start3A_866] : memref<200x128xf32, #tpu.memory_space<vmem>> -> memref<128x128xf32, #tpu.memory_space<vmem>>
      %dma_start3A_868 = arith.constant 0 : i32
      %dma_start3A_869 = tpu.memref_slice %arg9[%add3A_854, %mul3A_2, %dma_start3A_868] : memref<50x4096x128xf32, #tpu.memory_space<hbm>> -> memref<1x128x128xf32, #tpu.memory_space<hbm>>
      %dma_start3A_870 = tpu.memref_squeeze %dma_start3A_869 : memref<1x128x128xf32, #tpu.memory_space<hbm>> -> memref<128x128xf32, #tpu.memory_space<hbm>>
      %dma_start3A_871 = arith.constant 0 : i32
      %dma_start3A_872 = tpu.memref_slice %arg9[%add3A_854, %mul3A_2, %dma_start3A_871] : memref<50x4096x128xf32, #tpu.memory_space<hbm>> -> memref<1x128x128xf32, #tpu.memory_space<hbm>>
      %dma_start3A_873 = tpu.memref_squeeze %dma_start3A_872 : memref<1x128x128xf32, #tpu.memory_space<hbm>> -> memref<128x128xf32, #tpu.memory_space<hbm>>
      %dma_start3A_874 = arith.constant 0 : i32
      %dma_start3A_875 = arith.constant 0 : i32
      %dma_start3A_876 = tpu.memref_slice %arg16[%dma_start3A_874, %dma_start3A_875] : memref<200x128xf32, #tpu.memory_space<vmem>> -> memref<128x128xf32, #tpu.memory_space<vmem>>
      tpu.enqueue_dma source(%dma_start3A_876 : memref<128x128xf32, #tpu.memory_space<vmem>>) target(%dma_start3A_873 : memref<128x128xf32, #tpu.memory_space<hbm>>) target_semaphore(%arg24 : memref<!tpu.dma_semaphore, #tpu.memory_space<semaphore_mem>>)
      %dma_wait3A_877 = arith.constant 0 : i32
      %dma_wait3A_878 = arith.constant 0 : i32
      %dma_wait3A_879 = arith.constant 0 : i32
      %dma_wait3A_880 = tpu.memref_slice %arg15[%dma_wait3A_878, %dma_wait3A_879] : memref<200x128xf32, #tpu.memory_space<vmem>> -> memref<128x128xf32, #tpu.memory_space<vmem>>
      %dma_wait3A_881 = arith.constant 0 : i32
      %dma_wait3A_882 = tpu.memref_slice %arg9[%dma_wait3A_877, %mul3A_2, %dma_wait3A_881] : memref<50x4096x128xf32, #tpu.memory_space<hbm>> -> memref<1x128x128xf32, #tpu.memory_space<hbm>>
      %dma_wait3A_883 = tpu.memref_squeeze %dma_wait3A_882 : memref<1x128x128xf32, #tpu.memory_space<hbm>> -> memref<128x128xf32, #tpu.memory_space<hbm>>
      %dma_wait3A_884 = arith.constant 0 : i32
      %dma_wait3A_885 = tpu.memref_slice %arg9[%dma_wait3A_877, %mul3A_2, %dma_wait3A_884] : memref<50x4096x128xf32, #tpu.memory_space<hbm>> -> memref<1x128x128xf32, #tpu.memory_space<hbm>>
      %dma_wait3A_886 = tpu.memref_squeeze %dma_wait3A_885 : memref<1x128x128xf32, #tpu.memory_space<hbm>> -> memref<128x128xf32, #tpu.memory_space<hbm>>
      %dma_wait3A_887 = arith.constant 0 : i32
      %dma_wait3A_888 = arith.constant 0 : i32
      %dma_wait3A_889 = tpu.memref_slice %arg15[%dma_wait3A_887, %dma_wait3A_888] : memref<200x128xf32, #tpu.memory_space<vmem>> -> memref<128x128xf32, #tpu.memory_space<vmem>>
      tpu.wait_dma2 semaphore(%arg23 : memref<!tpu.dma_semaphore, #tpu.memory_space<semaphore_mem>>) src(%dma_wait3A_889 : memref<128x128xf32, #tpu.memory_space<vmem>>) dst(%dma_wait3A_886 : memref<128x128xf32, #tpu.memory_space<hbm>>)
      %add3A_890 = arith.constant 4 : i32
      %add3A_891 = arith.addi %add3A_854, %add3A_890 : i32
      %sub3A_892 = arith.constant 1 : i32
      %sub3A_893 = arith.subi %add3A_891, %sub3A_892 : i32
      %add3A_894 = arith.constant 20 : i32
      %add3A_895 = arith.addi %add3A_894, %sub3A_893 : i32
      %dma_start3A_896 = arith.constant 0 : i32
      %dma_start3A_897 = arith.constant 0 : i32
      %dma_start3A_898 = tpu.memref_slice %arg15[%dma_start3A_896, %dma_start3A_897] : memref<200x128xf32, #tpu.memory_space<vmem>> -> memref<128x128xf32, #tpu.memory_space<vmem>>
      %dma_start3A_899 = arith.constant 0 : i32
      %dma_start3A_900 = tpu.memref_slice %arg11[%add3A_895, %dma_start3A_899] : memref<70x128xi32, #tpu.memory_space<vmem>> -> memref<1x128xi32, #tpu.memory_space<vmem>>
      %dma_start3A_901 = tpu.memref_squeeze %dma_start3A_900 : memref<1x128xi32, #tpu.memory_space<vmem>> -> memref<128xi32, #tpu.memory_space<vmem>>
      %dma_start3A_902 = arith.constant 0 : i32
      %dma_start3A_903 = arith.constant 0 : i32
      %dma_start3A_904 = tpu.memref_slice %arg6[%dma_start3A_902, %dma_start3A_903] : memref<100000x128xf32, #tpu.memory_space<hbm>> -> memref<100000x128xf32, #tpu.memory_space<hbm>>
      tpu.enqueue_indirect_dma source(%dma_start3A_904 : memref<100000x128xf32, #tpu.memory_space<hbm>>) target(%dma_start3A_898 : memref<128x128xf32, #tpu.memory_space<vmem>>) offsets(%dma_start3A_901 : memref<128xi32, #tpu.memory_space<vmem>>) semaphore(%arg19 : memref<!tpu.dma_semaphore, #tpu.memory_space<semaphore_mem>>)
      %mul3A_905 = arith.constant 4 : i32
      %mul3A_906 = arith.muli %scan3A_736, %mul3A_905 : i32
      %add3A_907 = arith.constant 1 : i32
      %add3A_908 = arith.addi %add3A_907, %mul3A_906 : i32
      %add3A_909 = arith.constant 3 : i32
      %add3A_910 = arith.addi %add3A_908, %add3A_909 : i32
      %dma_wait3A_911 = arith.constant 20 : i32
      %dma_wait3A_912 = arith.constant 0 : i32
      %dma_wait3A_913 = arith.constant 0 : i32
      %dma_wait3A_914 = tpu.memref_slice %arg13[%dma_wait3A_912, %dma_wait3A_913] : memref<200x128xf32, #tpu.memory_space<vmem>> -> memref<128x128xf32, #tpu.memory_space<vmem>>
      %dma_wait3A_915 = arith.constant 0 : i32
      %dma_wait3A_916 = tpu.memref_slice %arg11[%dma_wait3A_911, %dma_wait3A_915] : memref<70x128xi32, #tpu.memory_space<vmem>> -> memref<1x128xi32, #tpu.memory_space<vmem>>
      %dma_wait3A_917 = tpu.memref_squeeze %dma_wait3A_916 : memref<1x128xi32, #tpu.memory_space<vmem>> -> memref<128xi32, #tpu.memory_space<vmem>>
      %dma_wait3A_918 = arith.constant 0 : i32
      %dma_wait3A_919 = arith.constant 0 : i32
      %dma_wait3A_920 = tpu.memref_slice %arg6[%dma_wait3A_918, %dma_wait3A_919] : memref<100000x128xf32, #tpu.memory_space<hbm>> -> memref<100000x128xf32, #tpu.memory_space<hbm>>
      tpu.wait_indirect_dma semaphore(%arg17 : memref<!tpu.dma_semaphore, #tpu.memory_space<semaphore_mem>>) src(%dma_wait3A_920 : memref<100000x128xf32, #tpu.memory_space<hbm>>) dst(%dma_wait3A_914 : memref<128x128xf32, #tpu.memory_space<vmem>>)
      %dma_start3A_921 = arith.constant 0 : i32
      %dma_start3A_922 = arith.constant 0 : i32
      %dma_start3A_923 = tpu.memref_slice %arg13[%dma_start3A_921, %dma_start3A_922] : memref<200x128xf32, #tpu.memory_space<vmem>> -> memref<128x128xf32, #tpu.memory_space<vmem>>
      %dma_start3A_924 = arith.constant 0 : i32
      %dma_start3A_925 = tpu.memref_slice %arg9[%add3A_910, %mul3A_2, %dma_start3A_924] : memref<50x4096x128xf32, #tpu.memory_space<hbm>> -> memref<1x128x128xf32, #tpu.memory_space<hbm>>
      %dma_start3A_926 = tpu.memref_squeeze %dma_start3A_925 : memref<1x128x128xf32, #tpu.memory_space<hbm>> -> memref<128x128xf32, #tpu.memory_space<hbm>>
      %dma_start3A_927 = arith.constant 0 : i32
      %dma_start3A_928 = tpu.memref_slice %arg9[%add3A_910, %mul3A_2, %dma_start3A_927] : memref<50x4096x128xf32, #tpu.memory_space<hbm>> -> memref<1x128x128xf32, #tpu.memory_space<hbm>>
      %dma_start3A_929 = tpu.memref_squeeze %dma_start3A_928 : memref<1x128x128xf32, #tpu.memory_space<hbm>> -> memref<128x128xf32, #tpu.memory_space<hbm>>
      %dma_start3A_930 = arith.constant 0 : i32
      %dma_start3A_931 = arith.constant 0 : i32
      %dma_start3A_932 = tpu.memref_slice %arg13[%dma_start3A_930, %dma_start3A_931] : memref<200x128xf32, #tpu.memory_space<vmem>> -> memref<128x128xf32, #tpu.memory_space<vmem>>
      tpu.enqueue_dma source(%dma_start3A_932 : memref<128x128xf32, #tpu.memory_space<vmem>>) target(%dma_start3A_929 : memref<128x128xf32, #tpu.memory_space<hbm>>) target_semaphore(%arg21 : memref<!tpu.dma_semaphore, #tpu.memory_space<semaphore_mem>>)
      %dma_wait3A_933 = arith.constant 0 : i32
      %dma_wait3A_934 = arith.constant 0 : i32
      %dma_wait3A_935 = arith.constant 0 : i32
      %dma_wait3A_936 = tpu.memref_slice %arg16[%dma_wait3A_934, %dma_wait3A_935] : memref<200x128xf32, #tpu.memory_space<vmem>> -> memref<128x128xf32, #tpu.memory_space<vmem>>
      %dma_wait3A_937 = arith.constant 0 : i32
      %dma_wait3A_938 = tpu.memref_slice %arg9[%dma_wait3A_933, %mul3A_2, %dma_wait3A_937] : memref<50x4096x128xf32, #tpu.memory_space<hbm>> -> memref<1x128x128xf32, #tpu.memory_space<hbm>>
      %dma_wait3A_939 = tpu.memref_squeeze %dma_wait3A_938 : memref<1x128x128xf32, #tpu.memory_space<hbm>> -> memref<128x128xf32, #tpu.memory_space<hbm>>
      %dma_wait3A_940 = arith.constant 0 : i32
      %dma_wait3A_941 = tpu.memref_slice %arg9[%dma_wait3A_933, %mul3A_2, %dma_wait3A_940] : memref<50x4096x128xf32, #tpu.memory_space<hbm>> -> memref<1x128x128xf32, #tpu.memory_space<hbm>>
      %dma_wait3A_942 = tpu.memref_squeeze %dma_wait3A_941 : memref<1x128x128xf32, #tpu.memory_space<hbm>> -> memref<128x128xf32, #tpu.memory_space<hbm>>
      %dma_wait3A_943 = arith.constant 0 : i32
      %dma_wait3A_944 = arith.constant 0 : i32
      %dma_wait3A_945 = tpu.memref_slice %arg16[%dma_wait3A_943, %dma_wait3A_944] : memref<200x128xf32, #tpu.memory_space<vmem>> -> memref<128x128xf32, #tpu.memory_space<vmem>>
      tpu.wait_dma2 semaphore(%arg24 : memref<!tpu.dma_semaphore, #tpu.memory_space<semaphore_mem>>) src(%dma_wait3A_945 : memref<128x128xf32, #tpu.memory_space<vmem>>) dst(%dma_wait3A_942 : memref<128x128xf32, #tpu.memory_space<hbm>>)
      %add3A_946 = arith.constant 4 : i32
      %add3A_947 = arith.addi %add3A_910, %add3A_946 : i32
      %sub3A_948 = arith.constant 1 : i32
      %sub3A_949 = arith.subi %add3A_947, %sub3A_948 : i32
      %add3A_950 = arith.constant 20 : i32
      %add3A_951 = arith.addi %add3A_950, %sub3A_949 : i32
      %dma_start3A_952 = arith.constant 0 : i32
      %dma_start3A_953 = arith.constant 0 : i32
      %dma_start3A_954 = tpu.memref_slice %arg16[%dma_start3A_952, %dma_start3A_953] : memref<200x128xf32, #tpu.memory_space<vmem>> -> memref<128x128xf32, #tpu.memory_space<vmem>>
      %dma_start3A_955 = arith.constant 0 : i32
      %dma_start3A_956 = tpu.memref_slice %arg11[%add3A_951, %dma_start3A_955] : memref<70x128xi32, #tpu.memory_space<vmem>> -> memref<1x128xi32, #tpu.memory_space<vmem>>
      %dma_start3A_957 = tpu.memref_squeeze %dma_start3A_956 : memref<1x128xi32, #tpu.memory_space<vmem>> -> memref<128xi32, #tpu.memory_space<vmem>>
      %dma_start3A_958 = arith.constant 0 : i32
      %dma_start3A_959 = arith.constant 0 : i32
      %dma_start3A_960 = tpu.memref_slice %arg6[%dma_start3A_958, %dma_start3A_959] : memref<100000x128xf32, #tpu.memory_space<hbm>> -> memref<100000x128xf32, #tpu.memory_space<hbm>>
      tpu.enqueue_indirect_dma source(%dma_start3A_960 : memref<100000x128xf32, #tpu.memory_space<hbm>>) target(%dma_start3A_954 : memref<128x128xf32, #tpu.memory_space<vmem>>) offsets(%dma_start3A_957 : memref<128xi32, #tpu.memory_space<vmem>>) semaphore(%arg20 : memref<!tpu.dma_semaphore, #tpu.memory_space<semaphore_mem>>)
      %scan3A_961 = arith.constant 0 : i32
      scf.yield %scan3A_961 : i32
    }
    %scan3A_260 = arith.constant 11 : i32
    %dma_wait3A_261 = arith.constant 20 : i32
    %dma_wait3A_262 = arith.constant 0 : i32
    %dma_wait3A_263 = arith.constant 0 : i32
    %dma_wait3A_264 = tpu.memref_slice %arg14[%dma_wait3A_262, %dma_wait3A_263] : memref<200x128xf32, #tpu.memory_space<vmem>> -> memref<128x128xf32, #tpu.memory_space<vmem>>
    %dma_wait3A_265 = arith.constant 0 : i32
    %dma_wait3A_266 = tpu.memref_slice %arg11[%dma_wait3A_261, %dma_wait3A_265] : memref<70x128xi32, #tpu.memory_space<vmem>> -> memref<1x128xi32, #tpu.memory_space<vmem>>
    %dma_wait3A_267 = tpu.memref_squeeze %dma_wait3A_266 : memref<1x128xi32, #tpu.memory_space<vmem>> -> memref<128xi32, #tpu.memory_space<vmem>>
    %dma_wait3A_268 = arith.constant 0 : i32
    %dma_wait3A_269 = arith.constant 0 : i32
    %dma_wait3A_270 = tpu.memref_slice %arg6[%dma_wait3A_268, %dma_wait3A_269] : memref<100000x128xf32, #tpu.memory_space<hbm>> -> memref<100000x128xf32, #tpu.memory_space<hbm>>
    tpu.wait_indirect_dma semaphore(%arg18 : memref<!tpu.dma_semaphore, #tpu.memory_space<semaphore_mem>>) src(%dma_wait3A_270 : memref<100000x128xf32, #tpu.memory_space<hbm>>) dst(%dma_wait3A_264 : memref<128x128xf32, #tpu.memory_space<vmem>>)
    %dma_start3A_271 = arith.constant 45 : i32
    %dma_start3A_272 = arith.constant 0 : i32
    %dma_start3A_273 = arith.constant 0 : i32
    %dma_start3A_274 = tpu.memref_slice %arg14[%dma_start3A_272, %dma_start3A_273] : memref<200x128xf32, #tpu.memory_space<vmem>> -> memref<128x128xf32, #tpu.memory_space<vmem>>
    %dma_start3A_275 = arith.constant 0 : i32
    %dma_start3A_276 = tpu.memref_slice %arg9[%dma_start3A_271, %mul3A_2, %dma_start3A_275] : memref<50x4096x128xf32, #tpu.memory_space<hbm>> -> memref<1x128x128xf32, #tpu.memory_space<hbm>>
    %dma_start3A_277 = tpu.memref_squeeze %dma_start3A_276 : memref<1x128x128xf32, #tpu.memory_space<hbm>> -> memref<128x128xf32, #tpu.memory_space<hbm>>
    %dma_start3A_278 = arith.constant 0 : i32
    %dma_start3A_279 = tpu.memref_slice %arg9[%dma_start3A_271, %mul3A_2, %dma_start3A_278] : memref<50x4096x128xf32, #tpu.memory_space<hbm>> -> memref<1x128x128xf32, #tpu.memory_space<hbm>>
    %dma_start3A_280 = tpu.memref_squeeze %dma_start3A_279 : memref<1x128x128xf32, #tpu.memory_space<hbm>> -> memref<128x128xf32, #tpu.memory_space<hbm>>
    %dma_start3A_281 = arith.constant 0 : i32
    %dma_start3A_282 = arith.constant 0 : i32
    %dma_start3A_283 = tpu.memref_slice %arg14[%dma_start3A_281, %dma_start3A_282] : memref<200x128xf32, #tpu.memory_space<vmem>> -> memref<128x128xf32, #tpu.memory_space<vmem>>
    tpu.enqueue_dma source(%dma_start3A_283 : memref<128x128xf32, #tpu.memory_space<vmem>>) target(%dma_start3A_280 : memref<128x128xf32, #tpu.memory_space<hbm>>) target_semaphore(%arg22 : memref<!tpu.dma_semaphore, #tpu.memory_space<semaphore_mem>>)
    %dma_wait3A_284 = arith.constant 0 : i32
    %dma_wait3A_285 = arith.constant 0 : i32
    %dma_wait3A_286 = arith.constant 0 : i32
    %dma_wait3A_287 = tpu.memref_slice %arg13[%dma_wait3A_285, %dma_wait3A_286] : memref<200x128xf32, #tpu.memory_space<vmem>> -> memref<128x128xf32, #tpu.memory_space<vmem>>
    %dma_wait3A_288 = arith.constant 0 : i32
    %dma_wait3A_289 = tpu.memref_slice %arg9[%dma_wait3A_284, %mul3A_2, %dma_wait3A_288] : memref<50x4096x128xf32, #tpu.memory_space<hbm>> -> memref<1x128x128xf32, #tpu.memory_space<hbm>>
    %dma_wait3A_290 = tpu.memref_squeeze %dma_wait3A_289 : memref<1x128x128xf32, #tpu.memory_space<hbm>> -> memref<128x128xf32, #tpu.memory_space<hbm>>
    %dma_wait3A_291 = arith.constant 0 : i32
    %dma_wait3A_292 = tpu.memref_slice %arg9[%dma_wait3A_284, %mul3A_2, %dma_wait3A_291] : memref<50x4096x128xf32, #tpu.memory_space<hbm>> -> memref<1x128x128xf32, #tpu.memory_space<hbm>>
    %dma_wait3A_293 = tpu.memref_squeeze %dma_wait3A_292 : memref<1x128x128xf32, #tpu.memory_space<hbm>> -> memref<128x128xf32, #tpu.memory_space<hbm>>
    %dma_wait3A_294 = arith.constant 0 : i32
    %dma_wait3A_295 = arith.constant 0 : i32
    %dma_wait3A_296 = tpu.memref_slice %arg13[%dma_wait3A_294, %dma_wait3A_295] : memref<200x128xf32, #tpu.memory_space<vmem>> -> memref<128x128xf32, #tpu.memory_space<vmem>>
    tpu.wait_dma2 semaphore(%arg21 : memref<!tpu.dma_semaphore, #tpu.memory_space<semaphore_mem>>) src(%dma_wait3A_296 : memref<128x128xf32, #tpu.memory_space<vmem>>) dst(%dma_wait3A_293 : memref<128x128xf32, #tpu.memory_space<hbm>>)
    %dma_start3A_297 = arith.constant 68 : i32
    %dma_start3A_298 = arith.constant 0 : i32
    %dma_start3A_299 = arith.constant 0 : i32
    %dma_start3A_300 = tpu.memref_slice %arg13[%dma_start3A_298, %dma_start3A_299] : memref<200x128xf32, #tpu.memory_space<vmem>> -> memref<128x128xf32, #tpu.memory_space<vmem>>
    %dma_start3A_301 = arith.constant 0 : i32
    %dma_start3A_302 = tpu.memref_slice %arg11[%dma_start3A_297, %dma_start3A_301] : memref<70x128xi32, #tpu.memory_space<vmem>> -> memref<1x128xi32, #tpu.memory_space<vmem>>
    %dma_start3A_303 = tpu.memref_squeeze %dma_start3A_302 : memref<1x128xi32, #tpu.memory_space<vmem>> -> memref<128xi32, #tpu.memory_space<vmem>>
    %dma_start3A_304 = arith.constant 0 : i32
    %dma_start3A_305 = arith.constant 0 : i32
    %dma_start3A_306 = tpu.memref_slice %arg6[%dma_start3A_304, %dma_start3A_305] : memref<100000x128xf32, #tpu.memory_space<hbm>> -> memref<100000x128xf32, #tpu.memory_space<hbm>>
    tpu.enqueue_indirect_dma source(%dma_start3A_306 : memref<100000x128xf32, #tpu.memory_space<hbm>>) target(%dma_start3A_300 : memref<128x128xf32, #tpu.memory_space<vmem>>) offsets(%dma_start3A_303 : memref<128xi32, #tpu.memory_space<vmem>>) semaphore(%arg17 : memref<!tpu.dma_semaphore, #tpu.memory_space<semaphore_mem>>)
    %dma_wait3A_307 = arith.constant 20 : i32
    %dma_wait3A_308 = arith.constant 0 : i32
    %dma_wait3A_309 = arith.constant 0 : i32
    %dma_wait3A_310 = tpu.memref_slice %arg15[%dma_wait3A_308, %dma_wait3A_309] : memref<200x128xf32, #tpu.memory_space<vmem>> -> memref<128x128xf32, #tpu.memory_space<vmem>>
    %dma_wait3A_311 = arith.constant 0 : i32
    %dma_wait3A_312 = tpu.memref_slice %arg11[%dma_wait3A_307, %dma_wait3A_311] : memref<70x128xi32, #tpu.memory_space<vmem>> -> memref<1x128xi32, #tpu.memory_space<vmem>>
    %dma_wait3A_313 = tpu.memref_squeeze %dma_wait3A_312 : memref<1x128xi32, #tpu.memory_space<vmem>> -> memref<128xi32, #tpu.memory_space<vmem>>
    %dma_wait3A_314 = arith.constant 0 : i32
    %dma_wait3A_315 = arith.constant 0 : i32
    %dma_wait3A_316 = tpu.memref_slice %arg6[%dma_wait3A_314, %dma_wait3A_315] : memref<100000x128xf32, #tpu.memory_space<hbm>> -> memref<100000x128xf32, #tpu.memory_space<hbm>>
    tpu.wait_indirect_dma semaphore(%arg19 : memref<!tpu.dma_semaphore, #tpu.memory_space<semaphore_mem>>) src(%dma_wait3A_316 : memref<100000x128xf32, #tpu.memory_space<hbm>>) dst(%dma_wait3A_310 : memref<128x128xf32, #tpu.memory_space<vmem>>)
    %dma_start3A_317 = arith.constant 46 : i32
    %dma_start3A_318 = arith.constant 0 : i32
    %dma_start3A_319 = arith.constant 0 : i32
    %dma_start3A_320 = tpu.memref_slice %arg15[%dma_start3A_318, %dma_start3A_319] : memref<200x128xf32, #tpu.memory_space<vmem>> -> memref<128x128xf32, #tpu.memory_space<vmem>>
    %dma_start3A_321 = arith.constant 0 : i32
    %dma_start3A_322 = tpu.memref_slice %arg9[%dma_start3A_317, %mul3A_2, %dma_start3A_321] : memref<50x4096x128xf32, #tpu.memory_space<hbm>> -> memref<1x128x128xf32, #tpu.memory_space<hbm>>
    %dma_start3A_323 = tpu.memref_squeeze %dma_start3A_322 : memref<1x128x128xf32, #tpu.memory_space<hbm>> -> memref<128x128xf32, #tpu.memory_space<hbm>>
    %dma_start3A_324 = arith.constant 0 : i32
    %dma_start3A_325 = tpu.memref_slice %arg9[%dma_start3A_317, %mul3A_2, %dma_start3A_324] : memref<50x4096x128xf32, #tpu.memory_space<hbm>> -> memref<1x128x128xf32, #tpu.memory_space<hbm>>
    %dma_start3A_326 = tpu.memref_squeeze %dma_start3A_325 : memref<1x128x128xf32, #tpu.memory_space<hbm>> -> memref<128x128xf32, #tpu.memory_space<hbm>>
    %dma_start3A_327 = arith.constant 0 : i32
    %dma_start3A_328 = arith.constant 0 : i32
    %dma_start3A_329 = tpu.memref_slice %arg15[%dma_start3A_327, %dma_start3A_328] : memref<200x128xf32, #tpu.memory_space<vmem>> -> memref<128x128xf32, #tpu.memory_space<vmem>>
    tpu.enqueue_dma source(%dma_start3A_329 : memref<128x128xf32, #tpu.memory_space<vmem>>) target(%dma_start3A_326 : memref<128x128xf32, #tpu.memory_space<hbm>>) target_semaphore(%arg23 : memref<!tpu.dma_semaphore, #tpu.memory_space<semaphore_mem>>)
    %dma_wait3A_330 = arith.constant 0 : i32
    %dma_wait3A_331 = arith.constant 0 : i32
    %dma_wait3A_332 = arith.constant 0 : i32
    %dma_wait3A_333 = tpu.memref_slice %arg14[%dma_wait3A_331, %dma_wait3A_332] : memref<200x128xf32, #tpu.memory_space<vmem>> -> memref<128x128xf32, #tpu.memory_space<vmem>>
    %dma_wait3A_334 = arith.constant 0 : i32
    %dma_wait3A_335 = tpu.memref_slice %arg9[%dma_wait3A_330, %mul3A_2, %dma_wait3A_334] : memref<50x4096x128xf32, #tpu.memory_space<hbm>> -> memref<1x128x128xf32, #tpu.memory_space<hbm>>
    %dma_wait3A_336 = tpu.memref_squeeze %dma_wait3A_335 : memref<1x128x128xf32, #tpu.memory_space<hbm>> -> memref<128x128xf32, #tpu.memory_space<hbm>>
    %dma_wait3A_337 = arith.constant 0 : i32
    %dma_wait3A_338 = tpu.memref_slice %arg9[%dma_wait3A_330, %mul3A_2, %dma_wait3A_337] : memref<50x4096x128xf32, #tpu.memory_space<hbm>> -> memref<1x128x128xf32, #tpu.memory_space<hbm>>
    %dma_wait3A_339 = tpu.memref_squeeze %dma_wait3A_338 : memref<1x128x128xf32, #tpu.memory_space<hbm>> -> memref<128x128xf32, #tpu.memory_space<hbm>>
    %dma_wait3A_340 = arith.constant 0 : i32
    %dma_wait3A_341 = arith.constant 0 : i32
    %dma_wait3A_342 = tpu.memref_slice %arg14[%dma_wait3A_340, %dma_wait3A_341] : memref<200x128xf32, #tpu.memory_space<vmem>> -> memref<128x128xf32, #tpu.memory_space<vmem>>
    tpu.wait_dma2 semaphore(%arg22 : memref<!tpu.dma_semaphore, #tpu.memory_space<semaphore_mem>>) src(%dma_wait3A_342 : memref<128x128xf32, #tpu.memory_space<vmem>>) dst(%dma_wait3A_339 : memref<128x128xf32, #tpu.memory_space<hbm>>)
    %dma_start3A_343 = arith.constant 69 : i32
    %dma_start3A_344 = arith.constant 0 : i32
    %dma_start3A_345 = arith.constant 0 : i32
    %dma_start3A_346 = tpu.memref_slice %arg14[%dma_start3A_344, %dma_start3A_345] : memref<200x128xf32, #tpu.memory_space<vmem>> -> memref<128x128xf32, #tpu.memory_space<vmem>>
    %dma_start3A_347 = arith.constant 0 : i32
    %dma_start3A_348 = tpu.memref_slice %arg11[%dma_start3A_343, %dma_start3A_347] : memref<70x128xi32, #tpu.memory_space<vmem>> -> memref<1x128xi32, #tpu.memory_space<vmem>>
    %dma_start3A_349 = tpu.memref_squeeze %dma_start3A_348 : memref<1x128xi32, #tpu.memory_space<vmem>> -> memref<128xi32, #tpu.memory_space<vmem>>
    %dma_start3A_350 = arith.constant 0 : i32
    %dma_start3A_351 = arith.constant 0 : i32
    %dma_start3A_352 = tpu.memref_slice %arg6[%dma_start3A_350, %dma_start3A_351] : memref<100000x128xf32, #tpu.memory_space<hbm>> -> memref<100000x128xf32, #tpu.memory_space<hbm>>
    tpu.enqueue_indirect_dma source(%dma_start3A_352 : memref<100000x128xf32, #tpu.memory_space<hbm>>) target(%dma_start3A_346 : memref<128x128xf32, #tpu.memory_space<vmem>>) offsets(%dma_start3A_349 : memref<128xi32, #tpu.memory_space<vmem>>) semaphore(%arg18 : memref<!tpu.dma_semaphore, #tpu.memory_space<semaphore_mem>>)
    %dma_wait3A_353 = arith.constant 20 : i32
    %dma_wait3A_354 = arith.constant 0 : i32
    %dma_wait3A_355 = arith.constant 0 : i32
    %dma_wait3A_356 = tpu.memref_slice %arg16[%dma_wait3A_354, %dma_wait3A_355] : memref<200x128xf32, #tpu.memory_space<vmem>> -> memref<128x128xf32, #tpu.memory_space<vmem>>
    %dma_wait3A_357 = arith.constant 0 : i32
    %dma_wait3A_358 = tpu.memref_slice %arg11[%dma_wait3A_353, %dma_wait3A_357] : memref<70x128xi32, #tpu.memory_space<vmem>> -> memref<1x128xi32, #tpu.memory_space<vmem>>
    %dma_wait3A_359 = tpu.memref_squeeze %dma_wait3A_358 : memref<1x128xi32, #tpu.memory_space<vmem>> -> memref<128xi32, #tpu.memory_space<vmem>>
    %dma_wait3A_360 = arith.constant 0 : i32
    %dma_wait3A_361 = arith.constant 0 : i32
    %dma_wait3A_362 = tpu.memref_slice %arg6[%dma_wait3A_360, %dma_wait3A_361] : memref<100000x128xf32, #tpu.memory_space<hbm>> -> memref<100000x128xf32, #tpu.memory_space<hbm>>
    tpu.wait_indirect_dma semaphore(%arg20 : memref<!tpu.dma_semaphore, #tpu.memory_space<semaphore_mem>>) src(%dma_wait3A_362 : memref<100000x128xf32, #tpu.memory_space<hbm>>) dst(%dma_wait3A_356 : memref<128x128xf32, #tpu.memory_space<vmem>>)
    %dma_start3A_363 = arith.constant 47 : i32
    %dma_start3A_364 = arith.constant 0 : i32
    %dma_start3A_365 = arith.constant 0 : i32
    %dma_start3A_366 = tpu.memref_slice %arg16[%dma_start3A_364, %dma_start3A_365] : memref<200x128xf32, #tpu.memory_space<vmem>> -> memref<128x128xf32, #tpu.memory_space<vmem>>
    %dma_start3A_367 = arith.constant 0 : i32
    %dma_start3A_368 = tpu.memref_slice %arg9[%dma_start3A_363, %mul3A_2, %dma_start3A_367] : memref<50x4096x128xf32, #tpu.memory_space<hbm>> -> memref<1x128x128xf32, #tpu.memory_space<hbm>>
    %dma_start3A_369 = tpu.memref_squeeze %dma_start3A_368 : memref<1x128x128xf32, #tpu.memory_space<hbm>> -> memref<128x128xf32, #tpu.memory_space<hbm>>
    %dma_start3A_370 = arith.constant 0 : i32
    %dma_start3A_371 = tpu.memref_slice %arg9[%dma_start3A_363, %mul3A_2, %dma_start3A_370] : memref<50x4096x128xf32, #tpu.memory_space<hbm>> -> memref<1x128x128xf32, #tpu.memory_space<hbm>>
    %dma_start3A_372 = tpu.memref_squeeze %dma_start3A_371 : memref<1x128x128xf32, #tpu.memory_space<hbm>> -> memref<128x128xf32, #tpu.memory_space<hbm>>
    %dma_start3A_373 = arith.constant 0 : i32
    %dma_start3A_374 = arith.constant 0 : i32
    %dma_start3A_375 = tpu.memref_slice %arg16[%dma_start3A_373, %dma_start3A_374] : memref<200x128xf32, #tpu.memory_space<vmem>> -> memref<128x128xf32, #tpu.memory_space<vmem>>
    tpu.enqueue_dma source(%dma_start3A_375 : memref<128x128xf32, #tpu.memory_space<vmem>>) target(%dma_start3A_372 : memref<128x128xf32, #tpu.memory_space<hbm>>) target_semaphore(%arg24 : memref<!tpu.dma_semaphore, #tpu.memory_space<semaphore_mem>>)
    %dma_wait3A_376 = arith.constant 20 : i32
    %dma_wait3A_377 = arith.constant 0 : i32
    %dma_wait3A_378 = arith.constant 0 : i32
    %dma_wait3A_379 = tpu.memref_slice %arg13[%dma_wait3A_377, %dma_wait3A_378] : memref<200x128xf32, #tpu.memory_space<vmem>> -> memref<128x128xf32, #tpu.memory_space<vmem>>
    %dma_wait3A_380 = arith.constant 0 : i32
    %dma_wait3A_381 = tpu.memref_slice %arg11[%dma_wait3A_376, %dma_wait3A_380] : memref<70x128xi32, #tpu.memory_space<vmem>> -> memref<1x128xi32, #tpu.memory_space<vmem>>
    %dma_wait3A_382 = tpu.memref_squeeze %dma_wait3A_381 : memref<1x128xi32, #tpu.memory_space<vmem>> -> memref<128xi32, #tpu.memory_space<vmem>>
    %dma_wait3A_383 = arith.constant 0 : i32
    %dma_wait3A_384 = arith.constant 0 : i32
    %dma_wait3A_385 = tpu.memref_slice %arg6[%dma_wait3A_383, %dma_wait3A_384] : memref<100000x128xf32, #tpu.memory_space<hbm>> -> memref<100000x128xf32, #tpu.memory_space<hbm>>
    tpu.wait_indirect_dma semaphore(%arg17 : memref<!tpu.dma_semaphore, #tpu.memory_space<semaphore_mem>>) src(%dma_wait3A_385 : memref<100000x128xf32, #tpu.memory_space<hbm>>) dst(%dma_wait3A_379 : memref<128x128xf32, #tpu.memory_space<vmem>>)
    %dma_start3A_386 = arith.constant 48 : i32
    %dma_start3A_387 = arith.constant 0 : i32
    %dma_start3A_388 = arith.constant 0 : i32
    %dma_start3A_389 = tpu.memref_slice %arg13[%dma_start3A_387, %dma_start3A_388] : memref<200x128xf32, #tpu.memory_space<vmem>> -> memref<128x128xf32, #tpu.memory_space<vmem>>
    %dma_start3A_390 = arith.constant 0 : i32
    %dma_start3A_391 = tpu.memref_slice %arg9[%dma_start3A_386, %mul3A_2, %dma_start3A_390] : memref<50x4096x128xf32, #tpu.memory_space<hbm>> -> memref<1x128x128xf32, #tpu.memory_space<hbm>>
    %dma_start3A_392 = tpu.memref_squeeze %dma_start3A_391 : memref<1x128x128xf32, #tpu.memory_space<hbm>> -> memref<128x128xf32, #tpu.memory_space<hbm>>
    %dma_start3A_393 = arith.constant 0 : i32
    %dma_start3A_394 = tpu.memref_slice %arg9[%dma_start3A_386, %mul3A_2, %dma_start3A_393] : memref<50x4096x128xf32, #tpu.memory_space<hbm>> -> memref<1x128x128xf32, #tpu.memory_space<hbm>>
    %dma_start3A_395 = tpu.memref_squeeze %dma_start3A_394 : memref<1x128x128xf32, #tpu.memory_space<hbm>> -> memref<128x128xf32, #tpu.memory_space<hbm>>
    %dma_start3A_396 = arith.constant 0 : i32
    %dma_start3A_397 = arith.constant 0 : i32
    %dma_start3A_398 = tpu.memref_slice %arg13[%dma_start3A_396, %dma_start3A_397] : memref<200x128xf32, #tpu.memory_space<vmem>> -> memref<128x128xf32, #tpu.memory_space<vmem>>
    tpu.enqueue_dma source(%dma_start3A_398 : memref<128x128xf32, #tpu.memory_space<vmem>>) target(%dma_start3A_395 : memref<128x128xf32, #tpu.memory_space<hbm>>) target_semaphore(%arg21 : memref<!tpu.dma_semaphore, #tpu.memory_space<semaphore_mem>>)
    %dma_wait3A_399 = arith.constant 20 : i32
    %dma_wait3A_400 = arith.constant 0 : i32
    %dma_wait3A_401 = arith.constant 0 : i32
    %dma_wait3A_402 = tpu.memref_slice %arg14[%dma_wait3A_400, %dma_wait3A_401] : memref<200x128xf32, #tpu.memory_space<vmem>> -> memref<128x128xf32, #tpu.memory_space<vmem>>
    %dma_wait3A_403 = arith.constant 0 : i32
    %dma_wait3A_404 = tpu.memref_slice %arg11[%dma_wait3A_399, %dma_wait3A_403] : memref<70x128xi32, #tpu.memory_space<vmem>> -> memref<1x128xi32, #tpu.memory_space<vmem>>
    %dma_wait3A_405 = tpu.memref_squeeze %dma_wait3A_404 : memref<1x128xi32, #tpu.memory_space<vmem>> -> memref<128xi32, #tpu.memory_space<vmem>>
    %dma_wait3A_406 = arith.constant 0 : i32
    %dma_wait3A_407 = arith.constant 0 : i32
    %dma_wait3A_408 = tpu.memref_slice %arg6[%dma_wait3A_406, %dma_wait3A_407] : memref<100000x128xf32, #tpu.memory_space<hbm>> -> memref<100000x128xf32, #tpu.memory_space<hbm>>
    tpu.wait_indirect_dma semaphore(%arg18 : memref<!tpu.dma_semaphore, #tpu.memory_space<semaphore_mem>>) src(%dma_wait3A_408 : memref<100000x128xf32, #tpu.memory_space<hbm>>) dst(%dma_wait3A_402 : memref<128x128xf32, #tpu.memory_space<vmem>>)
    %dma_start3A_409 = arith.constant 49 : i32
    %dma_start3A_410 = arith.constant 0 : i32
    %dma_start3A_411 = arith.constant 0 : i32
    %dma_start3A_412 = tpu.memref_slice %arg14[%dma_start3A_410, %dma_start3A_411] : memref<200x128xf32, #tpu.memory_space<vmem>> -> memref<128x128xf32, #tpu.memory_space<vmem>>
    %dma_start3A_413 = arith.constant 0 : i32
    %dma_start3A_414 = tpu.memref_slice %arg9[%dma_start3A_409, %mul3A_2, %dma_start3A_413] : memref<50x4096x128xf32, #tpu.memory_space<hbm>> -> memref<1x128x128xf32, #tpu.memory_space<hbm>>
    %dma_start3A_415 = tpu.memref_squeeze %dma_start3A_414 : memref<1x128x128xf32, #tpu.memory_space<hbm>> -> memref<128x128xf32, #tpu.memory_space<hbm>>
    %dma_start3A_416 = arith.constant 0 : i32
    %dma_start3A_417 = tpu.memref_slice %arg9[%dma_start3A_409, %mul3A_2, %dma_start3A_416] : memref<50x4096x128xf32, #tpu.memory_space<hbm>> -> memref<1x128x128xf32, #tpu.memory_space<hbm>>
    %dma_start3A_418 = tpu.memref_squeeze %dma_start3A_417 : memref<1x128x128xf32, #tpu.memory_space<hbm>> -> memref<128x128xf32, #tpu.memory_space<hbm>>
    %dma_start3A_419 = arith.constant 0 : i32
    %dma_start3A_420 = arith.constant 0 : i32
    %dma_start3A_421 = tpu.memref_slice %arg14[%dma_start3A_419, %dma_start3A_420] : memref<200x128xf32, #tpu.memory_space<vmem>> -> memref<128x128xf32, #tpu.memory_space<vmem>>
    tpu.enqueue_dma source(%dma_start3A_421 : memref<128x128xf32, #tpu.memory_space<vmem>>) target(%dma_start3A_418 : memref<128x128xf32, #tpu.memory_space<hbm>>) target_semaphore(%arg22 : memref<!tpu.dma_semaphore, #tpu.memory_space<semaphore_mem>>)
    %dma_wait3A_422 = arith.constant 0 : i32
    %dma_wait3A_423 = arith.constant 0 : i32
    %dma_wait3A_424 = arith.constant 0 : i32
    %dma_wait3A_425 = tpu.memref_slice %arg15[%dma_wait3A_423, %dma_wait3A_424] : memref<200x128xf32, #tpu.memory_space<vmem>> -> memref<128x128xf32, #tpu.memory_space<vmem>>
    %dma_wait3A_426 = arith.constant 0 : i32
    %dma_wait3A_427 = tpu.memref_slice %arg9[%dma_wait3A_422, %mul3A_2, %dma_wait3A_426] : memref<50x4096x128xf32, #tpu.memory_space<hbm>> -> memref<1x128x128xf32, #tpu.memory_space<hbm>>
    %dma_wait3A_428 = tpu.memref_squeeze %dma_wait3A_427 : memref<1x128x128xf32, #tpu.memory_space<hbm>> -> memref<128x128xf32, #tpu.memory_space<hbm>>
    %dma_wait3A_429 = arith.constant 0 : i32
    %dma_wait3A_430 = tpu.memref_slice %arg9[%dma_wait3A_422, %mul3A_2, %dma_wait3A_429] : memref<50x4096x128xf32, #tpu.memory_space<hbm>> -> memref<1x128x128xf32, #tpu.memory_space<hbm>>
    %dma_wait3A_431 = tpu.memref_squeeze %dma_wait3A_430 : memref<1x128x128xf32, #tpu.memory_space<hbm>> -> memref<128x128xf32, #tpu.memory_space<hbm>>
    %dma_wait3A_432 = arith.constant 0 : i32
    %dma_wait3A_433 = arith.constant 0 : i32
    %dma_wait3A_434 = tpu.memref_slice %arg15[%dma_wait3A_432, %dma_wait3A_433] : memref<200x128xf32, #tpu.memory_space<vmem>> -> memref<128x128xf32, #tpu.memory_space<vmem>>
    tpu.wait_dma2 semaphore(%arg23 : memref<!tpu.dma_semaphore, #tpu.memory_space<semaphore_mem>>) src(%dma_wait3A_434 : memref<128x128xf32, #tpu.memory_space<vmem>>) dst(%dma_wait3A_431 : memref<128x128xf32, #tpu.memory_space<hbm>>)
    %dma_wait3A_435 = arith.constant 0 : i32
    %dma_wait3A_436 = arith.constant 0 : i32
    %dma_wait3A_437 = arith.constant 0 : i32
    %dma_wait3A_438 = tpu.memref_slice %arg16[%dma_wait3A_436, %dma_wait3A_437] : memref<200x128xf32, #tpu.memory_space<vmem>> -> memref<128x128xf32, #tpu.memory_space<vmem>>
    %dma_wait3A_439 = arith.constant 0 : i32
    %dma_wait3A_440 = tpu.memref_slice %arg9[%dma_wait3A_435, %mul3A_2, %dma_wait3A_439] : memref<50x4096x128xf32, #tpu.memory_space<hbm>> -> memref<1x128x128xf32, #tpu.memory_space<hbm>>
    %dma_wait3A_441 = tpu.memref_squeeze %dma_wait3A_440 : memref<1x128x128xf32, #tpu.memory_space<hbm>> -> memref<128x128xf32, #tpu.memory_space<hbm>>
    %dma_wait3A_442 = arith.constant 0 : i32
    %dma_wait3A_443 = tpu.memref_slice %arg9[%dma_wait3A_435, %mul3A_2, %dma_wait3A_442] : memref<50x4096x128xf32, #tpu.memory_space<hbm>> -> memref<1x128x128xf32, #tpu.memory_space<hbm>>
    %dma_wait3A_444 = tpu.memref_squeeze %dma_wait3A_443 : memref<1x128x128xf32, #tpu.memory_space<hbm>> -> memref<128x128xf32, #tpu.memory_space<hbm>>
    %dma_wait3A_445 = arith.constant 0 : i32
    %dma_wait3A_446 = arith.constant 0 : i32
    %dma_wait3A_447 = tpu.memref_slice %arg16[%dma_wait3A_445, %dma_wait3A_446] : memref<200x128xf32, #tpu.memory_space<vmem>> -> memref<128x128xf32, #tpu.memory_space<vmem>>
    tpu.wait_dma2 semaphore(%arg24 : memref<!tpu.dma_semaphore, #tpu.memory_space<semaphore_mem>>) src(%dma_wait3A_447 : memref<128x128xf32, #tpu.memory_space<vmem>>) dst(%dma_wait3A_444 : memref<128x128xf32, #tpu.memory_space<hbm>>)
    %dma_wait3A_448 = arith.constant 0 : i32
    %dma_wait3A_449 = arith.constant 0 : i32
    %dma_wait3A_450 = arith.constant 0 : i32
    %dma_wait3A_451 = tpu.memref_slice %arg13[%dma_wait3A_449, %dma_wait3A_450] : memref<200x128xf32, #tpu.memory_space<vmem>> -> memref<128x128xf32, #tpu.memory_space<vmem>>
    %dma_wait3A_452 = arith.constant 0 : i32
    %dma_wait3A_453 = tpu.memref_slice %arg9[%dma_wait3A_448, %mul3A_2, %dma_wait3A_452] : memref<50x4096x128xf32, #tpu.memory_space<hbm>> -> memref<1x128x128xf32, #tpu.memory_space<hbm>>
    %dma_wait3A_454 = tpu.memref_squeeze %dma_wait3A_453 : memref<1x128x128xf32, #tpu.memory_space<hbm>> -> memref<128x128xf32, #tpu.memory_space<hbm>>
    %dma_wait3A_455 = arith.constant 0 : i32
    %dma_wait3A_456 = tpu.memref_slice %arg9[%dma_wait3A_448, %mul3A_2, %dma_wait3A_455] : memref<50x4096x128xf32, #tpu.memory_space<hbm>> -> memref<1x128x128xf32, #tpu.memory_space<hbm>>
    %dma_wait3A_457 = tpu.memref_squeeze %dma_wait3A_456 : memref<1x128x128xf32, #tpu.memory_space<hbm>> -> memref<128x128xf32, #tpu.memory_space<hbm>>
    %dma_wait3A_458 = arith.constant 0 : i32
    %dma_wait3A_459 = arith.constant 0 : i32
    %dma_wait3A_460 = tpu.memref_slice %arg13[%dma_wait3A_458, %dma_wait3A_459] : memref<200x128xf32, #tpu.memory_space<vmem>> -> memref<128x128xf32, #tpu.memory_space<vmem>>
    tpu.wait_dma2 semaphore(%arg21 : memref<!tpu.dma_semaphore, #tpu.memory_space<semaphore_mem>>) src(%dma_wait3A_460 : memref<128x128xf32, #tpu.memory_space<vmem>>) dst(%dma_wait3A_457 : memref<128x128xf32, #tpu.memory_space<hbm>>)
    %dma_wait3A_461 = arith.constant 0 : i32
    %dma_wait3A_462 = arith.constant 0 : i32
    %dma_wait3A_463 = arith.constant 0 : i32
    %dma_wait3A_464 = tpu.memref_slice %arg14[%dma_wait3A_462, %dma_wait3A_463] : memref<200x128xf32, #tpu.memory_space<vmem>> -> memref<128x128xf32, #tpu.memory_space<vmem>>
    %dma_wait3A_465 = arith.constant 0 : i32
    %dma_wait3A_466 = tpu.memref_slice %arg9[%dma_wait3A_461, %mul3A_2, %dma_wait3A_465] : memref<50x4096x128xf32, #tpu.memory_space<hbm>> -> memref<1x128x128xf32, #tpu.memory_space<hbm>>
    %dma_wait3A_467 = tpu.memref_squeeze %dma_wait3A_466 : memref<1x128x128xf32, #tpu.memory_space<hbm>> -> memref<128x128xf32, #tpu.memory_space<hbm>>
    %dma_wait3A_468 = arith.constant 0 : i32
    %dma_wait3A_469 = tpu.memref_slice %arg9[%dma_wait3A_461, %mul3A_2, %dma_wait3A_468] : memref<50x4096x128xf32, #tpu.memory_space<hbm>> -> memref<1x128x128xf32, #tpu.memory_space<hbm>>
    %dma_wait3A_470 = tpu.memref_squeeze %dma_wait3A_469 : memref<1x128x128xf32, #tpu.memory_space<hbm>> -> memref<128x128xf32, #tpu.memory_space<hbm>>
    %dma_wait3A_471 = arith.constant 0 : i32
    %dma_wait3A_472 = arith.constant 0 : i32
    %dma_wait3A_473 = tpu.memref_slice %arg14[%dma_wait3A_471, %dma_wait3A_472] : memref<200x128xf32, #tpu.memory_space<vmem>> -> memref<128x128xf32, #tpu.memory_space<vmem>>
    tpu.wait_dma2 semaphore(%arg22 : memref<!tpu.dma_semaphore, #tpu.memory_space<semaphore_mem>>) src(%dma_wait3A_473 : memref<128x128xf32, #tpu.memory_space<vmem>>) dst(%dma_wait3A_470 : memref<128x128xf32, #tpu.memory_space<hbm>>)
    %add3A_474 = arith.constant 0 : i32
    %add3A_475 = arith.addi %mul3A_2, %add3A_474 : i32
    %mul3A_476 = arith.constant 200 : i32
    %mul3A_477 = arith.muli %add3A_475, %mul3A_476 : i32
    "tpu.region"() ({
      %run_scoped3A = tpu.sem_alloc : memref<!tpu.dma_semaphore, #tpu.memory_space<semaphore_mem>>
      %dma_start3A_736 = tpu.memref_slice %arg4[%mul3A_477] : memref<819200xi32, #tpu.memory_space<hbm>> -> memref<12800xi32, #tpu.memory_space<hbm>>
      %dma_start3A_737 = tpu.memref_slice %arg4[%mul3A_477] : memref<819200xi32, #tpu.memory_space<hbm>> -> memref<12800xi32, #tpu.memory_space<hbm>>
      tpu.enqueue_dma source(%dma_start3A_737 : memref<12800xi32, #tpu.memory_space<hbm>>) target(%arg12 : memref<12800xi32, #tpu.memory_space<vmem>>) target_semaphore(%run_scoped3A : memref<!tpu.dma_semaphore, #tpu.memory_space<semaphore_mem>>)
      %dma_wait3A_738 = tpu.memref_slice %arg4[%mul3A_477] : memref<819200xi32, #tpu.memory_space<hbm>> -> memref<12800xi32, #tpu.memory_space<hbm>>
      %dma_wait3A_739 = tpu.memref_slice %arg4[%mul3A_477] : memref<819200xi32, #tpu.memory_space<hbm>> -> memref<12800xi32, #tpu.memory_space<hbm>>
      tpu.wait_dma2 semaphore(%run_scoped3A : memref<!tpu.dma_semaphore, #tpu.memory_space<semaphore_mem>>) src(%dma_wait3A_739 : memref<12800xi32, #tpu.memory_space<hbm>>) dst(%arg12 : memref<12800xi32, #tpu.memory_space<vmem>>)
      tpu.yield
    }) : () -> ()
    %dma_start3A_478 = arith.constant 0 : i32
    %dma_start3A_479 = tpu.memref_slice %arg12[%dma_start3A_478] : memref<12800xi32, #tpu.memory_space<vmem>> -> memref<200xi32, #tpu.memory_space<vmem>>
    %dma_start3A_480 = arith.constant 0 : i32
    %dma_start3A_481 = arith.constant 0 : i32
    %dma_start3A_482 = tpu.memref_slice %arg7[%dma_start3A_480, %dma_start3A_481] : memref<100000x128xf32, #tpu.memory_space<hbm>> -> memref<100000x128xf32, #tpu.memory_space<hbm>>
    tpu.enqueue_indirect_dma source(%dma_start3A_482 : memref<100000x128xf32, #tpu.memory_space<hbm>>) target(%arg13 : memref<200x128xf32, #tpu.memory_space<vmem>>) offsets(%dma_start3A_479 : memref<200xi32, #tpu.memory_space<vmem>>) semaphore(%arg17 : memref<!tpu.dma_semaphore, #tpu.memory_space<semaphore_mem>>)
    %dma_start3A_483 = arith.constant 200 : i32
    %dma_start3A_484 = tpu.memref_slice %arg12[%dma_start3A_483] : memref<12800xi32, #tpu.memory_space<vmem>> -> memref<200xi32, #tpu.memory_space<vmem>>
    %dma_start3A_485 = arith.constant 0 : i32
    %dma_start3A_486 = arith.constant 0 : i32
    %dma_start3A_487 = tpu.memref_slice %arg7[%dma_start3A_485, %dma_start3A_486] : memref<100000x128xf32, #tpu.memory_space<hbm>> -> memref<100000x128xf32, #tpu.memory_space<hbm>>
    tpu.enqueue_indirect_dma source(%dma_start3A_487 : memref<100000x128xf32, #tpu.memory_space<hbm>>) target(%arg14 : memref<200x128xf32, #tpu.memory_space<vmem>>) offsets(%dma_start3A_484 : memref<200xi32, #tpu.memory_space<vmem>>) semaphore(%arg18 : memref<!tpu.dma_semaphore, #tpu.memory_space<semaphore_mem>>)
    %dma_start3A_488 = arith.constant 400 : i32
    %dma_start3A_489 = tpu.memref_slice %arg12[%dma_start3A_488] : memref<12800xi32, #tpu.memory_space<vmem>> -> memref<200xi32, #tpu.memory_space<vmem>>
    %dma_start3A_490 = arith.constant 0 : i32
    %dma_start3A_491 = arith.constant 0 : i32
    %dma_start3A_492 = tpu.memref_slice %arg7[%dma_start3A_490, %dma_start3A_491] : memref<100000x128xf32, #tpu.memory_space<hbm>> -> memref<100000x128xf32, #tpu.memory_space<hbm>>
    tpu.enqueue_indirect_dma source(%dma_start3A_492 : memref<100000x128xf32, #tpu.memory_space<hbm>>) target(%arg15 : memref<200x128xf32, #tpu.memory_space<vmem>>) offsets(%dma_start3A_489 : memref<200xi32, #tpu.memory_space<vmem>>) semaphore(%arg19 : memref<!tpu.dma_semaphore, #tpu.memory_space<semaphore_mem>>)
    %dma_wait3A_493 = arith.constant 0 : i32
    %dma_wait3A_494 = tpu.memref_slice %arg12[%dma_wait3A_493] : memref<12800xi32, #tpu.memory_space<vmem>> -> memref<200xi32, #tpu.memory_space<vmem>>
    %dma_wait3A_495 = arith.constant 0 : i32
    %dma_wait3A_496 = arith.constant 0 : i32
    %dma_wait3A_497 = tpu.memref_slice %arg7[%dma_wait3A_495, %dma_wait3A_496] : memref<100000x128xf32, #tpu.memory_space<hbm>> -> memref<100000x128xf32, #tpu.memory_space<hbm>>
    tpu.wait_indirect_dma semaphore(%arg17 : memref<!tpu.dma_semaphore, #tpu.memory_space<semaphore_mem>>) src(%dma_wait3A_497 : memref<100000x128xf32, #tpu.memory_space<hbm>>) dst(%arg13 : memref<200x128xf32, #tpu.memory_space<vmem>>)
    %add3A_498 = arith.constant 0 : i32
    %add3A_499 = arith.addi %mul3A_2, %add3A_498 : i32
    %add3A_500 = arith.constant 0 : i32
    %add3A_501 = arith.addi %add3A_499, %add3A_500 : i32
    %dma_start3A_502 = arith.constant 0 : i32
    %dma_start3A_503 = arith.constant 0 : i32
    %dma_start3A_504 = tpu.memref_slice %arg10[%add3A_501, %dma_start3A_502, %dma_start3A_503] : memref<4096x200x128xf32, #tpu.memory_space<hbm>> -> memref<1x200x128xf32, #tpu.memory_space<hbm>>
    %dma_start3A_505 = tpu.memref_squeeze %dma_start3A_504 : memref<1x200x128xf32, #tpu.memory_space<hbm>> -> memref<200x128xf32, #tpu.memory_space<hbm>>
    %dma_start3A_506 = arith.constant 0 : i32
    %dma_start3A_507 = arith.constant 0 : i32
    %dma_start3A_508 = tpu.memref_slice %arg10[%add3A_501, %dma_start3A_506, %dma_start3A_507] : memref<4096x200x128xf32, #tpu.memory_space<hbm>> -> memref<1x200x128xf32, #tpu.memory_space<hbm>>
    %dma_start3A_509 = tpu.memref_squeeze %dma_start3A_508 : memref<1x200x128xf32, #tpu.memory_space<hbm>> -> memref<200x128xf32, #tpu.memory_space<hbm>>
    tpu.enqueue_dma source(%arg13 : memref<200x128xf32, #tpu.memory_space<vmem>>) target(%dma_start3A_509 : memref<200x128xf32, #tpu.memory_space<hbm>>) target_semaphore(%arg21 : memref<!tpu.dma_semaphore, #tpu.memory_space<semaphore_mem>>)
    %dma_start3A_510 = arith.constant 600 : i32
    %dma_start3A_511 = tpu.memref_slice %arg12[%dma_start3A_510] : memref<12800xi32, #tpu.memory_space<vmem>> -> memref<200xi32, #tpu.memory_space<vmem>>
    %dma_start3A_512 = arith.constant 0 : i32
    %dma_start3A_513 = arith.constant 0 : i32
    %dma_start3A_514 = tpu.memref_slice %arg7[%dma_start3A_512, %dma_start3A_513] : memref<100000x128xf32, #tpu.memory_space<hbm>> -> memref<100000x128xf32, #tpu.memory_space<hbm>>
    tpu.enqueue_indirect_dma source(%dma_start3A_514 : memref<100000x128xf32, #tpu.memory_space<hbm>>) target(%arg16 : memref<200x128xf32, #tpu.memory_space<vmem>>) offsets(%dma_start3A_511 : memref<200xi32, #tpu.memory_space<vmem>>) semaphore(%arg20 : memref<!tpu.dma_semaphore, #tpu.memory_space<semaphore_mem>>)
    %scan3A_515 = arith.constant 0 : i32
    %scan3A_516 = arith.constant 0 : i32
    %scan3A_517 = arith.constant 15 : i32
    %scan3A_518 = arith.addi %scan3A_516, %scan3A_517 : i32
    %scan3A_519 = arith.constant 1 : i32
    %scan3A_520 = scf.for %scan3A_736 = %scan3A_516 to %scan3A_518 step %scan3A_519 iter_args(%scan3A_737 = %scan3A_515) -> (i32)  : i32 {
      %mul3A_738 = arith.constant 4 : i32
      %mul3A_739 = arith.muli %scan3A_736, %mul3A_738 : i32
      %add3A_740 = arith.constant 1 : i32
      %add3A_741 = arith.addi %add3A_740, %mul3A_739 : i32
      %add3A_742 = arith.constant 0 : i32
      %add3A_743 = arith.addi %add3A_741, %add3A_742 : i32
      %dma_wait3A_744 = arith.constant 0 : i32
      %dma_wait3A_745 = tpu.memref_slice %arg12[%dma_wait3A_744] : memref<12800xi32, #tpu.memory_space<vmem>> -> memref<200xi32, #tpu.memory_space<vmem>>
      %dma_wait3A_746 = arith.constant 0 : i32
      %dma_wait3A_747 = arith.constant 0 : i32
      %dma_wait3A_748 = tpu.memref_slice %arg7[%dma_wait3A_746, %dma_wait3A_747] : memref<100000x128xf32, #tpu.memory_space<hbm>> -> memref<100000x128xf32, #tpu.memory_space<hbm>>
      tpu.wait_indirect_dma semaphore(%arg18 : memref<!tpu.dma_semaphore, #tpu.memory_space<semaphore_mem>>) src(%dma_wait3A_748 : memref<100000x128xf32, #tpu.memory_space<hbm>>) dst(%arg14 : memref<200x128xf32, #tpu.memory_space<vmem>>)
      %add3A_749 = arith.constant 0 : i32
      %add3A_750 = arith.addi %mul3A_2, %add3A_749 : i32
      %add3A_751 = arith.addi %add3A_750, %add3A_743 : i32
      %dma_start3A_752 = arith.constant 0 : i32
      %dma_start3A_753 = arith.constant 0 : i32
      %dma_start3A_754 = tpu.memref_slice %arg10[%add3A_751, %dma_start3A_752, %dma_start3A_753] : memref<4096x200x128xf32, #tpu.memory_space<hbm>> -> memref<1x200x128xf32, #tpu.memory_space<hbm>>
      %dma_start3A_755 = tpu.memref_squeeze %dma_start3A_754 : memref<1x200x128xf32, #tpu.memory_space<hbm>> -> memref<200x128xf32, #tpu.memory_space<hbm>>
      %dma_start3A_756 = arith.constant 0 : i32
      %dma_start3A_757 = arith.constant 0 : i32
      %dma_start3A_758 = tpu.memref_slice %arg10[%add3A_751, %dma_start3A_756, %dma_start3A_757] : memref<4096x200x128xf32, #tpu.memory_space<hbm>> -> memref<1x200x128xf32, #tpu.memory_space<hbm>>
      %dma_start3A_759 = tpu.memref_squeeze %dma_start3A_758 : memref<1x200x128xf32, #tpu.memory_space<hbm>> -> memref<200x128xf32, #tpu.memory_space<hbm>>
      tpu.enqueue_dma source(%arg14 : memref<200x128xf32, #tpu.memory_space<vmem>>) target(%dma_start3A_759 : memref<200x128xf32, #tpu.memory_space<hbm>>) target_semaphore(%arg22 : memref<!tpu.dma_semaphore, #tpu.memory_space<semaphore_mem>>)
      %dma_wait3A_760 = arith.constant 0 : i32
      %dma_wait3A_761 = arith.constant 0 : i32
      %dma_wait3A_762 = tpu.memref_slice %arg10[%mul3A_2, %dma_wait3A_760, %dma_wait3A_761] : memref<4096x200x128xf32, #tpu.memory_space<hbm>> -> memref<1x200x128xf32, #tpu.memory_space<hbm>>
      %dma_wait3A_763 = tpu.memref_squeeze %dma_wait3A_762 : memref<1x200x128xf32, #tpu.memory_space<hbm>> -> memref<200x128xf32, #tpu.memory_space<hbm>>
      %dma_wait3A_764 = arith.constant 0 : i32
      %dma_wait3A_765 = arith.constant 0 : i32
      %dma_wait3A_766 = tpu.memref_slice %arg10[%mul3A_2, %dma_wait3A_764, %dma_wait3A_765] : memref<4096x200x128xf32, #tpu.memory_space<hbm>> -> memref<1x200x128xf32, #tpu.memory_space<hbm>>
      %dma_wait3A_767 = tpu.memref_squeeze %dma_wait3A_766 : memref<1x200x128xf32, #tpu.memory_space<hbm>> -> memref<200x128xf32, #tpu.memory_space<hbm>>
      tpu.wait_dma2 semaphore(%arg21 : memref<!tpu.dma_semaphore, #tpu.memory_space<semaphore_mem>>) src(%arg13 : memref<200x128xf32, #tpu.memory_space<vmem>>) dst(%dma_wait3A_767 : memref<200x128xf32, #tpu.memory_space<hbm>>)
      %add3A_768 = arith.constant 4 : i32
      %add3A_769 = arith.addi %add3A_743, %add3A_768 : i32
      %sub3A = arith.constant 1 : i32
      %sub3A_770 = arith.subi %add3A_769, %sub3A : i32
      %mul3A_771 = arith.constant 200 : i32
      %mul3A_772 = arith.muli %sub3A_770, %mul3A_771 : i32
      %dma_start3A_773 = tpu.memref_slice %arg12[%mul3A_772] : memref<12800xi32, #tpu.memory_space<vmem>> -> memref<200xi32, #tpu.memory_space<vmem>>
      %dma_start3A_774 = arith.constant 0 : i32
      %dma_start3A_775 = arith.constant 0 : i32
      %dma_start3A_776 = tpu.memref_slice %arg7[%dma_start3A_774, %dma_start3A_775] : memref<100000x128xf32, #tpu.memory_space<hbm>> -> memref<100000x128xf32, #tpu.memory_space<hbm>>
      tpu.enqueue_indirect_dma source(%dma_start3A_776 : memref<100000x128xf32, #tpu.memory_space<hbm>>) target(%arg13 : memref<200x128xf32, #tpu.memory_space<vmem>>) offsets(%dma_start3A_773 : memref<200xi32, #tpu.memory_space<vmem>>) semaphore(%arg17 : memref<!tpu.dma_semaphore, #tpu.memory_space<semaphore_mem>>)
      %mul3A_777 = arith.constant 4 : i32
      %mul3A_778 = arith.muli %scan3A_736, %mul3A_777 : i32
      %add3A_779 = arith.constant 1 : i32
      %add3A_780 = arith.addi %add3A_779, %mul3A_778 : i32
      %add3A_781 = arith.constant 1 : i32
      %add3A_782 = arith.addi %add3A_780, %add3A_781 : i32
      %dma_wait3A_783 = arith.constant 0 : i32
      %dma_wait3A_784 = tpu.memref_slice %arg12[%dma_wait3A_783] : memref<12800xi32, #tpu.memory_space<vmem>> -> memref<200xi32, #tpu.memory_space<vmem>>
      %dma_wait3A_785 = arith.constant 0 : i32
      %dma_wait3A_786 = arith.constant 0 : i32
      %dma_wait3A_787 = tpu.memref_slice %arg7[%dma_wait3A_785, %dma_wait3A_786] : memref<100000x128xf32, #tpu.memory_space<hbm>> -> memref<100000x128xf32, #tpu.memory_space<hbm>>
      tpu.wait_indirect_dma semaphore(%arg19 : memref<!tpu.dma_semaphore, #tpu.memory_space<semaphore_mem>>) src(%dma_wait3A_787 : memref<100000x128xf32, #tpu.memory_space<hbm>>) dst(%arg15 : memref<200x128xf32, #tpu.memory_space<vmem>>)
      %add3A_788 = arith.constant 0 : i32
      %add3A_789 = arith.addi %mul3A_2, %add3A_788 : i32
      %add3A_790 = arith.addi %add3A_789, %add3A_782 : i32
      %dma_start3A_791 = arith.constant 0 : i32
      %dma_start3A_792 = arith.constant 0 : i32
      %dma_start3A_793 = tpu.memref_slice %arg10[%add3A_790, %dma_start3A_791, %dma_start3A_792] : memref<4096x200x128xf32, #tpu.memory_space<hbm>> -> memref<1x200x128xf32, #tpu.memory_space<hbm>>
      %dma_start3A_794 = tpu.memref_squeeze %dma_start3A_793 : memref<1x200x128xf32, #tpu.memory_space<hbm>> -> memref<200x128xf32, #tpu.memory_space<hbm>>
      %dma_start3A_795 = arith.constant 0 : i32
      %dma_start3A_796 = arith.constant 0 : i32
      %dma_start3A_797 = tpu.memref_slice %arg10[%add3A_790, %dma_start3A_795, %dma_start3A_796] : memref<4096x200x128xf32, #tpu.memory_space<hbm>> -> memref<1x200x128xf32, #tpu.memory_space<hbm>>
      %dma_start3A_798 = tpu.memref_squeeze %dma_start3A_797 : memref<1x200x128xf32, #tpu.memory_space<hbm>> -> memref<200x128xf32, #tpu.memory_space<hbm>>
      tpu.enqueue_dma source(%arg15 : memref<200x128xf32, #tpu.memory_space<vmem>>) target(%dma_start3A_798 : memref<200x128xf32, #tpu.memory_space<hbm>>) target_semaphore(%arg23 : memref<!tpu.dma_semaphore, #tpu.memory_space<semaphore_mem>>)
      %dma_wait3A_799 = arith.constant 0 : i32
      %dma_wait3A_800 = arith.constant 0 : i32
      %dma_wait3A_801 = tpu.memref_slice %arg10[%mul3A_2, %dma_wait3A_799, %dma_wait3A_800] : memref<4096x200x128xf32, #tpu.memory_space<hbm>> -> memref<1x200x128xf32, #tpu.memory_space<hbm>>
      %dma_wait3A_802 = tpu.memref_squeeze %dma_wait3A_801 : memref<1x200x128xf32, #tpu.memory_space<hbm>> -> memref<200x128xf32, #tpu.memory_space<hbm>>
      %dma_wait3A_803 = arith.constant 0 : i32
      %dma_wait3A_804 = arith.constant 0 : i32
      %dma_wait3A_805 = tpu.memref_slice %arg10[%mul3A_2, %dma_wait3A_803, %dma_wait3A_804] : memref<4096x200x128xf32, #tpu.memory_space<hbm>> -> memref<1x200x128xf32, #tpu.memory_space<hbm>>
      %dma_wait3A_806 = tpu.memref_squeeze %dma_wait3A_805 : memref<1x200x128xf32, #tpu.memory_space<hbm>> -> memref<200x128xf32, #tpu.memory_space<hbm>>
      tpu.wait_dma2 semaphore(%arg22 : memref<!tpu.dma_semaphore, #tpu.memory_space<semaphore_mem>>) src(%arg14 : memref<200x128xf32, #tpu.memory_space<vmem>>) dst(%dma_wait3A_806 : memref<200x128xf32, #tpu.memory_space<hbm>>)
      %add3A_807 = arith.constant 4 : i32
      %add3A_808 = arith.addi %add3A_782, %add3A_807 : i32
      %sub3A_809 = arith.constant 1 : i32
      %sub3A_810 = arith.subi %add3A_808, %sub3A_809 : i32
      %mul3A_811 = arith.constant 200 : i32
      %mul3A_812 = arith.muli %sub3A_810, %mul3A_811 : i32
      %dma_start3A_813 = tpu.memref_slice %arg12[%mul3A_812] : memref<12800xi32, #tpu.memory_space<vmem>> -> memref<200xi32, #tpu.memory_space<vmem>>
      %dma_start3A_814 = arith.constant 0 : i32
      %dma_start3A_815 = arith.constant 0 : i32
      %dma_start3A_816 = tpu.memref_slice %arg7[%dma_start3A_814, %dma_start3A_815] : memref<100000x128xf32, #tpu.memory_space<hbm>> -> memref<100000x128xf32, #tpu.memory_space<hbm>>
      tpu.enqueue_indirect_dma source(%dma_start3A_816 : memref<100000x128xf32, #tpu.memory_space<hbm>>) target(%arg14 : memref<200x128xf32, #tpu.memory_space<vmem>>) offsets(%dma_start3A_813 : memref<200xi32, #tpu.memory_space<vmem>>) semaphore(%arg18 : memref<!tpu.dma_semaphore, #tpu.memory_space<semaphore_mem>>)
      %mul3A_817 = arith.constant 4 : i32
      %mul3A_818 = arith.muli %scan3A_736, %mul3A_817 : i32
      %add3A_819 = arith.constant 1 : i32
      %add3A_820 = arith.addi %add3A_819, %mul3A_818 : i32
      %add3A_821 = arith.constant 2 : i32
      %add3A_822 = arith.addi %add3A_820, %add3A_821 : i32
      %dma_wait3A_823 = arith.constant 0 : i32
      %dma_wait3A_824 = tpu.memref_slice %arg12[%dma_wait3A_823] : memref<12800xi32, #tpu.memory_space<vmem>> -> memref<200xi32, #tpu.memory_space<vmem>>
      %dma_wait3A_825 = arith.constant 0 : i32
      %dma_wait3A_826 = arith.constant 0 : i32
      %dma_wait3A_827 = tpu.memref_slice %arg7[%dma_wait3A_825, %dma_wait3A_826] : memref<100000x128xf32, #tpu.memory_space<hbm>> -> memref<100000x128xf32, #tpu.memory_space<hbm>>
      tpu.wait_indirect_dma semaphore(%arg20 : memref<!tpu.dma_semaphore, #tpu.memory_space<semaphore_mem>>) src(%dma_wait3A_827 : memref<100000x128xf32, #tpu.memory_space<hbm>>) dst(%arg16 : memref<200x128xf32, #tpu.memory_space<vmem>>)
      %add3A_828 = arith.constant 0 : i32
      %add3A_829 = arith.addi %mul3A_2, %add3A_828 : i32
      %add3A_830 = arith.addi %add3A_829, %add3A_822 : i32
      %dma_start3A_831 = arith.constant 0 : i32
      %dma_start3A_832 = arith.constant 0 : i32
      %dma_start3A_833 = tpu.memref_slice %arg10[%add3A_830, %dma_start3A_831, %dma_start3A_832] : memref<4096x200x128xf32, #tpu.memory_space<hbm>> -> memref<1x200x128xf32, #tpu.memory_space<hbm>>
      %dma_start3A_834 = tpu.memref_squeeze %dma_start3A_833 : memref<1x200x128xf32, #tpu.memory_space<hbm>> -> memref<200x128xf32, #tpu.memory_space<hbm>>
      %dma_start3A_835 = arith.constant 0 : i32
      %dma_start3A_836 = arith.constant 0 : i32
      %dma_start3A_837 = tpu.memref_slice %arg10[%add3A_830, %dma_start3A_835, %dma_start3A_836] : memref<4096x200x128xf32, #tpu.memory_space<hbm>> -> memref<1x200x128xf32, #tpu.memory_space<hbm>>
      %dma_start3A_838 = tpu.memref_squeeze %dma_start3A_837 : memref<1x200x128xf32, #tpu.memory_space<hbm>> -> memref<200x128xf32, #tpu.memory_space<hbm>>
      tpu.enqueue_dma source(%arg16 : memref<200x128xf32, #tpu.memory_space<vmem>>) target(%dma_start3A_838 : memref<200x128xf32, #tpu.memory_space<hbm>>) target_semaphore(%arg24 : memref<!tpu.dma_semaphore, #tpu.memory_space<semaphore_mem>>)
      %dma_wait3A_839 = arith.constant 0 : i32
      %dma_wait3A_840 = arith.constant 0 : i32
      %dma_wait3A_841 = tpu.memref_slice %arg10[%mul3A_2, %dma_wait3A_839, %dma_wait3A_840] : memref<4096x200x128xf32, #tpu.memory_space<hbm>> -> memref<1x200x128xf32, #tpu.memory_space<hbm>>
      %dma_wait3A_842 = tpu.memref_squeeze %dma_wait3A_841 : memref<1x200x128xf32, #tpu.memory_space<hbm>> -> memref<200x128xf32, #tpu.memory_space<hbm>>
      %dma_wait3A_843 = arith.constant 0 : i32
      %dma_wait3A_844 = arith.constant 0 : i32
      %dma_wait3A_845 = tpu.memref_slice %arg10[%mul3A_2, %dma_wait3A_843, %dma_wait3A_844] : memref<4096x200x128xf32, #tpu.memory_space<hbm>> -> memref<1x200x128xf32, #tpu.memory_space<hbm>>
      %dma_wait3A_846 = tpu.memref_squeeze %dma_wait3A_845 : memref<1x200x128xf32, #tpu.memory_space<hbm>> -> memref<200x128xf32, #tpu.memory_space<hbm>>
      tpu.wait_dma2 semaphore(%arg23 : memref<!tpu.dma_semaphore, #tpu.memory_space<semaphore_mem>>) src(%arg15 : memref<200x128xf32, #tpu.memory_space<vmem>>) dst(%dma_wait3A_846 : memref<200x128xf32, #tpu.memory_space<hbm>>)
      %add3A_847 = arith.constant 4 : i32
      %add3A_848 = arith.addi %add3A_822, %add3A_847 : i32
      %sub3A_849 = arith.constant 1 : i32
      %sub3A_850 = arith.subi %add3A_848, %sub3A_849 : i32
      %mul3A_851 = arith.constant 200 : i32
      %mul3A_852 = arith.muli %sub3A_850, %mul3A_851 : i32
      %dma_start3A_853 = tpu.memref_slice %arg12[%mul3A_852] : memref<12800xi32, #tpu.memory_space<vmem>> -> memref<200xi32, #tpu.memory_space<vmem>>
      %dma_start3A_854 = arith.constant 0 : i32
      %dma_start3A_855 = arith.constant 0 : i32
      %dma_start3A_856 = tpu.memref_slice %arg7[%dma_start3A_854, %dma_start3A_855] : memref<100000x128xf32, #tpu.memory_space<hbm>> -> memref<100000x128xf32, #tpu.memory_space<hbm>>
      tpu.enqueue_indirect_dma source(%dma_start3A_856 : memref<100000x128xf32, #tpu.memory_space<hbm>>) target(%arg15 : memref<200x128xf32, #tpu.memory_space<vmem>>) offsets(%dma_start3A_853 : memref<200xi32, #tpu.memory_space<vmem>>) semaphore(%arg19 : memref<!tpu.dma_semaphore, #tpu.memory_space<semaphore_mem>>)
      %mul3A_857 = arith.constant 4 : i32
      %mul3A_858 = arith.muli %scan3A_736, %mul3A_857 : i32
      %add3A_859 = arith.constant 1 : i32
      %add3A_860 = arith.addi %add3A_859, %mul3A_858 : i32
      %add3A_861 = arith.constant 3 : i32
      %add3A_862 = arith.addi %add3A_860, %add3A_861 : i32
      %dma_wait3A_863 = arith.constant 0 : i32
      %dma_wait3A_864 = tpu.memref_slice %arg12[%dma_wait3A_863] : memref<12800xi32, #tpu.memory_space<vmem>> -> memref<200xi32, #tpu.memory_space<vmem>>
      %dma_wait3A_865 = arith.constant 0 : i32
      %dma_wait3A_866 = arith.constant 0 : i32
      %dma_wait3A_867 = tpu.memref_slice %arg7[%dma_wait3A_865, %dma_wait3A_866] : memref<100000x128xf32, #tpu.memory_space<hbm>> -> memref<100000x128xf32, #tpu.memory_space<hbm>>
      tpu.wait_indirect_dma semaphore(%arg17 : memref<!tpu.dma_semaphore, #tpu.memory_space<semaphore_mem>>) src(%dma_wait3A_867 : memref<100000x128xf32, #tpu.memory_space<hbm>>) dst(%arg13 : memref<200x128xf32, #tpu.memory_space<vmem>>)
      %add3A_868 = arith.constant 0 : i32
      %add3A_869 = arith.addi %mul3A_2, %add3A_868 : i32
      %add3A_870 = arith.addi %add3A_869, %add3A_862 : i32
      %dma_start3A_871 = arith.constant 0 : i32
      %dma_start3A_872 = arith.constant 0 : i32
      %dma_start3A_873 = tpu.memref_slice %arg10[%add3A_870, %dma_start3A_871, %dma_start3A_872] : memref<4096x200x128xf32, #tpu.memory_space<hbm>> -> memref<1x200x128xf32, #tpu.memory_space<hbm>>
      %dma_start3A_874 = tpu.memref_squeeze %dma_start3A_873 : memref<1x200x128xf32, #tpu.memory_space<hbm>> -> memref<200x128xf32, #tpu.memory_space<hbm>>
      %dma_start3A_875 = arith.constant 0 : i32
      %dma_start3A_876 = arith.constant 0 : i32
      %dma_start3A_877 = tpu.memref_slice %arg10[%add3A_870, %dma_start3A_875, %dma_start3A_876] : memref<4096x200x128xf32, #tpu.memory_space<hbm>> -> memref<1x200x128xf32, #tpu.memory_space<hbm>>
      %dma_start3A_878 = tpu.memref_squeeze %dma_start3A_877 : memref<1x200x128xf32, #tpu.memory_space<hbm>> -> memref<200x128xf32, #tpu.memory_space<hbm>>
      tpu.enqueue_dma source(%arg13 : memref<200x128xf32, #tpu.memory_space<vmem>>) target(%dma_start3A_878 : memref<200x128xf32, #tpu.memory_space<hbm>>) target_semaphore(%arg21 : memref<!tpu.dma_semaphore, #tpu.memory_space<semaphore_mem>>)
      %dma_wait3A_879 = arith.constant 0 : i32
      %dma_wait3A_880 = arith.constant 0 : i32
      %dma_wait3A_881 = tpu.memref_slice %arg10[%mul3A_2, %dma_wait3A_879, %dma_wait3A_880] : memref<4096x200x128xf32, #tpu.memory_space<hbm>> -> memref<1x200x128xf32, #tpu.memory_space<hbm>>
      %dma_wait3A_882 = tpu.memref_squeeze %dma_wait3A_881 : memref<1x200x128xf32, #tpu.memory_space<hbm>> -> memref<200x128xf32, #tpu.memory_space<hbm>>
      %dma_wait3A_883 = arith.constant 0 : i32
      %dma_wait3A_884 = arith.constant 0 : i32
      %dma_wait3A_885 = tpu.memref_slice %arg10[%mul3A_2, %dma_wait3A_883, %dma_wait3A_884] : memref<4096x200x128xf32, #tpu.memory_space<hbm>> -> memref<1x200x128xf32, #tpu.memory_space<hbm>>
      %dma_wait3A_886 = tpu.memref_squeeze %dma_wait3A_885 : memref<1x200x128xf32, #tpu.memory_space<hbm>> -> memref<200x128xf32, #tpu.memory_space<hbm>>
      tpu.wait_dma2 semaphore(%arg24 : memref<!tpu.dma_semaphore, #tpu.memory_space<semaphore_mem>>) src(%arg16 : memref<200x128xf32, #tpu.memory_space<vmem>>) dst(%dma_wait3A_886 : memref<200x128xf32, #tpu.memory_space<hbm>>)
      %add3A_887 = arith.constant 4 : i32
      %add3A_888 = arith.addi %add3A_862, %add3A_887 : i32
      %sub3A_889 = arith.constant 1 : i32
      %sub3A_890 = arith.subi %add3A_888, %sub3A_889 : i32
      %mul3A_891 = arith.constant 200 : i32
      %mul3A_892 = arith.muli %sub3A_890, %mul3A_891 : i32
      %dma_start3A_893 = tpu.memref_slice %arg12[%mul3A_892] : memref<12800xi32, #tpu.memory_space<vmem>> -> memref<200xi32, #tpu.memory_space<vmem>>
      %dma_start3A_894 = arith.constant 0 : i32
      %dma_start3A_895 = arith.constant 0 : i32
      %dma_start3A_896 = tpu.memref_slice %arg7[%dma_start3A_894, %dma_start3A_895] : memref<100000x128xf32, #tpu.memory_space<hbm>> -> memref<100000x128xf32, #tpu.memory_space<hbm>>
      tpu.enqueue_indirect_dma source(%dma_start3A_896 : memref<100000x128xf32, #tpu.memory_space<hbm>>) target(%arg16 : memref<200x128xf32, #tpu.memory_space<vmem>>) offsets(%dma_start3A_893 : memref<200xi32, #tpu.memory_space<vmem>>) semaphore(%arg20 : memref<!tpu.dma_semaphore, #tpu.memory_space<semaphore_mem>>)
      %scan3A_897 = arith.constant 0 : i32
      scf.yield %scan3A_897 : i32
    }
    %scan3A_521 = arith.constant 15 : i32
    %dma_wait3A_522 = arith.constant 0 : i32
    %dma_wait3A_523 = tpu.memref_slice %arg12[%dma_wait3A_522] : memref<12800xi32, #tpu.memory_space<vmem>> -> memref<200xi32, #tpu.memory_space<vmem>>
    %dma_wait3A_524 = arith.constant 0 : i32
    %dma_wait3A_525 = arith.constant 0 : i32
    %dma_wait3A_526 = tpu.memref_slice %arg7[%dma_wait3A_524, %dma_wait3A_525] : memref<100000x128xf32, #tpu.memory_space<hbm>> -> memref<100000x128xf32, #tpu.memory_space<hbm>>
    tpu.wait_indirect_dma semaphore(%arg18 : memref<!tpu.dma_semaphore, #tpu.memory_space<semaphore_mem>>) src(%dma_wait3A_526 : memref<100000x128xf32, #tpu.memory_space<hbm>>) dst(%arg14 : memref<200x128xf32, #tpu.memory_space<vmem>>)
    %add3A_527 = arith.constant 0 : i32
    %add3A_528 = arith.addi %mul3A_2, %add3A_527 : i32
    %add3A_529 = arith.constant 61 : i32
    %add3A_530 = arith.addi %add3A_528, %add3A_529 : i32
    %dma_start3A_531 = arith.constant 0 : i32
    %dma_start3A_532 = arith.constant 0 : i32
    %dma_start3A_533 = tpu.memref_slice %arg10[%add3A_530, %dma_start3A_531, %dma_start3A_532] : memref<4096x200x128xf32, #tpu.memory_space<hbm>> -> memref<1x200x128xf32, #tpu.memory_space<hbm>>
    %dma_start3A_534 = tpu.memref_squeeze %dma_start3A_533 : memref<1x200x128xf32, #tpu.memory_space<hbm>> -> memref<200x128xf32, #tpu.memory_space<hbm>>
    %dma_start3A_535 = arith.constant 0 : i32
    %dma_start3A_536 = arith.constant 0 : i32
    %dma_start3A_537 = tpu.memref_slice %arg10[%add3A_530, %dma_start3A_535, %dma_start3A_536] : memref<4096x200x128xf32, #tpu.memory_space<hbm>> -> memref<1x200x128xf32, #tpu.memory_space<hbm>>
    %dma_start3A_538 = tpu.memref_squeeze %dma_start3A_537 : memref<1x200x128xf32, #tpu.memory_space<hbm>> -> memref<200x128xf32, #tpu.memory_space<hbm>>
    tpu.enqueue_dma source(%arg14 : memref<200x128xf32, #tpu.memory_space<vmem>>) target(%dma_start3A_538 : memref<200x128xf32, #tpu.memory_space<hbm>>) target_semaphore(%arg22 : memref<!tpu.dma_semaphore, #tpu.memory_space<semaphore_mem>>)
    %dma_wait3A_539 = arith.constant 0 : i32
    %dma_wait3A_540 = tpu.memref_slice %arg12[%dma_wait3A_539] : memref<12800xi32, #tpu.memory_space<vmem>> -> memref<200xi32, #tpu.memory_space<vmem>>
    %dma_wait3A_541 = arith.constant 0 : i32
    %dma_wait3A_542 = arith.constant 0 : i32
    %dma_wait3A_543 = tpu.memref_slice %arg7[%dma_wait3A_541, %dma_wait3A_542] : memref<100000x128xf32, #tpu.memory_space<hbm>> -> memref<100000x128xf32, #tpu.memory_space<hbm>>
    tpu.wait_indirect_dma semaphore(%arg19 : memref<!tpu.dma_semaphore, #tpu.memory_space<semaphore_mem>>) src(%dma_wait3A_543 : memref<100000x128xf32, #tpu.memory_space<hbm>>) dst(%arg15 : memref<200x128xf32, #tpu.memory_space<vmem>>)
    %add3A_544 = arith.constant 0 : i32
    %add3A_545 = arith.addi %mul3A_2, %add3A_544 : i32
    %add3A_546 = arith.constant 62 : i32
    %add3A_547 = arith.addi %add3A_545, %add3A_546 : i32
    %dma_start3A_548 = arith.constant 0 : i32
    %dma_start3A_549 = arith.constant 0 : i32
    %dma_start3A_550 = tpu.memref_slice %arg10[%add3A_547, %dma_start3A_548, %dma_start3A_549] : memref<4096x200x128xf32, #tpu.memory_space<hbm>> -> memref<1x200x128xf32, #tpu.memory_space<hbm>>
    %dma_start3A_551 = tpu.memref_squeeze %dma_start3A_550 : memref<1x200x128xf32, #tpu.memory_space<hbm>> -> memref<200x128xf32, #tpu.memory_space<hbm>>
    %dma_start3A_552 = arith.constant 0 : i32
    %dma_start3A_553 = arith.constant 0 : i32
    %dma_start3A_554 = tpu.memref_slice %arg10[%add3A_547, %dma_start3A_552, %dma_start3A_553] : memref<4096x200x128xf32, #tpu.memory_space<hbm>> -> memref<1x200x128xf32, #tpu.memory_space<hbm>>
    %dma_start3A_555 = tpu.memref_squeeze %dma_start3A_554 : memref<1x200x128xf32, #tpu.memory_space<hbm>> -> memref<200x128xf32, #tpu.memory_space<hbm>>
    tpu.enqueue_dma source(%arg15 : memref<200x128xf32, #tpu.memory_space<vmem>>) target(%dma_start3A_555 : memref<200x128xf32, #tpu.memory_space<hbm>>) target_semaphore(%arg23 : memref<!tpu.dma_semaphore, #tpu.memory_space<semaphore_mem>>)
    %dma_wait3A_556 = arith.constant 0 : i32
    %dma_wait3A_557 = tpu.memref_slice %arg12[%dma_wait3A_556] : memref<12800xi32, #tpu.memory_space<vmem>> -> memref<200xi32, #tpu.memory_space<vmem>>
    %dma_wait3A_558 = arith.constant 0 : i32
    %dma_wait3A_559 = arith.constant 0 : i32
    %dma_wait3A_560 = tpu.memref_slice %arg7[%dma_wait3A_558, %dma_wait3A_559] : memref<100000x128xf32, #tpu.memory_space<hbm>> -> memref<100000x128xf32, #tpu.memory_space<hbm>>
    tpu.wait_indirect_dma semaphore(%arg20 : memref<!tpu.dma_semaphore, #tpu.memory_space<semaphore_mem>>) src(%dma_wait3A_560 : memref<100000x128xf32, #tpu.memory_space<hbm>>) dst(%arg16 : memref<200x128xf32, #tpu.memory_space<vmem>>)
    %add3A_561 = arith.constant 0 : i32
    %add3A_562 = arith.addi %mul3A_2, %add3A_561 : i32
    %add3A_563 = arith.constant 63 : i32
    %add3A_564 = arith.addi %add3A_562, %add3A_563 : i32
    %dma_start3A_565 = arith.constant 0 : i32
    %dma_start3A_566 = arith.constant 0 : i32
    %dma_start3A_567 = tpu.memref_slice %arg10[%add3A_564, %dma_start3A_565, %dma_start3A_566] : memref<4096x200x128xf32, #tpu.memory_space<hbm>> -> memref<1x200x128xf32, #tpu.memory_space<hbm>>
    %dma_start3A_568 = tpu.memref_squeeze %dma_start3A_567 : memref<1x200x128xf32, #tpu.memory_space<hbm>> -> memref<200x128xf32, #tpu.memory_space<hbm>>
    %dma_start3A_569 = arith.constant 0 : i32
    %dma_start3A_570 = arith.constant 0 : i32
    %dma_start3A_571 = tpu.memref_slice %arg10[%add3A_564, %dma_start3A_569, %dma_start3A_570] : memref<4096x200x128xf32, #tpu.memory_space<hbm>> -> memref<1x200x128xf32, #tpu.memory_space<hbm>>
    %dma_start3A_572 = tpu.memref_squeeze %dma_start3A_571 : memref<1x200x128xf32, #tpu.memory_space<hbm>> -> memref<200x128xf32, #tpu.memory_space<hbm>>
    tpu.enqueue_dma source(%arg16 : memref<200x128xf32, #tpu.memory_space<vmem>>) target(%dma_start3A_572 : memref<200x128xf32, #tpu.memory_space<hbm>>) target_semaphore(%arg24 : memref<!tpu.dma_semaphore, #tpu.memory_space<semaphore_mem>>)
    %dma_wait3A_573 = arith.constant 0 : i32
    %dma_wait3A_574 = arith.constant 0 : i32
    %dma_wait3A_575 = tpu.memref_slice %arg10[%mul3A_2, %dma_wait3A_573, %dma_wait3A_574] : memref<4096x200x128xf32, #tpu.memory_space<hbm>> -> memref<1x200x128xf32, #tpu.memory_space<hbm>>
    %dma_wait3A_576 = tpu.memref_squeeze %dma_wait3A_575 : memref<1x200x128xf32, #tpu.memory_space<hbm>> -> memref<200x128xf32, #tpu.memory_space<hbm>>
    %dma_wait3A_577 = arith.constant 0 : i32
    %dma_wait3A_578 = arith.constant 0 : i32
    %dma_wait3A_579 = tpu.memref_slice %arg10[%mul3A_2, %dma_wait3A_577, %dma_wait3A_578] : memref<4096x200x128xf32, #tpu.memory_space<hbm>> -> memref<1x200x128xf32, #tpu.memory_space<hbm>>
    %dma_wait3A_580 = tpu.memref_squeeze %dma_wait3A_579 : memref<1x200x128xf32, #tpu.memory_space<hbm>> -> memref<200x128xf32, #tpu.memory_space<hbm>>
    tpu.wait_dma2 semaphore(%arg21 : memref<!tpu.dma_semaphore, #tpu.memory_space<semaphore_mem>>) src(%arg13 : memref<200x128xf32, #tpu.memory_space<vmem>>) dst(%dma_wait3A_580 : memref<200x128xf32, #tpu.memory_space<hbm>>)
    %dma_wait3A_581 = arith.constant 0 : i32
    %dma_wait3A_582 = arith.constant 0 : i32
    %dma_wait3A_583 = tpu.memref_slice %arg10[%mul3A_2, %dma_wait3A_581, %dma_wait3A_582] : memref<4096x200x128xf32, #tpu.memory_space<hbm>> -> memref<1x200x128xf32, #tpu.memory_space<hbm>>
    %dma_wait3A_584 = tpu.memref_squeeze %dma_wait3A_583 : memref<1x200x128xf32, #tpu.memory_space<hbm>> -> memref<200x128xf32, #tpu.memory_space<hbm>>
    %dma_wait3A_585 = arith.constant 0 : i32
    %dma_wait3A_586 = arith.constant 0 : i32
    %dma_wait3A_587 = tpu.memref_slice %arg10[%mul3A_2, %dma_wait3A_585, %dma_wait3A_586] : memref<4096x200x128xf32, #tpu.memory_space<hbm>> -> memref<1x200x128xf32, #tpu.memory_space<hbm>>
    %dma_wait3A_588 = tpu.memref_squeeze %dma_wait3A_587 : memref<1x200x128xf32, #tpu.memory_space<hbm>> -> memref<200x128xf32, #tpu.memory_space<hbm>>
    tpu.wait_dma2 semaphore(%arg22 : memref<!tpu.dma_semaphore, #tpu.memory_space<semaphore_mem>>) src(%arg14 : memref<200x128xf32, #tpu.memory_space<vmem>>) dst(%dma_wait3A_588 : memref<200x128xf32, #tpu.memory_space<hbm>>)
    %dma_wait3A_589 = arith.constant 0 : i32
    %dma_wait3A_590 = arith.constant 0 : i32
    %dma_wait3A_591 = tpu.memref_slice %arg10[%mul3A_2, %dma_wait3A_589, %dma_wait3A_590] : memref<4096x200x128xf32, #tpu.memory_space<hbm>> -> memref<1x200x128xf32, #tpu.memory_space<hbm>>
    %dma_wait3A_592 = tpu.memref_squeeze %dma_wait3A_591 : memref<1x200x128xf32, #tpu.memory_space<hbm>> -> memref<200x128xf32, #tpu.memory_space<hbm>>
    %dma_wait3A_593 = arith.constant 0 : i32
    %dma_wait3A_594 = arith.constant 0 : i32
    %dma_wait3A_595 = tpu.memref_slice %arg10[%mul3A_2, %dma_wait3A_593, %dma_wait3A_594] : memref<4096x200x128xf32, #tpu.memory_space<hbm>> -> memref<1x200x128xf32, #tpu.memory_space<hbm>>
    %dma_wait3A_596 = tpu.memref_squeeze %dma_wait3A_595 : memref<1x200x128xf32, #tpu.memory_space<hbm>> -> memref<200x128xf32, #tpu.memory_space<hbm>>
    tpu.wait_dma2 semaphore(%arg23 : memref<!tpu.dma_semaphore, #tpu.memory_space<semaphore_mem>>) src(%arg15 : memref<200x128xf32, #tpu.memory_space<vmem>>) dst(%dma_wait3A_596 : memref<200x128xf32, #tpu.memory_space<hbm>>)
    %dma_wait3A_597 = arith.constant 0 : i32
    %dma_wait3A_598 = arith.constant 0 : i32
    %dma_wait3A_599 = tpu.memref_slice %arg10[%mul3A_2, %dma_wait3A_597, %dma_wait3A_598] : memref<4096x200x128xf32, #tpu.memory_space<hbm>> -> memref<1x200x128xf32, #tpu.memory_space<hbm>>
    %dma_wait3A_600 = tpu.memref_squeeze %dma_wait3A_599 : memref<1x200x128xf32, #tpu.memory_space<hbm>> -> memref<200x128xf32, #tpu.memory_space<hbm>>
    %dma_wait3A_601 = arith.constant 0 : i32
    %dma_wait3A_602 = arith.constant 0 : i32
    %dma_wait3A_603 = tpu.memref_slice %arg10[%mul3A_2, %dma_wait3A_601, %dma_wait3A_602] : memref<4096x200x128xf32, #tpu.memory_space<hbm>> -> memref<1x200x128xf32, #tpu.memory_space<hbm>>
    %dma_wait3A_604 = tpu.memref_squeeze %dma_wait3A_603 : memref<1x200x128xf32, #tpu.memory_space<hbm>> -> memref<200x128xf32, #tpu.memory_space<hbm>>
    tpu.wait_dma2 semaphore(%arg24 : memref<!tpu.dma_semaphore, #tpu.memory_space<semaphore_mem>>) src(%arg16 : memref<200x128xf32, #tpu.memory_space<vmem>>) dst(%dma_wait3A_604 : memref<200x128xf32, #tpu.memory_space<hbm>>)
    %add3A_605 = arith.constant 64 : i32
    %add3A_606 = arith.addi %mul3A_2, %add3A_605 : i32
    %mul3A_607 = arith.constant 200 : i32
    %mul3A_608 = arith.muli %add3A_606, %mul3A_607 : i32
    "tpu.region"() ({
      %run_scoped3A = tpu.sem_alloc : memref<!tpu.dma_semaphore, #tpu.memory_space<semaphore_mem>>
      %dma_start3A_736 = tpu.memref_slice %arg4[%mul3A_608] : memref<819200xi32, #tpu.memory_space<hbm>> -> memref<12800xi32, #tpu.memory_space<hbm>>
      %dma_start3A_737 = tpu.memref_slice %arg4[%mul3A_608] : memref<819200xi32, #tpu.memory_space<hbm>> -> memref<12800xi32, #tpu.memory_space<hbm>>
      tpu.enqueue_dma source(%dma_start3A_737 : memref<12800xi32, #tpu.memory_space<hbm>>) target(%arg12 : memref<12800xi32, #tpu.memory_space<vmem>>) target_semaphore(%run_scoped3A : memref<!tpu.dma_semaphore, #tpu.memory_space<semaphore_mem>>)
      %dma_wait3A_738 = tpu.memref_slice %arg4[%mul3A_608] : memref<819200xi32, #tpu.memory_space<hbm>> -> memref<12800xi32, #tpu.memory_space<hbm>>
      %dma_wait3A_739 = tpu.memref_slice %arg4[%mul3A_608] : memref<819200xi32, #tpu.memory_space<hbm>> -> memref<12800xi32, #tpu.memory_space<hbm>>
      tpu.wait_dma2 semaphore(%run_scoped3A : memref<!tpu.dma_semaphore, #tpu.memory_space<semaphore_mem>>) src(%dma_wait3A_739 : memref<12800xi32, #tpu.memory_space<hbm>>) dst(%arg12 : memref<12800xi32, #tpu.memory_space<vmem>>)
      tpu.yield
    }) : () -> ()
    %dma_start3A_609 = arith.constant 0 : i32
    %dma_start3A_610 = tpu.memref_slice %arg12[%dma_start3A_609] : memref<12800xi32, #tpu.memory_space<vmem>> -> memref<200xi32, #tpu.memory_space<vmem>>
    %dma_start3A_611 = arith.constant 0 : i32
    %dma_start3A_612 = arith.constant 0 : i32
    %dma_start3A_613 = tpu.memref_slice %arg7[%dma_start3A_611, %dma_start3A_612] : memref<100000x128xf32, #tpu.memory_space<hbm>> -> memref<100000x128xf32, #tpu.memory_space<hbm>>
    tpu.enqueue_indirect_dma source(%dma_start3A_613 : memref<100000x128xf32, #tpu.memory_space<hbm>>) target(%arg13 : memref<200x128xf32, #tpu.memory_space<vmem>>) offsets(%dma_start3A_610 : memref<200xi32, #tpu.memory_space<vmem>>) semaphore(%arg17 : memref<!tpu.dma_semaphore, #tpu.memory_space<semaphore_mem>>)
    %dma_start3A_614 = arith.constant 200 : i32
    %dma_start3A_615 = tpu.memref_slice %arg12[%dma_start3A_614] : memref<12800xi32, #tpu.memory_space<vmem>> -> memref<200xi32, #tpu.memory_space<vmem>>
    %dma_start3A_616 = arith.constant 0 : i32
    %dma_start3A_617 = arith.constant 0 : i32
    %dma_start3A_618 = tpu.memref_slice %arg7[%dma_start3A_616, %dma_start3A_617] : memref<100000x128xf32, #tpu.memory_space<hbm>> -> memref<100000x128xf32, #tpu.memory_space<hbm>>
    tpu.enqueue_indirect_dma source(%dma_start3A_618 : memref<100000x128xf32, #tpu.memory_space<hbm>>) target(%arg14 : memref<200x128xf32, #tpu.memory_space<vmem>>) offsets(%dma_start3A_615 : memref<200xi32, #tpu.memory_space<vmem>>) semaphore(%arg18 : memref<!tpu.dma_semaphore, #tpu.memory_space<semaphore_mem>>)
    %dma_start3A_619 = arith.constant 400 : i32
    %dma_start3A_620 = tpu.memref_slice %arg12[%dma_start3A_619] : memref<12800xi32, #tpu.memory_space<vmem>> -> memref<200xi32, #tpu.memory_space<vmem>>
    %dma_start3A_621 = arith.constant 0 : i32
    %dma_start3A_622 = arith.constant 0 : i32
    %dma_start3A_623 = tpu.memref_slice %arg7[%dma_start3A_621, %dma_start3A_622] : memref<100000x128xf32, #tpu.memory_space<hbm>> -> memref<100000x128xf32, #tpu.memory_space<hbm>>
    tpu.enqueue_indirect_dma source(%dma_start3A_623 : memref<100000x128xf32, #tpu.memory_space<hbm>>) target(%arg15 : memref<200x128xf32, #tpu.memory_space<vmem>>) offsets(%dma_start3A_620 : memref<200xi32, #tpu.memory_space<vmem>>) semaphore(%arg19 : memref<!tpu.dma_semaphore, #tpu.memory_space<semaphore_mem>>)
    %dma_wait3A_624 = arith.constant 0 : i32
    %dma_wait3A_625 = tpu.memref_slice %arg12[%dma_wait3A_624] : memref<12800xi32, #tpu.memory_space<vmem>> -> memref<200xi32, #tpu.memory_space<vmem>>
    %dma_wait3A_626 = arith.constant 0 : i32
    %dma_wait3A_627 = arith.constant 0 : i32
    %dma_wait3A_628 = tpu.memref_slice %arg7[%dma_wait3A_626, %dma_wait3A_627] : memref<100000x128xf32, #tpu.memory_space<hbm>> -> memref<100000x128xf32, #tpu.memory_space<hbm>>
    tpu.wait_indirect_dma semaphore(%arg17 : memref<!tpu.dma_semaphore, #tpu.memory_space<semaphore_mem>>) src(%dma_wait3A_628 : memref<100000x128xf32, #tpu.memory_space<hbm>>) dst(%arg13 : memref<200x128xf32, #tpu.memory_space<vmem>>)
    %add3A_629 = arith.constant 64 : i32
    %add3A_630 = arith.addi %mul3A_2, %add3A_629 : i32
    %add3A_631 = arith.constant 0 : i32
    %add3A_632 = arith.addi %add3A_630, %add3A_631 : i32
    %dma_start3A_633 = arith.constant 0 : i32
    %dma_start3A_634 = arith.constant 0 : i32
    %dma_start3A_635 = tpu.memref_slice %arg10[%add3A_632, %dma_start3A_633, %dma_start3A_634] : memref<4096x200x128xf32, #tpu.memory_space<hbm>> -> memref<1x200x128xf32, #tpu.memory_space<hbm>>
    %dma_start3A_636 = tpu.memref_squeeze %dma_start3A_635 : memref<1x200x128xf32, #tpu.memory_space<hbm>> -> memref<200x128xf32, #tpu.memory_space<hbm>>
    %dma_start3A_637 = arith.constant 0 : i32
    %dma_start3A_638 = arith.constant 0 : i32
    %dma_start3A_639 = tpu.memref_slice %arg10[%add3A_632, %dma_start3A_637, %dma_start3A_638] : memref<4096x200x128xf32, #tpu.memory_space<hbm>> -> memref<1x200x128xf32, #tpu.memory_space<hbm>>
    %dma_start3A_640 = tpu.memref_squeeze %dma_start3A_639 : memref<1x200x128xf32, #tpu.memory_space<hbm>> -> memref<200x128xf32, #tpu.memory_space<hbm>>
    tpu.enqueue_dma source(%arg13 : memref<200x128xf32, #tpu.memory_space<vmem>>) target(%dma_start3A_640 : memref<200x128xf32, #tpu.memory_space<hbm>>) target_semaphore(%arg21 : memref<!tpu.dma_semaphore, #tpu.memory_space<semaphore_mem>>)
    %dma_start3A_641 = arith.constant 600 : i32
    %dma_start3A_642 = tpu.memref_slice %arg12[%dma_start3A_641] : memref<12800xi32, #tpu.memory_space<vmem>> -> memref<200xi32, #tpu.memory_space<vmem>>
    %dma_start3A_643 = arith.constant 0 : i32
    %dma_start3A_644 = arith.constant 0 : i32
    %dma_start3A_645 = tpu.memref_slice %arg7[%dma_start3A_643, %dma_start3A_644] : memref<100000x128xf32, #tpu.memory_space<hbm>> -> memref<100000x128xf32, #tpu.memory_space<hbm>>
    tpu.enqueue_indirect_dma source(%dma_start3A_645 : memref<100000x128xf32, #tpu.memory_space<hbm>>) target(%arg16 : memref<200x128xf32, #tpu.memory_space<vmem>>) offsets(%dma_start3A_642 : memref<200xi32, #tpu.memory_space<vmem>>) semaphore(%arg20 : memref<!tpu.dma_semaphore, #tpu.memory_space<semaphore_mem>>)
    %scan3A_646 = arith.constant 0 : i32
    %scan3A_647 = arith.constant 0 : i32
    %scan3A_648 = arith.constant 15 : i32
    %scan3A_649 = arith.addi %scan3A_647, %scan3A_648 : i32
    %scan3A_650 = arith.constant 1 : i32
    %scan3A_651 = scf.for %scan3A_736 = %scan3A_647 to %scan3A_649 step %scan3A_650 iter_args(%scan3A_737 = %scan3A_646) -> (i32)  : i32 {
      %mul3A_738 = arith.constant 4 : i32
      %mul3A_739 = arith.muli %scan3A_736, %mul3A_738 : i32
      %add3A_740 = arith.constant 1 : i32
      %add3A_741 = arith.addi %add3A_740, %mul3A_739 : i32
      %add3A_742 = arith.constant 0 : i32
      %add3A_743 = arith.addi %add3A_741, %add3A_742 : i32
      %dma_wait3A_744 = arith.constant 0 : i32
      %dma_wait3A_745 = tpu.memref_slice %arg12[%dma_wait3A_744] : memref<12800xi32, #tpu.memory_space<vmem>> -> memref<200xi32, #tpu.memory_space<vmem>>
      %dma_wait3A_746 = arith.constant 0 : i32
      %dma_wait3A_747 = arith.constant 0 : i32
      %dma_wait3A_748 = tpu.memref_slice %arg7[%dma_wait3A_746, %dma_wait3A_747] : memref<100000x128xf32, #tpu.memory_space<hbm>> -> memref<100000x128xf32, #tpu.memory_space<hbm>>
      tpu.wait_indirect_dma semaphore(%arg18 : memref<!tpu.dma_semaphore, #tpu.memory_space<semaphore_mem>>) src(%dma_wait3A_748 : memref<100000x128xf32, #tpu.memory_space<hbm>>) dst(%arg14 : memref<200x128xf32, #tpu.memory_space<vmem>>)
      %add3A_749 = arith.constant 64 : i32
      %add3A_750 = arith.addi %mul3A_2, %add3A_749 : i32
      %add3A_751 = arith.addi %add3A_750, %add3A_743 : i32
      %dma_start3A_752 = arith.constant 0 : i32
      %dma_start3A_753 = arith.constant 0 : i32
      %dma_start3A_754 = tpu.memref_slice %arg10[%add3A_751, %dma_start3A_752, %dma_start3A_753] : memref<4096x200x128xf32, #tpu.memory_space<hbm>> -> memref<1x200x128xf32, #tpu.memory_space<hbm>>
      %dma_start3A_755 = tpu.memref_squeeze %dma_start3A_754 : memref<1x200x128xf32, #tpu.memory_space<hbm>> -> memref<200x128xf32, #tpu.memory_space<hbm>>
      %dma_start3A_756 = arith.constant 0 : i32
      %dma_start3A_757 = arith.constant 0 : i32
      %dma_start3A_758 = tpu.memref_slice %arg10[%add3A_751, %dma_start3A_756, %dma_start3A_757] : memref<4096x200x128xf32, #tpu.memory_space<hbm>> -> memref<1x200x128xf32, #tpu.memory_space<hbm>>
      %dma_start3A_759 = tpu.memref_squeeze %dma_start3A_758 : memref<1x200x128xf32, #tpu.memory_space<hbm>> -> memref<200x128xf32, #tpu.memory_space<hbm>>
      tpu.enqueue_dma source(%arg14 : memref<200x128xf32, #tpu.memory_space<vmem>>) target(%dma_start3A_759 : memref<200x128xf32, #tpu.memory_space<hbm>>) target_semaphore(%arg22 : memref<!tpu.dma_semaphore, #tpu.memory_space<semaphore_mem>>)
      %dma_wait3A_760 = arith.constant 0 : i32
      %dma_wait3A_761 = arith.constant 0 : i32
      %dma_wait3A_762 = tpu.memref_slice %arg10[%mul3A_2, %dma_wait3A_760, %dma_wait3A_761] : memref<4096x200x128xf32, #tpu.memory_space<hbm>> -> memref<1x200x128xf32, #tpu.memory_space<hbm>>
      %dma_wait3A_763 = tpu.memref_squeeze %dma_wait3A_762 : memref<1x200x128xf32, #tpu.memory_space<hbm>> -> memref<200x128xf32, #tpu.memory_space<hbm>>
      %dma_wait3A_764 = arith.constant 0 : i32
      %dma_wait3A_765 = arith.constant 0 : i32
      %dma_wait3A_766 = tpu.memref_slice %arg10[%mul3A_2, %dma_wait3A_764, %dma_wait3A_765] : memref<4096x200x128xf32, #tpu.memory_space<hbm>> -> memref<1x200x128xf32, #tpu.memory_space<hbm>>
      %dma_wait3A_767 = tpu.memref_squeeze %dma_wait3A_766 : memref<1x200x128xf32, #tpu.memory_space<hbm>> -> memref<200x128xf32, #tpu.memory_space<hbm>>
      tpu.wait_dma2 semaphore(%arg21 : memref<!tpu.dma_semaphore, #tpu.memory_space<semaphore_mem>>) src(%arg13 : memref<200x128xf32, #tpu.memory_space<vmem>>) dst(%dma_wait3A_767 : memref<200x128xf32, #tpu.memory_space<hbm>>)
      %add3A_768 = arith.constant 4 : i32
      %add3A_769 = arith.addi %add3A_743, %add3A_768 : i32
      %sub3A = arith.constant 1 : i32
      %sub3A_770 = arith.subi %add3A_769, %sub3A : i32
      %mul3A_771 = arith.constant 200 : i32
      %mul3A_772 = arith.muli %sub3A_770, %mul3A_771 : i32
      %dma_start3A_773 = tpu.memref_slice %arg12[%mul3A_772] : memref<12800xi32, #tpu.memory_space<vmem>> -> memref<200xi32, #tpu.memory_space<vmem>>
      %dma_start3A_774 = arith.constant 0 : i32
      %dma_start3A_775 = arith.constant 0 : i32
      %dma_start3A_776 = tpu.memref_slice %arg7[%dma_start3A_774, %dma_start3A_775] : memref<100000x128xf32, #tpu.memory_space<hbm>> -> memref<100000x128xf32, #tpu.memory_space<hbm>>
      tpu.enqueue_indirect_dma source(%dma_start3A_776 : memref<100000x128xf32, #tpu.memory_space<hbm>>) target(%arg13 : memref<200x128xf32, #tpu.memory_space<vmem>>) offsets(%dma_start3A_773 : memref<200xi32, #tpu.memory_space<vmem>>) semaphore(%arg17 : memref<!tpu.dma_semaphore, #tpu.memory_space<semaphore_mem>>)
      %mul3A_777 = arith.constant 4 : i32
      %mul3A_778 = arith.muli %scan3A_736, %mul3A_777 : i32
      %add3A_779 = arith.constant 1 : i32
      %add3A_780 = arith.addi %add3A_779, %mul3A_778 : i32
      %add3A_781 = arith.constant 1 : i32
      %add3A_782 = arith.addi %add3A_780, %add3A_781 : i32
      %dma_wait3A_783 = arith.constant 0 : i32
      %dma_wait3A_784 = tpu.memref_slice %arg12[%dma_wait3A_783] : memref<12800xi32, #tpu.memory_space<vmem>> -> memref<200xi32, #tpu.memory_space<vmem>>
      %dma_wait3A_785 = arith.constant 0 : i32
      %dma_wait3A_786 = arith.constant 0 : i32
      %dma_wait3A_787 = tpu.memref_slice %arg7[%dma_wait3A_785, %dma_wait3A_786] : memref<100000x128xf32, #tpu.memory_space<hbm>> -> memref<100000x128xf32, #tpu.memory_space<hbm>>
      tpu.wait_indirect_dma semaphore(%arg19 : memref<!tpu.dma_semaphore, #tpu.memory_space<semaphore_mem>>) src(%dma_wait3A_787 : memref<100000x128xf32, #tpu.memory_space<hbm>>) dst(%arg15 : memref<200x128xf32, #tpu.memory_space<vmem>>)
      %add3A_788 = arith.constant 64 : i32
      %add3A_789 = arith.addi %mul3A_2, %add3A_788 : i32
      %add3A_790 = arith.addi %add3A_789, %add3A_782 : i32
      %dma_start3A_791 = arith.constant 0 : i32
      %dma_start3A_792 = arith.constant 0 : i32
      %dma_start3A_793 = tpu.memref_slice %arg10[%add3A_790, %dma_start3A_791, %dma_start3A_792] : memref<4096x200x128xf32, #tpu.memory_space<hbm>> -> memref<1x200x128xf32, #tpu.memory_space<hbm>>
      %dma_start3A_794 = tpu.memref_squeeze %dma_start3A_793 : memref<1x200x128xf32, #tpu.memory_space<hbm>> -> memref<200x128xf32, #tpu.memory_space<hbm>>
      %dma_start3A_795 = arith.constant 0 : i32
      %dma_start3A_796 = arith.constant 0 : i32
      %dma_start3A_797 = tpu.memref_slice %arg10[%add3A_790, %dma_start3A_795, %dma_start3A_796] : memref<4096x200x128xf32, #tpu.memory_space<hbm>> -> memref<1x200x128xf32, #tpu.memory_space<hbm>>
      %dma_start3A_798 = tpu.memref_squeeze %dma_start3A_797 : memref<1x200x128xf32, #tpu.memory_space<hbm>> -> memref<200x128xf32, #tpu.memory_space<hbm>>
      tpu.enqueue_dma source(%arg15 : memref<200x128xf32, #tpu.memory_space<vmem>>) target(%dma_start3A_798 : memref<200x128xf32, #tpu.memory_space<hbm>>) target_semaphore(%arg23 : memref<!tpu.dma_semaphore, #tpu.memory_space<semaphore_mem>>)
      %dma_wait3A_799 = arith.constant 0 : i32
      %dma_wait3A_800 = arith.constant 0 : i32
      %dma_wait3A_801 = tpu.memref_slice %arg10[%mul3A_2, %dma_wait3A_799, %dma_wait3A_800] : memref<4096x200x128xf32, #tpu.memory_space<hbm>> -> memref<1x200x128xf32, #tpu.memory_space<hbm>>
      %dma_wait3A_802 = tpu.memref_squeeze %dma_wait3A_801 : memref<1x200x128xf32, #tpu.memory_space<hbm>> -> memref<200x128xf32, #tpu.memory_space<hbm>>
      %dma_wait3A_803 = arith.constant 0 : i32
      %dma_wait3A_804 = arith.constant 0 : i32
      %dma_wait3A_805 = tpu.memref_slice %arg10[%mul3A_2, %dma_wait3A_803, %dma_wait3A_804] : memref<4096x200x128xf32, #tpu.memory_space<hbm>> -> memref<1x200x128xf32, #tpu.memory_space<hbm>>
      %dma_wait3A_806 = tpu.memref_squeeze %dma_wait3A_805 : memref<1x200x128xf32, #tpu.memory_space<hbm>> -> memref<200x128xf32, #tpu.memory_space<hbm>>
      tpu.wait_dma2 semaphore(%arg22 : memref<!tpu.dma_semaphore, #tpu.memory_space<semaphore_mem>>) src(%arg14 : memref<200x128xf32, #tpu.memory_space<vmem>>) dst(%dma_wait3A_806 : memref<200x128xf32, #tpu.memory_space<hbm>>)
      %add3A_807 = arith.constant 4 : i32
      %add3A_808 = arith.addi %add3A_782, %add3A_807 : i32
      %sub3A_809 = arith.constant 1 : i32
      %sub3A_810 = arith.subi %add3A_808, %sub3A_809 : i32
      %mul3A_811 = arith.constant 200 : i32
      %mul3A_812 = arith.muli %sub3A_810, %mul3A_811 : i32
      %dma_start3A_813 = tpu.memref_slice %arg12[%mul3A_812] : memref<12800xi32, #tpu.memory_space<vmem>> -> memref<200xi32, #tpu.memory_space<vmem>>
      %dma_start3A_814 = arith.constant 0 : i32
      %dma_start3A_815 = arith.constant 0 : i32
      %dma_start3A_816 = tpu.memref_slice %arg7[%dma_start3A_814, %dma_start3A_815] : memref<100000x128xf32, #tpu.memory_space<hbm>> -> memref<100000x128xf32, #tpu.memory_space<hbm>>
      tpu.enqueue_indirect_dma source(%dma_start3A_816 : memref<100000x128xf32, #tpu.memory_space<hbm>>) target(%arg14 : memref<200x128xf32, #tpu.memory_space<vmem>>) offsets(%dma_start3A_813 : memref<200xi32, #tpu.memory_space<vmem>>) semaphore(%arg18 : memref<!tpu.dma_semaphore, #tpu.memory_space<semaphore_mem>>)
      %mul3A_817 = arith.constant 4 : i32
      %mul3A_818 = arith.muli %scan3A_736, %mul3A_817 : i32
      %add3A_819 = arith.constant 1 : i32
      %add3A_820 = arith.addi %add3A_819, %mul3A_818 : i32
      %add3A_821 = arith.constant 2 : i32
      %add3A_822 = arith.addi %add3A_820, %add3A_821 : i32
      %dma_wait3A_823 = arith.constant 0 : i32
      %dma_wait3A_824 = tpu.memref_slice %arg12[%dma_wait3A_823] : memref<12800xi32, #tpu.memory_space<vmem>> -> memref<200xi32, #tpu.memory_space<vmem>>
      %dma_wait3A_825 = arith.constant 0 : i32
      %dma_wait3A_826 = arith.constant 0 : i32
      %dma_wait3A_827 = tpu.memref_slice %arg7[%dma_wait3A_825, %dma_wait3A_826] : memref<100000x128xf32, #tpu.memory_space<hbm>> -> memref<100000x128xf32, #tpu.memory_space<hbm>>
      tpu.wait_indirect_dma semaphore(%arg20 : memref<!tpu.dma_semaphore, #tpu.memory_space<semaphore_mem>>) src(%dma_wait3A_827 : memref<100000x128xf32, #tpu.memory_space<hbm>>) dst(%arg16 : memref<200x128xf32, #tpu.memory_space<vmem>>)
      %add3A_828 = arith.constant 64 : i32
      %add3A_829 = arith.addi %mul3A_2, %add3A_828 : i32
      %add3A_830 = arith.addi %add3A_829, %add3A_822 : i32
      %dma_start3A_831 = arith.constant 0 : i32
      %dma_start3A_832 = arith.constant 0 : i32
      %dma_start3A_833 = tpu.memref_slice %arg10[%add3A_830, %dma_start3A_831, %dma_start3A_832] : memref<4096x200x128xf32, #tpu.memory_space<hbm>> -> memref<1x200x128xf32, #tpu.memory_space<hbm>>
      %dma_start3A_834 = tpu.memref_squeeze %dma_start3A_833 : memref<1x200x128xf32, #tpu.memory_space<hbm>> -> memref<200x128xf32, #tpu.memory_space<hbm>>
      %dma_start3A_835 = arith.constant 0 : i32
      %dma_start3A_836 = arith.constant 0 : i32
      %dma_start3A_837 = tpu.memref_slice %arg10[%add3A_830, %dma_start3A_835, %dma_start3A_836] : memref<4096x200x128xf32, #tpu.memory_space<hbm>> -> memref<1x200x128xf32, #tpu.memory_space<hbm>>
      %dma_start3A_838 = tpu.memref_squeeze %dma_start3A_837 : memref<1x200x128xf32, #tpu.memory_space<hbm>> -> memref<200x128xf32, #tpu.memory_space<hbm>>
      tpu.enqueue_dma source(%arg16 : memref<200x128xf32, #tpu.memory_space<vmem>>) target(%dma_start3A_838 : memref<200x128xf32, #tpu.memory_space<hbm>>) target_semaphore(%arg24 : memref<!tpu.dma_semaphore, #tpu.memory_space<semaphore_mem>>)
      %dma_wait3A_839 = arith.constant 0 : i32
      %dma_wait3A_840 = arith.constant 0 : i32
      %dma_wait3A_841 = tpu.memref_slice %arg10[%mul3A_2, %dma_wait3A_839, %dma_wait3A_840] : memref<4096x200x128xf32, #tpu.memory_space<hbm>> -> memref<1x200x128xf32, #tpu.memory_space<hbm>>
      %dma_wait3A_842 = tpu.memref_squeeze %dma_wait3A_841 : memref<1x200x128xf32, #tpu.memory_space<hbm>> -> memref<200x128xf32, #tpu.memory_space<hbm>>
      %dma_wait3A_843 = arith.constant 0 : i32
      %dma_wait3A_844 = arith.constant 0 : i32
      %dma_wait3A_845 = tpu.memref_slice %arg10[%mul3A_2, %dma_wait3A_843, %dma_wait3A_844] : memref<4096x200x128xf32, #tpu.memory_space<hbm>> -> memref<1x200x128xf32, #tpu.memory_space<hbm>>
      %dma_wait3A_846 = tpu.memref_squeeze %dma_wait3A_845 : memref<1x200x128xf32, #tpu.memory_space<hbm>> -> memref<200x128xf32, #tpu.memory_space<hbm>>
      tpu.wait_dma2 semaphore(%arg23 : memref<!tpu.dma_semaphore, #tpu.memory_space<semaphore_mem>>) src(%arg15 : memref<200x128xf32, #tpu.memory_space<vmem>>) dst(%dma_wait3A_846 : memref<200x128xf32, #tpu.memory_space<hbm>>)
      %add3A_847 = arith.constant 4 : i32
      %add3A_848 = arith.addi %add3A_822, %add3A_847 : i32
      %sub3A_849 = arith.constant 1 : i32
      %sub3A_850 = arith.subi %add3A_848, %sub3A_849 : i32
      %mul3A_851 = arith.constant 200 : i32
      %mul3A_852 = arith.muli %sub3A_850, %mul3A_851 : i32
      %dma_start3A_853 = tpu.memref_slice %arg12[%mul3A_852] : memref<12800xi32, #tpu.memory_space<vmem>> -> memref<200xi32, #tpu.memory_space<vmem>>
      %dma_start3A_854 = arith.constant 0 : i32
      %dma_start3A_855 = arith.constant 0 : i32
      %dma_start3A_856 = tpu.memref_slice %arg7[%dma_start3A_854, %dma_start3A_855] : memref<100000x128xf32, #tpu.memory_space<hbm>> -> memref<100000x128xf32, #tpu.memory_space<hbm>>
      tpu.enqueue_indirect_dma source(%dma_start3A_856 : memref<100000x128xf32, #tpu.memory_space<hbm>>) target(%arg15 : memref<200x128xf32, #tpu.memory_space<vmem>>) offsets(%dma_start3A_853 : memref<200xi32, #tpu.memory_space<vmem>>) semaphore(%arg19 : memref<!tpu.dma_semaphore, #tpu.memory_space<semaphore_mem>>)
      %mul3A_857 = arith.constant 4 : i32
      %mul3A_858 = arith.muli %scan3A_736, %mul3A_857 : i32
      %add3A_859 = arith.constant 1 : i32
      %add3A_860 = arith.addi %add3A_859, %mul3A_858 : i32
      %add3A_861 = arith.constant 3 : i32
      %add3A_862 = arith.addi %add3A_860, %add3A_861 : i32
      %dma_wait3A_863 = arith.constant 0 : i32
      %dma_wait3A_864 = tpu.memref_slice %arg12[%dma_wait3A_863] : memref<12800xi32, #tpu.memory_space<vmem>> -> memref<200xi32, #tpu.memory_space<vmem>>
      %dma_wait3A_865 = arith.constant 0 : i32
      %dma_wait3A_866 = arith.constant 0 : i32
      %dma_wait3A_867 = tpu.memref_slice %arg7[%dma_wait3A_865, %dma_wait3A_866] : memref<100000x128xf32, #tpu.memory_space<hbm>> -> memref<100000x128xf32, #tpu.memory_space<hbm>>
      tpu.wait_indirect_dma semaphore(%arg17 : memref<!tpu.dma_semaphore, #tpu.memory_space<semaphore_mem>>) src(%dma_wait3A_867 : memref<100000x128xf32, #tpu.memory_space<hbm>>) dst(%arg13 : memref<200x128xf32, #tpu.memory_space<vmem>>)
      %add3A_868 = arith.constant 64 : i32
      %add3A_869 = arith.addi %mul3A_2, %add3A_868 : i32
      %add3A_870 = arith.addi %add3A_869, %add3A_862 : i32
      %dma_start3A_871 = arith.constant 0 : i32
      %dma_start3A_872 = arith.constant 0 : i32
      %dma_start3A_873 = tpu.memref_slice %arg10[%add3A_870, %dma_start3A_871, %dma_start3A_872] : memref<4096x200x128xf32, #tpu.memory_space<hbm>> -> memref<1x200x128xf32, #tpu.memory_space<hbm>>
      %dma_start3A_874 = tpu.memref_squeeze %dma_start3A_873 : memref<1x200x128xf32, #tpu.memory_space<hbm>> -> memref<200x128xf32, #tpu.memory_space<hbm>>
      %dma_start3A_875 = arith.constant 0 : i32
      %dma_start3A_876 = arith.constant 0 : i32
      %dma_start3A_877 = tpu.memref_slice %arg10[%add3A_870, %dma_start3A_875, %dma_start3A_876] : memref<4096x200x128xf32, #tpu.memory_space<hbm>> -> memref<1x200x128xf32, #tpu.memory_space<hbm>>
      %dma_start3A_878 = tpu.memref_squeeze %dma_start3A_877 : memref<1x200x128xf32, #tpu.memory_space<hbm>> -> memref<200x128xf32, #tpu.memory_space<hbm>>
      tpu.enqueue_dma source(%arg13 : memref<200x128xf32, #tpu.memory_space<vmem>>) target(%dma_start3A_878 : memref<200x128xf32, #tpu.memory_space<hbm>>) target_semaphore(%arg21 : memref<!tpu.dma_semaphore, #tpu.memory_space<semaphore_mem>>)
      %dma_wait3A_879 = arith.constant 0 : i32
      %dma_wait3A_880 = arith.constant 0 : i32
      %dma_wait3A_881 = tpu.memref_slice %arg10[%mul3A_2, %dma_wait3A_879, %dma_wait3A_880] : memref<4096x200x128xf32, #tpu.memory_space<hbm>> -> memref<1x200x128xf32, #tpu.memory_space<hbm>>
      %dma_wait3A_882 = tpu.memref_squeeze %dma_wait3A_881 : memref<1x200x128xf32, #tpu.memory_space<hbm>> -> memref<200x128xf32, #tpu.memory_space<hbm>>
      %dma_wait3A_883 = arith.constant 0 : i32
      %dma_wait3A_884 = arith.constant 0 : i32
      %dma_wait3A_885 = tpu.memref_slice %arg10[%mul3A_2, %dma_wait3A_883, %dma_wait3A_884] : memref<4096x200x128xf32, #tpu.memory_space<hbm>> -> memref<1x200x128xf32, #tpu.memory_space<hbm>>
      %dma_wait3A_886 = tpu.memref_squeeze %dma_wait3A_885 : memref<1x200x128xf32, #tpu.memory_space<hbm>> -> memref<200x128xf32, #tpu.memory_space<hbm>>
      tpu.wait_dma2 semaphore(%arg24 : memref<!tpu.dma_semaphore, #tpu.memory_space<semaphore_mem>>) src(%arg16 : memref<200x128xf32, #tpu.memory_space<vmem>>) dst(%dma_wait3A_886 : memref<200x128xf32, #tpu.memory_space<hbm>>)
      %add3A_887 = arith.constant 4 : i32
      %add3A_888 = arith.addi %add3A_862, %add3A_887 : i32
      %sub3A_889 = arith.constant 1 : i32
      %sub3A_890 = arith.subi %add3A_888, %sub3A_889 : i32
      %mul3A_891 = arith.constant 200 : i32
      %mul3A_892 = arith.muli %sub3A_890, %mul3A_891 : i32
      %dma_start3A_893 = tpu.memref_slice %arg12[%mul3A_892] : memref<12800xi32, #tpu.memory_space<vmem>> -> memref<200xi32, #tpu.memory_space<vmem>>
      %dma_start3A_894 = arith.constant 0 : i32
      %dma_start3A_895 = arith.constant 0 : i32
      %dma_start3A_896 = tpu.memref_slice %arg7[%dma_start3A_894, %dma_start3A_895] : memref<100000x128xf32, #tpu.memory_space<hbm>> -> memref<100000x128xf32, #tpu.memory_space<hbm>>
      tpu.enqueue_indirect_dma source(%dma_start3A_896 : memref<100000x128xf32, #tpu.memory_space<hbm>>) target(%arg16 : memref<200x128xf32, #tpu.memory_space<vmem>>) offsets(%dma_start3A_893 : memref<200xi32, #tpu.memory_space<vmem>>) semaphore(%arg20 : memref<!tpu.dma_semaphore, #tpu.memory_space<semaphore_mem>>)
      %scan3A_897 = arith.constant 0 : i32
      scf.yield %scan3A_897 : i32
    }
    %scan3A_652 = arith.constant 15 : i32
    %dma_wait3A_653 = arith.constant 0 : i32
    %dma_wait3A_654 = tpu.memref_slice %arg12[%dma_wait3A_653] : memref<12800xi32, #tpu.memory_space<vmem>> -> memref<200xi32, #tpu.memory_space<vmem>>
    %dma_wait3A_655 = arith.constant 0 : i32
    %dma_wait3A_656 = arith.constant 0 : i32
    %dma_wait3A_657 = tpu.memref_slice %arg7[%dma_wait3A_655, %dma_wait3A_656] : memref<100000x128xf32, #tpu.memory_space<hbm>> -> memref<100000x128xf32, #tpu.memory_space<hbm>>
    tpu.wait_indirect_dma semaphore(%arg18 : memref<!tpu.dma_semaphore, #tpu.memory_space<semaphore_mem>>) src(%dma_wait3A_657 : memref<100000x128xf32, #tpu.memory_space<hbm>>) dst(%arg14 : memref<200x128xf32, #tpu.memory_space<vmem>>)
    %add3A_658 = arith.constant 64 : i32
    %add3A_659 = arith.addi %mul3A_2, %add3A_658 : i32
    %add3A_660 = arith.constant 61 : i32
    %add3A_661 = arith.addi %add3A_659, %add3A_660 : i32
    %dma_start3A_662 = arith.constant 0 : i32
    %dma_start3A_663 = arith.constant 0 : i32
    %dma_start3A_664 = tpu.memref_slice %arg10[%add3A_661, %dma_start3A_662, %dma_start3A_663] : memref<4096x200x128xf32, #tpu.memory_space<hbm>> -> memref<1x200x128xf32, #tpu.memory_space<hbm>>
    %dma_start3A_665 = tpu.memref_squeeze %dma_start3A_664 : memref<1x200x128xf32, #tpu.memory_space<hbm>> -> memref<200x128xf32, #tpu.memory_space<hbm>>
    %dma_start3A_666 = arith.constant 0 : i32
    %dma_start3A_667 = arith.constant 0 : i32
    %dma_start3A_668 = tpu.memref_slice %arg10[%add3A_661, %dma_start3A_666, %dma_start3A_667] : memref<4096x200x128xf32, #tpu.memory_space<hbm>> -> memref<1x200x128xf32, #tpu.memory_space<hbm>>
    %dma_start3A_669 = tpu.memref_squeeze %dma_start3A_668 : memref<1x200x128xf32, #tpu.memory_space<hbm>> -> memref<200x128xf32, #tpu.memory_space<hbm>>
    tpu.enqueue_dma source(%arg14 : memref<200x128xf32, #tpu.memory_space<vmem>>) target(%dma_start3A_669 : memref<200x128xf32, #tpu.memory_space<hbm>>) target_semaphore(%arg22 : memref<!tpu.dma_semaphore, #tpu.memory_space<semaphore_mem>>)
    %dma_wait3A_670 = arith.constant 0 : i32
    %dma_wait3A_671 = tpu.memref_slice %arg12[%dma_wait3A_670] : memref<12800xi32, #tpu.memory_space<vmem>> -> memref<200xi32, #tpu.memory_space<vmem>>
    %dma_wait3A_672 = arith.constant 0 : i32
    %dma_wait3A_673 = arith.constant 0 : i32
    %dma_wait3A_674 = tpu.memref_slice %arg7[%dma_wait3A_672, %dma_wait3A_673] : memref<100000x128xf32, #tpu.memory_space<hbm>> -> memref<100000x128xf32, #tpu.memory_space<hbm>>
    tpu.wait_indirect_dma semaphore(%arg19 : memref<!tpu.dma_semaphore, #tpu.memory_space<semaphore_mem>>) src(%dma_wait3A_674 : memref<100000x128xf32, #tpu.memory_space<hbm>>) dst(%arg15 : memref<200x128xf32, #tpu.memory_space<vmem>>)
    %add3A_675 = arith.constant 64 : i32
    %add3A_676 = arith.addi %mul3A_2, %add3A_675 : i32
    %add3A_677 = arith.constant 62 : i32
    %add3A_678 = arith.addi %add3A_676, %add3A_677 : i32
    %dma_start3A_679 = arith.constant 0 : i32
    %dma_start3A_680 = arith.constant 0 : i32
    %dma_start3A_681 = tpu.memref_slice %arg10[%add3A_678, %dma_start3A_679, %dma_start3A_680] : memref<4096x200x128xf32, #tpu.memory_space<hbm>> -> memref<1x200x128xf32, #tpu.memory_space<hbm>>
    %dma_start3A_682 = tpu.memref_squeeze %dma_start3A_681 : memref<1x200x128xf32, #tpu.memory_space<hbm>> -> memref<200x128xf32, #tpu.memory_space<hbm>>
    %dma_start3A_683 = arith.constant 0 : i32
    %dma_start3A_684 = arith.constant 0 : i32
    %dma_start3A_685 = tpu.memref_slice %arg10[%add3A_678, %dma_start3A_683, %dma_start3A_684] : memref<4096x200x128xf32, #tpu.memory_space<hbm>> -> memref<1x200x128xf32, #tpu.memory_space<hbm>>
    %dma_start3A_686 = tpu.memref_squeeze %dma_start3A_685 : memref<1x200x128xf32, #tpu.memory_space<hbm>> -> memref<200x128xf32, #tpu.memory_space<hbm>>
    tpu.enqueue_dma source(%arg15 : memref<200x128xf32, #tpu.memory_space<vmem>>) target(%dma_start3A_686 : memref<200x128xf32, #tpu.memory_space<hbm>>) target_semaphore(%arg23 : memref<!tpu.dma_semaphore, #tpu.memory_space<semaphore_mem>>)
    %dma_wait3A_687 = arith.constant 0 : i32
    %dma_wait3A_688 = tpu.memref_slice %arg12[%dma_wait3A_687] : memref<12800xi32, #tpu.memory_space<vmem>> -> memref<200xi32, #tpu.memory_space<vmem>>
    %dma_wait3A_689 = arith.constant 0 : i32
    %dma_wait3A_690 = arith.constant 0 : i32
    %dma_wait3A_691 = tpu.memref_slice %arg7[%dma_wait3A_689, %dma_wait3A_690] : memref<100000x128xf32, #tpu.memory_space<hbm>> -> memref<100000x128xf32, #tpu.memory_space<hbm>>
    tpu.wait_indirect_dma semaphore(%arg20 : memref<!tpu.dma_semaphore, #tpu.memory_space<semaphore_mem>>) src(%dma_wait3A_691 : memref<100000x128xf32, #tpu.memory_space<hbm>>) dst(%arg16 : memref<200x128xf32, #tpu.memory_space<vmem>>)
    %add3A_692 = arith.constant 64 : i32
    %add3A_693 = arith.addi %mul3A_2, %add3A_692 : i32
    %add3A_694 = arith.constant 63 : i32
    %add3A_695 = arith.addi %add3A_693, %add3A_694 : i32
    %dma_start3A_696 = arith.constant 0 : i32
    %dma_start3A_697 = arith.constant 0 : i32
    %dma_start3A_698 = tpu.memref_slice %arg10[%add3A_695, %dma_start3A_696, %dma_start3A_697] : memref<4096x200x128xf32, #tpu.memory_space<hbm>> -> memref<1x200x128xf32, #tpu.memory_space<hbm>>
    %dma_start3A_699 = tpu.memref_squeeze %dma_start3A_698 : memref<1x200x128xf32, #tpu.memory_space<hbm>> -> memref<200x128xf32, #tpu.memory_space<hbm>>
    %dma_start3A_700 = arith.constant 0 : i32
    %dma_start3A_701 = arith.constant 0 : i32
    %dma_start3A_702 = tpu.memref_slice %arg10[%add3A_695, %dma_start3A_700, %dma_start3A_701] : memref<4096x200x128xf32, #tpu.memory_space<hbm>> -> memref<1x200x128xf32, #tpu.memory_space<hbm>>
    %dma_start3A_703 = tpu.memref_squeeze %dma_start3A_702 : memref<1x200x128xf32, #tpu.memory_space<hbm>> -> memref<200x128xf32, #tpu.memory_space<hbm>>
    tpu.enqueue_dma source(%arg16 : memref<200x128xf32, #tpu.memory_space<vmem>>) target(%dma_start3A_703 : memref<200x128xf32, #tpu.memory_space<hbm>>) target_semaphore(%arg24 : memref<!tpu.dma_semaphore, #tpu.memory_space<semaphore_mem>>)
    %dma_wait3A_704 = arith.constant 0 : i32
    %dma_wait3A_705 = arith.constant 0 : i32
    %dma_wait3A_706 = tpu.memref_slice %arg10[%mul3A_2, %dma_wait3A_704, %dma_wait3A_705] : memref<4096x200x128xf32, #tpu.memory_space<hbm>> -> memref<1x200x128xf32, #tpu.memory_space<hbm>>
    %dma_wait3A_707 = tpu.memref_squeeze %dma_wait3A_706 : memref<1x200x128xf32, #tpu.memory_space<hbm>> -> memref<200x128xf32, #tpu.memory_space<hbm>>
    %dma_wait3A_708 = arith.constant 0 : i32
    %dma_wait3A_709 = arith.constant 0 : i32
    %dma_wait3A_710 = tpu.memref_slice %arg10[%mul3A_2, %dma_wait3A_708, %dma_wait3A_709] : memref<4096x200x128xf32, #tpu.memory_space<hbm>> -> memref<1x200x128xf32, #tpu.memory_space<hbm>>
    %dma_wait3A_711 = tpu.memref_squeeze %dma_wait3A_710 : memref<1x200x128xf32, #tpu.memory_space<hbm>> -> memref<200x128xf32, #tpu.memory_space<hbm>>
    tpu.wait_dma2 semaphore(%arg21 : memref<!tpu.dma_semaphore, #tpu.memory_space<semaphore_mem>>) src(%arg13 : memref<200x128xf32, #tpu.memory_space<vmem>>) dst(%dma_wait3A_711 : memref<200x128xf32, #tpu.memory_space<hbm>>)
    %dma_wait3A_712 = arith.constant 0 : i32
    %dma_wait3A_713 = arith.constant 0 : i32
    %dma_wait3A_714 = tpu.memref_slice %arg10[%mul3A_2, %dma_wait3A_712, %dma_wait3A_713] : memref<4096x200x128xf32, #tpu.memory_space<hbm>> -> memref<1x200x128xf32, #tpu.memory_space<hbm>>
    %dma_wait3A_715 = tpu.memref_squeeze %dma_wait3A_714 : memref<1x200x128xf32, #tpu.memory_space<hbm>> -> memref<200x128xf32, #tpu.memory_space<hbm>>
    %dma_wait3A_716 = arith.constant 0 : i32
    %dma_wait3A_717 = arith.constant 0 : i32
    %dma_wait3A_718 = tpu.memref_slice %arg10[%mul3A_2, %dma_wait3A_716, %dma_wait3A_717] : memref<4096x200x128xf32, #tpu.memory_space<hbm>> -> memref<1x200x128xf32, #tpu.memory_space<hbm>>
    %dma_wait3A_719 = tpu.memref_squeeze %dma_wait3A_718 : memref<1x200x128xf32, #tpu.memory_space<hbm>> -> memref<200x128xf32, #tpu.memory_space<hbm>>
    tpu.wait_dma2 semaphore(%arg22 : memref<!tpu.dma_semaphore, #tpu.memory_space<semaphore_mem>>) src(%arg14 : memref<200x128xf32, #tpu.memory_space<vmem>>) dst(%dma_wait3A_719 : memref<200x128xf32, #tpu.memory_space<hbm>>)
    %dma_wait3A_720 = arith.constant 0 : i32
    %dma_wait3A_721 = arith.constant 0 : i32
    %dma_wait3A_722 = tpu.memref_slice %arg10[%mul3A_2, %dma_wait3A_720, %dma_wait3A_721] : memref<4096x200x128xf32, #tpu.memory_space<hbm>> -> memref<1x200x128xf32, #tpu.memory_space<hbm>>
    %dma_wait3A_723 = tpu.memref_squeeze %dma_wait3A_722 : memref<1x200x128xf32, #tpu.memory_space<hbm>> -> memref<200x128xf32, #tpu.memory_space<hbm>>
    %dma_wait3A_724 = arith.constant 0 : i32
    %dma_wait3A_725 = arith.constant 0 : i32
    %dma_wait3A_726 = tpu.memref_slice %arg10[%mul3A_2, %dma_wait3A_724, %dma_wait3A_725] : memref<4096x200x128xf32, #tpu.memory_space<hbm>> -> memref<1x200x128xf32, #tpu.memory_space<hbm>>
    %dma_wait3A_727 = tpu.memref_squeeze %dma_wait3A_726 : memref<1x200x128xf32, #tpu.memory_space<hbm>> -> memref<200x128xf32, #tpu.memory_space<hbm>>
    tpu.wait_dma2 semaphore(%arg23 : memref<!tpu.dma_semaphore, #tpu.memory_space<semaphore_mem>>) src(%arg15 : memref<200x128xf32, #tpu.memory_space<vmem>>) dst(%dma_wait3A_727 : memref<200x128xf32, #tpu.memory_space<hbm>>)
    %dma_wait3A_728 = arith.constant 0 : i32
    %dma_wait3A_729 = arith.constant 0 : i32
    %dma_wait3A_730 = tpu.memref_slice %arg10[%mul3A_2, %dma_wait3A_728, %dma_wait3A_729] : memref<4096x200x128xf32, #tpu.memory_space<hbm>> -> memref<1x200x128xf32, #tpu.memory_space<hbm>>
    %dma_wait3A_731 = tpu.memref_squeeze %dma_wait3A_730 : memref<1x200x128xf32, #tpu.memory_space<hbm>> -> memref<200x128xf32, #tpu.memory_space<hbm>>
    %dma_wait3A_732 = arith.constant 0 : i32
    %dma_wait3A_733 = arith.constant 0 : i32
    %dma_wait3A_734 = tpu.memref_slice %arg10[%mul3A_2, %dma_wait3A_732, %dma_wait3A_733] : memref<4096x200x128xf32, #tpu.memory_space<hbm>> -> memref<1x200x128xf32, #tpu.memory_space<hbm>>
    %dma_wait3A_735 = tpu.memref_squeeze %dma_wait3A_734 : memref<1x200x128xf32, #tpu.memory_space<hbm>> -> memref<200x128xf32, #tpu.memory_space<hbm>>
    tpu.wait_dma2 semaphore(%arg24 : memref<!tpu.dma_semaphore, #tpu.memory_space<semaphore_mem>>) src(%arg16 : memref<200x128xf32, #tpu.memory_space<vmem>>) dst(%dma_wait3A_735 : memref<200x128xf32, #tpu.memory_space<hbm>>)
    return
  }
}

</mosaic_0001>

<sc_bundles>
// kernel: kernel.3.cloned.1.call-start
scs
__scs_entry_jumppad:
0x0: {  	(pc) =	sbr.rel $0x88, $3  }
0x1: {  	(tag) =	ssettag $0x0;
	lr =	simm.s32 $0x1  }
0x2: {  	[smem:$0x3F9B] =	sst lr;
	_ =	strace $0xD0000000  }
0x3: {  	_ = 	snop  }
0x4: {  	_ = 	snop  }
0x5: {  	_ = 	snop  }
0x6: {  	_ = 	snop  }
0x7: {  	_ = 	snop  }
__scs_overlays_trampoline_lowered:
0x8: {  	[smem:$0x3FAA] =	sst s0  }
0x9: {  	[smem:$0x3FAB] =	sst s1  }
0xa: {  	[smem:$0x3FAC] =	sst s2  }
0xb: {  	[smem:$0x3FAD] =	sst s3  }
0xc: {  	[smem:$0x3FAE] =	sst s4  }
0xd: {  	[smem:$0x3FAF] =	sst s5  }
0xe: {  	[smem:$0x3FB0] =	sst s6  }
0xf: {  	[smem:$0x3FB1] =	sst s7  }
0x10: {  	[smem:$0x3FB2] =	sst s8  }
0x11: {  	[smem:$0x3FB3] =	sst s9;
	s0 =	simm.s32 @!p0 $0x0  }
0x12: {  	s1 =	sld [smem:$0x3F99];
	s0 =	simm.s32 @p0 $0x1  }
0x13: {  	[smem:$0x3FB4] =	sst s0;
	s0 =	simm.s32 @!p1 $0x0  }
0x14: {  	s2 =	sld [smem:$0x3F98];
	s0 =	simm.s32 @p1 $0x1  }
0x15: {  	[smem:$0x3FB5] =	sst s0;
	s0 =	simm.s32 @!p2 $0x0  }
0x16: {  	s3 =	sld [smem:$0x3FDB];
	s0 =	simm.s32 @p2 $0x1  }
0x17: {  	s4 =	simm.s32 $0x1BF5;
	[smem:$0x3FB7] =	sst s0  }
0x18: {  	s0 =	sld [smem:$0x3F9A];
	_ =	swait.ge [sflag:s4], $0x0  }
0x19: {  	s7 =	sld [smem:$0x3F9B]  }
0x1a: {  	s8 =	sadd.s32 $0xFFFFE003, lr  }
0x1b: {  	s9 =	sadd.s32 $0xFFFFFEF7, lr;
	s5 =	simm.s32 $0xFFFFFFFF;
	p2 =	slt.u32 s8, $0xFFFFF086  }
0x1c: {  	p1 =	slt.u32 s9, $0xF7A;
	s5 =	simm.s32 @!p2 $0x0  }
0x1d: {  	s5 =	simm.s32 @p1 $0x1;
	p0 =	seq.s32 s7, s2  }
0x1e: {  	s7 =	smul.u32 @!p0 $0xF7A, s2;
	p2 =	seq.s32 @!p0 s5, $0x0  }
0x1f: {  	s9 =	smul.u32 $0xF7A, s1;
	s8 =	simm.s32 @!p0 $0x1BF5;
	p2 =	por !p2, p0  }
0x20: {  	[sflag:s8] =	ssyncset.s32 @!p0 $0xFFFFF086;
	s6 =	sadd.s32 @!p0 s3, s7;
	s7 =	simm.s32 @!p0 $0x108  }
0x21: {  	s3 =	sadd.s32 s3, s9;
	s6 =	sadd.s32 @!p0 $0x88, s6;
	s7 =	simm.s32 @p2 $0x1082  }
0x22: {  	[simem:s7], [sflag:s8] =	dma.local @!p0 [hbm:s6], $0xF7A  }
0x23: {  	s9 =	sor.u32 $0xD0000000, s2;
	s6 =	simm.s32 $0x108;
	_ =	swait.ge @!p0 [sflag:s8], $0x0  }
0x24: {  	s3 =	sadd.s32 $0x88, s3;
	s6 =	simm.s32 @!p1 $0x1082;
	[sflag:s4] =	ssyncset.s32 $0xFFFFF086  }
0x25: {  	[simem:s6], [sflag:s4] =	dma.local [hbm:s3], $0xF7A  }
0x26: {  	[smem:$0x3F9B] =	sst s1;
	(tag) =	ssettag s2;
	_ =	strace s9  }
0x27: {  	s1 =	sld [smem:$0x3FAB]  }
0x28: {  	s2 =	sld [smem:$0x3FAC]  }
0x29: {  	s4 =	sld [smem:$0x3FAE]  }
0x2a: {  	p0 =	seq.s32 s5, $0x0;
	s5 =	sld [smem:$0x3FAF]  }
0x2b: {  	s6 =	sld [smem:$0x3FB0]  }
0x2c: {  	s7 =	sld [smem:$0x3FB1]  }
0x2d: {  	s3 =	simm.s32 $0x108;
	s8 =	sld [smem:$0x3FB2]  }
0x2e: {  	s3 =	simm.s32 @!p0 $0x1082;
	s9 =	sld [smem:$0x3FB3]  }
0x2f: {  	lr =	sadd.s32 s0, s3;
	s0 =	sld [smem:$0x3FAA]  }
0x30: {  	s3 =	sld [smem:$0x3FAD]  }
0x31: {  	[smem:$0x3FB6] =	sst s10  }
0x32: {  	s10 =	sld [smem:$0x3FB4];
	_ =	sdelay $0x3  }
0x33: {  	p0 =	seq.s32 s10, $0x1;
	s10 =	sld [smem:$0x3FB6];
	_ =	sdelay $0x3  }
0x34: {  	[smem:$0x3FB6] =	sst s10  }
0x35: {  	s10 =	sld [smem:$0x3FB5];
	_ =	sdelay $0x3  }
0x36: {  	p1 =	seq.s32 s10, $0x1;
	s10 =	sld [smem:$0x3FB6];
	_ =	sdelay $0x3  }
0x37: {  	[smem:$0x3FB6] =	sst s10  }
0x38: {  	s10 =	sld [smem:$0x3FB7]  }
0x39: {  	_ = 	snop;
	(pc) =	sbr.ind lr, $3  }
0x3a: {  	_ = 	snop  }
0x3b: {  	_ = 	snop  }
0x3c: {  	p2 =	seq.s32 s10, $0x1;
	s10 =	sld [smem:$0x3FB6]  }
0x3d: {  	_ =	shalt  }
0x3e: {  	_ =	shalt  }
0x3f: {  	_ =	shalt  }
0x40: {  	_ =	shalt  }
0x41: {  	_ =	shalt  }
0x42: {  	_ =	shalt  }
0x43: {  	_ =	shalt  }
0x44: {  	_ =	shalt  }
0x45: {  	_ =	shalt  }
0x46: {  	_ =	shalt  }
0x47: {  	_ =	shalt  }
0x48: {  	_ =	shalt  }
0x49: {  	_ =	shalt  }
0x4a: {  	_ =	shalt  }
0x4b: {  	_ =	shalt  }
0x4c: {  	_ =	shalt  }
0x4d: {  	_ =	shalt  }
0x4e: {  	_ =	shalt  }
0x4f: {  	_ =	shalt  }
0x50: {  	_ =	shalt  }
0x51: {  	_ =	shalt  }
0x52: {  	_ =	shalt  }
0x53: {  	_ =	shalt  }
0x54: {  	_ =	shalt  }
0x55: {  	_ =	shalt  }
0x56: {  	_ =	shalt  }
0x57: {  	_ =	shalt  }
0x58: {  	_ =	shalt  }
0x59: {  	_ =	shalt  }
0x5a: {  	_ =	shalt  }
0x5b: {  	_ =	shalt  }
0x5c: {  	_ =	shalt  }
0x5d: {  	_ =	shalt  }
0x5e: {  	_ =	shalt  }
0x5f: {  	_ =	shalt  }
0x60: {  	_ =	shalt  }
0x61: {  	_ =	shalt  }
0x62: {  	_ =	shalt  }
0x63: {  	_ =	shalt  }
0x64: {  	_ =	shalt  }
0x65: {  	_ =	shalt  }
0x66: {  	_ =	shalt  }
0x67: {  	_ =	shalt  }
0x68: {  	_ =	shalt  }
0x69: {  	_ =	shalt  }
0x6a: {  	_ =	shalt  }
0x6b: {  	_ =	shalt  }
0x6c: {  	_ =	shalt  }
0x6d: {  	_ =	shalt  }
0x6e: {  	_ =	shalt  }
0x6f: {  	_ =	shalt  }
0x70: {  	_ =	shalt  }
0x71: {  	_ =	shalt  }
0x72: {  	_ =	shalt  }
0x73: {  	_ =	shalt  }
0x74: {  	_ =	shalt  }
0x75: {  	_ =	shalt  }
0x76: {  	_ =	shalt  }
0x77: {  	_ =	shalt  }
0x78: {  	_ =	shalt  }
0x79: {  	_ =	shalt  }
0x7a: {  	_ =	shalt  }
0x7b: {  	_ =	shalt  }
0x7c: {  	_ =	shalt  }
0x7d: {  	_ =	shalt  }
0x7e: {  	_ =	shalt  }
0x7f: {  	_ =	shalt  }
0x80: {  	_ =	shalt  }
0x81: {  	_ =	shalt  }
0x82: {  	_ =	shalt  }
0x83: {  	_ =	shalt  }
0x84: {  	_ =	shalt  }
0x85: {  	_ =	shalt  }
0x86: {  	_ =	shalt  }
0x87: {  	_ =	shalt  }
.Lfunc_end0:
.L_simem_size_0:
called_computation_lowered:
.L_overlay_start_0:
0x88: {  	s2 =	sld [smem:$0x3FD9]  }
0x89: {  	s3 =	sld [smem:$0x3FFE];
	_ =	sdelay $0x1  }
0x8a: {  	s1 =	srdreg.scid  }
0x8b: {  	s0 =	sand.u32 $0x1, s1  }
0x8c: {  	s14 =	sshll.u32 s0, $0xA;
	s2 =	sadd.s32 s3, s2  }
0x8d: {  	s2 =	sadd.s32 s2, s14  }
0x8e: {  	[smem:$0x3FC2] =	sst s2  }
0x8f: {  	_ = 	snop  }
0x90: {  	s2 =	sld [smem:$0x3FC9]  }
0x91: {  	s15 =	sld [smem:$0x3FC8]  }
0x92: {  	s4 =	sld [smem:$0x3FD0]  }
0x93: {  	s5 =	sld [smem:$0x3FC6]  }
0x94: {  	s6 =	sld [smem:$0x3FC5]  }
0x95: {  	s8 =	simm.s32 $0xA;
	s9 =	simm.s32 $0x10;
	s7 =	sld [smem:$0x3FC4]  }
0x96: {  	[smem:s9], [sflag:s8] =	dma.local [hbm:s4], $0x1  }
0x97: {  	_ =	swait.eq [sflag:s8], $0x1  }
0x98: {  	s16 =	sld [smem:$0x10];
	[sflag:s8] =	ssyncset.done $0x0  }
0x99: {  	s17 =	sld [smem:$0x11];
	[sflag:s8] =	ssyncadd.s32 $0xFFFFFFFF  }
0x9a: {  	s18 =	sld [smem:$0x12];
	(tm) =	ssettm $0x1  }
0x9b: {  	s10 =	sld [smem:$0x3FFB];
	_ =	sdelay $0x3  }
0x9c: {  	_ =	strace s10  }
0x9d: {  	s10 =	sld [smem:$0x3FFC];
	_ =	sdelay $0x3  }
0x9e: {  	_ =	strace s10  }
0x9f: {  	s10 =	sld [smem:$0x3FFD];
	_ =	sdelay $0x3  }
0xa0: {  	_ =	strace s10  }
0xa1: {  	_ =	strace $0x8FFFFFFF  }
0xa2: {  	s19 =	sld [smem:$0x3FDB];
	_ =	sdelay $0x1  }
0xa3: {  	s11 =	simm.s32 $_scs_section_size  }
0xa4: {  	s12 =	simm.s32 $_size__tile_overlayer_lowered;
	s13 =	simm.s32 $_tile_overlayer_lowered  }
0xa5: {  	s22 =	simm.s32 $0x1BFF;
	s21 =	sshll.u32 s13, $0x1;
	s10 =	sadd.s32 s11, s19  }
0xa6: {  	s20 =	sshll.u32 s12, $0x1;
	s14 =	simm.s32 $0x0;
	s12 =	sadd.s32 s21, s10  }
0xa7: {  	[timem:s14], [sflag:s22] =	dma.local [hbm:s12], s20  }
0xa8: {  	_ =	swait.ge [sflag:s22], s20  }
0xa9: {  	s11 =	ssub.s32 $0x0, s20;
	[sflag:s22] =	ssyncset.done $0x0  }
0xaa: {  	[sflag:s22] =	ssyncadd.s32 s11;
	_ =	sdelay $0x1  }
0xab: {  	s23 =	simm.s32 $0x1B8B  }
0xac: {  	_ =	swait.ge [sflag:s23], $0x1  }
0xad: {  	[sflag:s23] =	ssyncset.done $0x0  }
0xae: {  	s25 =	simm.s32 $0x1B8E;
	s24 =	sld [smem:$0x3FFE];
	[sflag:s23] =	ssyncadd.s32 $0xFFFFFFFF  }
0xaf: {  	s26 =	simm.s32 $execute0_lowered;
	[smem:$0x3FD2] =	sst s25  }
0xb0: {  	s12 =	sshll.u32 s26, $0x1;
	_ =	strace $0x80000046;
	[dreg:$0x1] =	wrdreg $0xFFFFFFFF  }
0xb1: {  	s28 =	simm.s32 $_size_execute0_lowered;
	s10 =	sadd.s32 s10, s12;
	[dreg:$0x0] =	wrdreg $0x0  }
0xb2: {  	s12 =	sshll.u32 s28, $0x1;
	[dreg:$0x2] =	wrdreg s10  }
0xb3: {  	[dreg:$0x3] =	wrdreg s12  }
0xb4: {  	[dreg:$0x4] =	wrdreg $0xC0  }
0xb5: {  	_ =	task [dreg:s14], $0x5FFFF  }
0xb6: {  	[dreg:$0x1] =	wrdreg $0xFFFFFFFF  }
0xb7: {  	[dreg:$0x0] =	wrdreg $0x60  }
0xb8: {  	[dreg:$0x2] =	wrdreg s2  }
0xb9: {  	[dreg:$0x3] =	wrdreg s15  }
0xba: {  	[dreg:$0x4] =	wrdreg s24  }
0xbb: {  	[dreg:$0x5] =	wrdreg s5  }
0xbc: {  	[dreg:$0x6] =	wrdreg s6  }
0xbd: {  	[dreg:$0x7] =	wrdreg s7  }
0xbe: {  	[dreg:$0x8] =	wrdreg s16  }
0xbf: {  	[dreg:$0x9] =	wrdreg s17  }
0xc0: {  	[dreg:$0xa] =	wrdreg s18  }
0xc1: {  	[dreg:$0xb] =	wrdreg $0x9  }
0xc2: {  	_ =	task.clear_ibuf [dreg:s14], $0xCFFFF;
	_ =	strace $0x90000046  }
0xc3: {  	s29 =	simm.s32 $0x9;
	_ =	strace $0x80000048  }
0xc4: {  	_ =	swait.ge [sflag:s29], $0x1  }
0xc5: {  	[sflag:s29] =	ssyncadd.s32 $0xFFFFFFFF  }
0xc6: {  	_ =	strace $0x90000048  }
0xc7: {  	_ =	sfence  }
0xc8: {  	s30 =	sld [smem:$0x0];
	_ =	sdelay $0x2  }
0xc9: {  	s31 =	sshll.u32 s1, $0xD;
	s1 =	sshrl.u32 s1, $0x2  }
0xca: {  	s3 =	sand.u32 $0x4000, s31;
	s1 =	sadd.s32 s1, s30  }
0xcb: {  	s0 =	sor.u32 s3, s0;
	s1 =	sshll.u32 s1, $0x11  }
0xcc: {  	s0 =	sor.u32 s1, s0  }
0xcd: {  	s0 =	sadd.s32 $0x8F2B, s0  }
0xce: {  	[sflag:s0] =	ssyncadd.remote.s32 $0x1  }
0xcf: {  	_ =	sfence.sel $0xFFFF  }
0xd0: {  	[dreg:$0x0] =	wrdreg $0xFFFFFFFF;
	(pc) =	sbr.abs _section_cstart, $3  }
0xd1: {  	[dreg:$0x1] =	wrdreg $0xFFFFFFFF  }
0xd2: {  	_ =	task.clear_ibuf [dreg:s14], $0x2FFFF;
	_ =	strace $0x9FFFFFFF  }
0xd3: {  	(tm) =	ssettm $0x7FFFFFFF  }
tec
execute0_lowered:
.L_overlay_start_1:
0x0: {  	(tag) =	ssettag $0x1  }
0x1: {  	s0 =	rddreg [dreg:$0x0]  }
0x2: {  	s5 =	rddreg [dreg:$0x1]  }
0x3: {  	s8 =	rddreg [dreg:$0x2]  }
0x4: {  	s1 =	rddreg [dreg:$0x3]  }
0x5: {  	s2 =	rddreg [dreg:$0x4]  }
0x6: {  	s3 =	rddreg [dreg:$0x5]  }
0x7: {  	s4 =	rddreg [dreg:$0x6]  }
0x8: {  	s6 =	rddreg [dreg:$0x7]  }
0x9: {  	s9 =	rddreg [dreg:$0x8]  }
0xa: {  	s10 =	srdreg.scid;
	s15 =	stileid.u32  }
0xb: {  	s7 =	simm.s32 $0x0;
	s29 =	simm.s32 $0x18200;
	s30 =	simm.s32 $0x2  }
0xc: {  	s31 =	simm.s32 $0x5;
	s10 =	sand.u32 $0x1, s10;
	s11 =	sshll.u32 s15, $0x1  }
0xd: {  	[smem:$0x7FF] =	sst s7;
	s8 =	sadd.s32 $0x800, s8;
	s11 =	sor.u32 s10, s11  }
0xe: {  	s12 =	ssub.s32 $0x2, s10;
	_ =	strace $0x80000047;
	s20 =	smul.u32 $0x320000, s11  }
0xf: {  	s13 =	sshrl.u32 s12, $0x1;
	s14 =	sshll.u32 s11, $0x7;
	s21 =	smul.u32 $0xC80, s11  }
0x10: {  	s19 =	sshll.u32 s11, $0xB;
	s11 =	smul.u32 $0x64000, s11;
	s12 =	ssub.s32 s12, s13  }
0x11: {  	s16 =	sadd.s32 s0, s14;
	s18 =	sadd.s32 s5, s14;
	s17 =	sadd.s32 s4, s19  }
0x12: {  	s22 =	sor.u32 $0x40, s14;
	s14 =	sshll.u32 s15, $0xF;
	[dreg:$0xb] =	wrdreg s18  }
0x13: {  	s18 =	sadd.s32 s6, s19;
	s5 =	sshrl.u32 s20, $0x3;
	[dreg:$0xa] =	wrdreg s16  }
0x14: {  	s0 =	sadd.s32 s8, s21;
	s23 =	smul.u32 $0x19, s22;
	[dreg:$0xc] =	wrdreg s17  }
0x15: {  	s11 =	sadd.s32 s9, s11;
	s13 =	smul.u32 $0xC80, s22;
	[dreg:$0xe] =	wrdreg s0  }
0x16: {  	s20 =	smul.u32 $0xC8000, s15;
	s15 =	sadd.s32 $0x110000, s17;
	[dreg:$0xf] =	wrdreg s11  }
0x17: {  	s19 =	sshll.u32 s10, $0xE;
	s22 =	smul.u32 $0x64000, s10;
	[dreg:$0x1c] =	wrdreg s15  }
0x18: {  	s0 =	sadd.s32 s9, s5;
	s11 =	smax.u32 s12, $0x1;
	[dreg:$0xd] =	wrdreg s18  }
0x19: {  	s21 =	sor.u32 s19, s14;
	s14 =	sadd.s32 $0x2000, s16;
	[dreg:$0x18] =	wrdreg s11  }
0x1a: {  	s16 =	sadd.s32 $0x120000, s17;
	s19 =	sadd.s32 $0x130000, s17;
	[dreg:$0x1b] =	wrdreg s14  }
0x1b: {  	s17 =	simm.s32 $0x1;
	s15 =	simm.s32 $0x0;
	[dreg:$0x1d] =	wrdreg s16  }
0x1c: {  	s24 =	sadd.s32 $0x2FA80, s0;
	s25 =	sadd.s32 $0x30700, s0;
	[dreg:$0x1e] =	wrdreg s19  }
0x1d: {  	s26 =	sadd.s32 $0x31380, s0;
	s5 =	sadd.s32 s8, s23;
	[dreg:$0x10] =	wrdreg s24  }
0x1e: {  	s23 =	sadd.s32 $0x61A80, s0;
	s10 =	sshrl.u32 s21, $0x3;
	[dreg:$0x11] =	wrdreg s25  }
0x1f: {  	s16 =	simm.s32 $0x11E00;
	s19 =	simm.s32 $0x4;
	[dreg:$0x12] =	wrdreg s26  }
0x20: {  	s14 =	simm.s32 $0xC8;
	[dreg:$0x13] =	wrdreg s5;
	s5 =	sadd.s32 s9, s13  }
0x21: {  	[dreg:$0x15] =	wrdreg s23;
	s9 =	sadd.s32 s20, s9;
	s24 =	sadd.s32 $0x62700, s0  }
0x22: {  	s0 =	sadd.s32 $0x63380, s0;
	s12 =	sadd.s32 s10, s4;
	[dreg:$0x14] =	wrdreg s5  }
0x23: {  	s8 =	sadd.s32 s10, s6;
	s20 =	sadd.s32 $0x2D0000, s18;
	[dreg:$0x16] =	wrdreg s24  }
0x24: {  	s23 =	sadd.s32 $0x300000, s18;
	[dreg:$0x17] =	wrdreg s0;
	s25 =	sadd.s32 s22, s9  }
0x25: {  	s9 =	sadd.s32 $0x30000, s12;
	s24 =	sor.u32 $0x200000, s21;
	s13 =	sadd.s32 $0x30000, s8  }
0x26: {  	[dreg:$0x1f] =	wrdreg s20;
	s21 =	sadd.s32 $0x2E0000, s18;
	s22 =	sadd.s32 $0x2F0000, s18  }
0x27: {  	[smem:$0x7FC] =	sst s23;
	s23 =	simm.s32 $0x2200;
	s20 =	simm.s32 $0x80  }
0x28: {  	s8 =	simm.s32 $0x3;
	s0 =	simm.s32 $0x6;
	[dreg:$0x19] =	wrdreg s9  }
0x29: {  	s5 =	simm.s32 $0x7;
	s12 =	simm.s32 $0x8;
	[dreg:$0x1a] =	wrdreg s13  }
0x2a: {  	s26 =	sadd.s32 $0x1900, s25;
	s28 =	sadd.s32 $0x32C80, s25;
	[smem:$0x7FA] =	sst s21  }
0x2b: {  	[smem:$0x7FB] =	sst s22;
	s25 =	sadd.s32 $0x310000, s18;
	s18 =	simm.s32 $0x9  }
0x2c: {  	s21 =	simm.s32 $0x5600;
	s22 =	simm.s32 $0xBA00;
	[smem:$0x7FD] =	sst s25  }
.LBB2_1:
0x2d: {  	s9 =	rddreg [dreg:$0xa];
	s10 =	simm.s32 $0x400;
	s11 =	simm.s32 $0x8000  }
0x2e: {  	[tilespmem:s7], [sflag:$0x9] =	stream.strided.gather [hbm4b:s9+s10], $0x800, s11, s10, $0x38;
	[tilespmem:$0x1E600] =	vst v63  }
0x2f: {  	s25 =	rddreg [dreg:$0x1b];
	s13 =	simm.s32 $0x800  }
0x30: {  	[tilespmem:s13], [sflag:$0x9] =	stream.linear.gather [hbm4b:s25+s7], $0x200, $0x38;
	[tilespmem:$0x1E600] =	vst v63  }
0x31: {  	_ =	swait.ge [sflag:s18], $0xA00  }
0x32: {  	[sflag:s18] =	ssyncset.done $0x0  }
0x33: {  	s25 =	simm.s32 $0xA00;
	s9 =	rddreg [dreg:$0xb];
	[sflag:s18] =	ssyncadd.s32 $0xFFFFF600  }
0x34: {  	[tilespmem:s25], [sflag:$0x9] =	stream.strided.gather [hbm4b:s9+s10], $0x1800, s11, s10, $0x38;
	[tilespmem:$0x1E600] =	vst v63  }
0x35: {  	s9 =	sadd.s32 $0x6000, s9  }
0x36: {  	[tilespmem:s23], [sflag:$0x9] =	stream.linear.gather [hbm4b:s9+s7], $0x100, $0x38;
	[tilespmem:$0x1E600] =	vst v63  }
0x37: {  	_ =	swait.ge [sflag:s18], $0x1900  }
0x38: {  	[sflag:s18] =	ssyncset.done $0x0  }
0x39: {  	[sflag:s18] =	ssyncadd.s32 $0xFFFFE700  }
0x3a: {  	[tilespmem:s21], [sflag:$0x1] =	stream.indirect.gather [hbm4b:s1+s20], $0x80, s7, s20, $0xb8;
	[tilespmem:$0x1E600] =	vst v63  }
0x3b: {  	_ = 	snop  }
0x3c: {  	[tilespmem:s22], [sflag:$0x2] =	stream.indirect.gather [hbm4b:s1+s20], $0x80, s20, s20, $0xb8;
	[tilespmem:$0x1E600] =	vst v63  }
0x3d: {  	s10 =	simm.s32 $0x100  }
0x3e: {  	[tilespmem:s16], [sflag:$0x3] =	stream.indirect.gather [hbm4b:s1+s20], $0x80, s10, s20, $0xb8;
	[tilespmem:$0x1E600] =	vst v63  }
0x3f: {  	_ =	swait.ge [sflag:s17], $0x4000  }
0x40: {  	[sflag:s17] =	ssyncset.done $0x0  }
0x41: {  	s11 =	rddreg [dreg:$0xc];
	[sflag:s17] =	ssyncadd.s32 $0xFFFFC000  }
0x42: {  	[hbm4b:s11+s7] =	stream.linear.scatter [tilespmem:s21], [sflag:$0x5], $0x4000, $0x38;
	[tilespmem:$0x1E600] =	vst v63  }
0x43: {  	s13 =	simm.s32 $0x180  }
0x44: {  	[tilespmem:s29], [sflag:$0x4] =	stream.indirect.gather [hbm4b:s1+s20], $0x80, s13, s20, $0xb8;
	[tilespmem:$0x1E600] =	vst v63  }
0x45: {  	_ =	swait.ge [sflag:s30], $0x4000  }
0x46: {  	[sflag:s30] =	ssyncset.done $0x0;
	s13 =	rddreg [dreg:$0x19]  }
0x47: {  	[sflag:s30] =	ssyncadd.s32 $0xFFFFC000;
	s23 =	sadd.s32 $0xFFFE0000, s13  }
0x48: {  	[hbm4b:s23+s7] =	stream.linear.scatter [tilespmem:s22], [sflag:$0x6], $0x4000, $0x38;
	[tilespmem:$0x1E600] =	vst v63  }
0x49: {  	_ =	swait.ge [sflag:s31], $0x4000  }
0x4a: {  	[sflag:s31] =	ssyncset.done $0x0  }
0x4b: {  	s25 =	simm.s32 $0x200;
	[sflag:s31] =	ssyncadd.s32 $0xFFFFC000  }
0x4c: {  	[tilespmem:s21], [sflag:$0x1] =	stream.indirect.gather [hbm4b:s1+s20], $0x80, s25, s20, $0xb8;
	[tilespmem:$0x1E600] =	vst v63  }
0x4d: {  	_ =	swait.ge [sflag:s8], $0x4000  }
0x4e: {  	[sflag:s8] =	ssyncset.done $0x0  }
0x4f: {  	s10 =	sadd.s32 $0xFFFF0000, s13;
	[sflag:s8] =	ssyncadd.s32 $0xFFFFC000  }
0x50: {  	[hbm4b:s10+s7] =	stream.linear.scatter [tilespmem:s16], [sflag:$0x7], $0x4000, $0x38;
	[tilespmem:$0x1E600] =	vst v63  }
0x51: {  	_ =	swait.ge [sflag:s0], $0x4000  }
0x52: {  	[sflag:s0] =	ssyncset.done $0x0  }
0x53: {  	s11 =	simm.s32 $0x280;
	[sflag:s0] =	ssyncadd.s32 $0xFFFFC000  }
0x54: {  	[tilespmem:s22], [sflag:$0x2] =	stream.indirect.gather [hbm4b:s1+s20], $0x80, s11, s20, $0xb8;
	[tilespmem:$0x1E600] =	vst v63  }
0x55: {  	_ =	swait.ge [sflag:s19], $0x4000  }
0x56: {  	[sflag:s19] =	ssyncset.done $0x0  }
0x57: {  	[sflag:s19] =	ssyncadd.s32 $0xFFFFC000  }
0x58: {  	[hbm4b:s13+s7] =	stream.linear.scatter [tilespmem:s29], [sflag:$0x8], $0x4000, $0x38;
	[tilespmem:$0x1E600] =	vst v63  }
0x59: {  	_ =	swait.ge [sflag:s5], $0x4000  }
0x5a: {  	[sflag:s5] =	ssyncset.done $0x0  }
0x5b: {  	s23 =	simm.s32 $0x300;
	[sflag:s5] =	ssyncadd.s32 $0xFFFFC000  }
0x5c: {  	[tilespmem:s16], [sflag:$0x3] =	stream.indirect.gather [hbm4b:s1+s20], $0x80, s23, s20, $0xb8;
	[tilespmem:$0x1E600] =	vst v63  }
0x5d: {  	_ =	swait.ge [sflag:s17], $0x4000  }
0x5e: {  	s10 =	sshrl.u32 s24, $0x3;
	[sflag:s17] =	ssyncset.done $0x0  }
0x5f: {  	s25 =	sadd.s32 s4, s10;
	[sflag:s17] =	ssyncadd.s32 $0xFFFFC000  }
0x60: {  	[hbm4b:s25+s7] =	stream.linear.scatter [tilespmem:s21], [sflag:$0x5], $0x4000, $0x38;
	[tilespmem:$0x1E600] =	vst v63  }
0x61: {  	s9 =	sadd.s32 $0x200000, s24;
	_ =	swait.ge [sflag:s12], $0x4000  }
0x62: {  	s11 =	simm.s32 $0x800;
	s13 =	sadd.s32 $0x40000, s13;
	[sflag:s12] =	ssyncset.done $0x0  }
0x63: {  	s25 =	smov.u32 s24;
	s24 =	simm.s32 $0x380;
	[sflag:s12] =	ssyncadd.s32 $0xFFFFC000  }
.LBB2_2:
0x64: {  	[tilespmem:s29], [sflag:$0x4] =	stream.indirect.gather [hbm4b:s1+s20], $0x80, s24, s20, $0xb8;
	[tilespmem:$0x1E600] =	vst v63  }
0x65: {  	s24 =	smov.u32 s11  }
0x66: {  	p0 =	sne.s32 s11, $0x1800;
	s11 =	sadd.s32 $0x800, s11;
	_ =	swait.ge [sflag:s30], $0x4000  }
0x67: {  	[sflag:s30] =	ssyncset.done $0x0  }
0x68: {  	s23 =	sadd.s32 $0xFFFE0000, s13;
	[sflag:s30] =	ssyncadd.s32 $0xFFFFC000  }
0x69: {  	[hbm4b:s23+s7] =	stream.linear.scatter [tilespmem:s22], [sflag:$0x6], $0x4000, $0x38;
	[tilespmem:$0x1E600] =	vst v63  }
0x6a: {  	_ =	swait.ge [sflag:s31], $0x4000  }
0x6b: {  	s23 =	sshra.s32 s24, $0x2;
	[sflag:s31] =	ssyncset.done $0x0  }
0x6c: {  	s24 =	sadd.s32 $0x200, s23;
	[sflag:s31] =	ssyncadd.s32 $0xFFFFC000  }
0x6d: {  	[tilespmem:s21], [sflag:$0x1] =	stream.indirect.gather [hbm4b:s1+s20], $0x80, s24, s20, $0xb8;
	[tilespmem:$0x1E600] =	vst v63  }
0x6e: {  	_ =	swait.ge [sflag:s8], $0x4000  }
0x6f: {  	[sflag:s8] =	ssyncset.done $0x0  }
0x70: {  	s24 =	sadd.s32 $0xFFFF0000, s13;
	[sflag:s8] =	ssyncadd.s32 $0xFFFFC000  }
0x71: {  	[hbm4b:s24+s7] =	stream.linear.scatter [tilespmem:s16], [sflag:$0x7], $0x4000, $0x38;
	[tilespmem:$0x1E600] =	vst v63  }
0x72: {  	_ =	swait.ge [sflag:s0], $0x4000  }
0x73: {  	[sflag:s0] =	ssyncset.done $0x0  }
0x74: {  	s24 =	sadd.s32 $0x280, s23;
	[sflag:s0] =	ssyncadd.s32 $0xFFFFC000  }
0x75: {  	[tilespmem:s22], [sflag:$0x2] =	stream.indirect.gather [hbm4b:s1+s20], $0x80, s24, s20, $0xb8;
	[tilespmem:$0x1E600] =	vst v63  }
0x76: {  	_ =	swait.ge [sflag:s19], $0x4000  }
0x77: {  	[sflag:s19] =	ssyncset.done $0x0  }
0x78: {  	[sflag:s19] =	ssyncadd.s32 $0xFFFFC000  }
0x79: {  	[hbm4b:s13+s7] =	stream.linear.scatter [tilespmem:s29], [sflag:$0x8], $0x4000, $0x38;
	[tilespmem:$0x1E600] =	vst v63  }
0x7a: {  	_ =	swait.ge [sflag:s5], $0x4000  }
0x7b: {  	[sflag:s5] =	ssyncset.done $0x0  }
0x7c: {  	s24 =	sadd.s32 $0x300, s23;
	[sflag:s5] =	ssyncadd.s32 $0xFFFFC000  }
0x7d: {  	[tilespmem:s16], [sflag:$0x3] =	stream.indirect.gather [hbm4b:s1+s20], $0x80, s24, s20, $0xb8;
	[tilespmem:$0x1E600] =	vst v63  }
0x7e: {  	_ =	swait.ge [sflag:s17], $0x4000  }
0x7f: {  	s24 =	sshrl.u32 s9, $0x3;
	[sflag:s17] =	ssyncset.done $0x0  }
.Ltmp0:
0x80: {  	s24 =	sadd.s32 s4, s24;
	[sflag:s17] =	ssyncadd.s32 $0xFFFFC000;
	(pc) =	sbr.rel @p0 .LBB2_2-.Ltmp0, $4  }
0x81: {  	[hbm4b:s24+s7] =	stream.linear.scatter [tilespmem:s21], [sflag:$0x5], $0x4000, $0x38;
	[tilespmem:$0x1E600] =	vst v63  }
0x82: {  	_ =	swait.ge [sflag:s12], $0x4000  }
0x83: {  	s9 =	sadd.s32 $0x200000, s9;
	[sflag:s12] =	ssyncset.done $0x0  }
0x84: {  	s13 =	sadd.s32 $0x40000, s13;
	s24 =	sadd.s32 $0x380, s23;
	[sflag:s12] =	ssyncadd.s32 $0xFFFFC000  }
0x85: {  	[tilespmem:s29], [sflag:$0x4] =	stream.indirect.gather [hbm4b:s1+s20], $0x80, s24, s20, $0xb8;
	[tilespmem:$0x1E600] =	vst v63  }
0x86: {  	_ =	swait.ge [sflag:s30], $0x4000  }
0x87: {  	[sflag:s30] =	ssyncset.done $0x0  }
0x88: {  	s9 =	simm.s32 $0x0;
	s11 =	rddreg [dreg:$0x1c];
	[sflag:s30] =	ssyncadd.s32 $0xFFFFC000  }
0x89: {  	[hbm4b:s11+s9] =	stream.linear.scatter [tilespmem:s22], [sflag:$0x6], $0x4000, $0x38;
	[tilespmem:$0x1E600] =	vst v63  }
0x8a: {  	_ =	swait.ge [sflag:s8], $0x4000  }
0x8b: {  	[sflag:s8] =	ssyncset.done $0x0  }
0x8c: {  	s13 =	rddreg [dreg:$0x1d];
	[sflag:s8] =	ssyncadd.s32 $0xFFFFC000  }
0x8d: {  	[hbm4b:s13+s9] =	stream.linear.scatter [tilespmem:s16], [sflag:$0x7], $0x4000, $0x38;
	[tilespmem:$0x1E600] =	vst v63  }
0x8e: {  	_ =	swait.ge [sflag:s19], $0x4000  }
0x8f: {  	[sflag:s19] =	ssyncset.done $0x0  }
0x90: {  	s23 =	rddreg [dreg:$0x1e];
	[sflag:s19] =	ssyncadd.s32 $0xFFFFC000  }
0x91: {  	[hbm4b:s23+s9] =	stream.linear.scatter [tilespmem:s29], [sflag:$0x8], $0x4000, $0x38;
	[tilespmem:$0x1E600] =	vst v63  }
0x92: {  	_ =	swait.ge [sflag:s31], $0x4000  }
0x93: {  	[sflag:s31] =	ssyncset.done $0x0  }
0x94: {  	[sflag:s31] =	ssyncadd.s32 $0xFFFFC000  }
0x95: {  	_ =	swait.ge [sflag:s0], $0x4000  }
0x96: {  	[sflag:s0] =	ssyncset.done $0x0  }
0x97: {  	[sflag:s0] =	ssyncadd.s32 $0xFFFFC000  }
0x98: {  	_ =	swait.ge [sflag:s5], $0x4000  }
0x99: {  	[sflag:s5] =	ssyncset.done $0x0  }
0x9a: {  	[sflag:s5] =	ssyncadd.s32 $0xFFFFC000  }
0x9b: {  	_ =	swait.ge [sflag:s12], $0x4000  }
0x9c: {  	[sflag:s12] =	ssyncset.done $0x0  }
0x9d: {  	s24 =	simm.s32 $0xA00;
	[sflag:s12] =	ssyncadd.s32 $0xFFFFC000  }
0x9e: {  	[tilespmem:s21], [sflag:$0x1] =	stream.indirect.gather [hbm4b:s2+s20], $0x80, s24, s20, $0xb8;
	[tilespmem:$0x1E600] =	vst v63  }
0x9f: {  	s13 =	simm.s32 $0xA80  }
0xa0: {  	[tilespmem:s22], [sflag:$0x2] =	stream.indirect.gather [hbm4b:s2+s20], $0x80, s13, s20, $0xb8;
	[tilespmem:$0x1E600] =	vst v63  }
0xa1: {  	s23 =	simm.s32 $0xB00  }
0xa2: {  	[tilespmem:s16], [sflag:$0x3] =	stream.indirect.gather [hbm4b:s2+s20], $0x80, s23, s20, $0xb8;
	[tilespmem:$0x1E600] =	vst v63  }
0xa3: {  	_ =	swait.ge [sflag:s17], $0x4000  }
0xa4: {  	[sflag:s17] =	ssyncset.done $0x0  }
0xa5: {  	s24 =	rddreg [dreg:$0xd];
	[sflag:s17] =	ssyncadd.s32 $0xFFFFC000  }
0xa6: {  	[hbm4b:s24+s9] =	stream.linear.scatter [tilespmem:s21], [sflag:$0x5], $0x4000, $0x38;
	[tilespmem:$0x1E600] =	vst v63  }
0xa7: {  	s11 =	simm.s32 $0xB80  }
0xa8: {  	[tilespmem:s29], [sflag:$0x4] =	stream.indirect.gather [hbm4b:s2+s20], $0x80, s11, s20, $0xb8;
	[tilespmem:$0x1E600] =	vst v63  }
0xa9: {  	_ =	swait.ge [sflag:s30], $0x4000  }
0xaa: {  	[sflag:s30] =	ssyncset.done $0x0;
	s11 =	rddreg [dreg:$0x1a]  }
0xab: {  	[sflag:s30] =	ssyncadd.s32 $0xFFFFC000;
	s13 =	sadd.s32 $0xFFFE0000, s11  }
0xac: {  	[hbm4b:s13+s7] =	stream.linear.scatter [tilespmem:s22], [sflag:$0x6], $0x4000, $0x38;
	[tilespmem:$0x1E600] =	vst v63  }
0xad: {  	_ =	swait.ge [sflag:s31], $0x4000  }
0xae: {  	[sflag:s31] =	ssyncset.done $0x0  }
0xaf: {  	s23 =	simm.s32 $0xC00;
	[sflag:s31] =	ssyncadd.s32 $0xFFFFC000  }
0xb0: {  	[tilespmem:s21], [sflag:$0x1] =	stream.indirect.gather [hbm4b:s2+s20], $0x80, s23, s20, $0xb8;
	[tilespmem:$0x1E600] =	vst v63  }
0xb1: {  	_ =	swait.ge [sflag:s8], $0x4000  }
0xb2: {  	[sflag:s8] =	ssyncset.done $0x0  }
0xb3: {  	s24 =	sadd.s32 $0xFFFF0000, s11;
	[sflag:s8] =	ssyncadd.s32 $0xFFFFC000  }
0xb4: {  	[hbm4b:s24+s7] =	stream.linear.scatter [tilespmem:s16], [sflag:$0x7], $0x4000, $0x38;
	[tilespmem:$0x1E600] =	vst v63  }
0xb5: {  	_ =	swait.ge [sflag:s0], $0x4000  }
0xb6: {  	[sflag:s0] =	ssyncset.done $0x0  }
0xb7: {  	s13 =	simm.s32 $0xC80;
	[sflag:s0] =	ssyncadd.s32 $0xFFFFC000  }
0xb8: {  	[tilespmem:s22], [sflag:$0x2] =	stream.indirect.gather [hbm4b:s2+s20], $0x80, s13, s20, $0xb8;
	[tilespmem:$0x1E600] =	vst v63  }
0xb9: {  	_ =	swait.ge [sflag:s19], $0x4000  }
0xba: {  	[sflag:s19] =	ssyncset.done $0x0  }
0xbb: {  	[sflag:s19] =	ssyncadd.s32 $0xFFFFC000  }
0xbc: {  	[hbm4b:s11+s7] =	stream.linear.scatter [tilespmem:s29], [sflag:$0x8], $0x4000, $0x38;
	[tilespmem:$0x1E600] =	vst v63  }
0xbd: {  	_ =	swait.ge [sflag:s5], $0x4000  }
0xbe: {  	[sflag:s5] =	ssyncset.done $0x0  }
0xbf: {  	s23 =	simm.s32 $0xD00;
	[sflag:s5] =	ssyncadd.s32 $0xFFFFC000  }
0xc0: {  	[tilespmem:s16], [sflag:$0x3] =	stream.indirect.gather [hbm4b:s2+s20], $0x80, s23, s20, $0xb8;
	[tilespmem:$0x1E600] =	vst v63  }
0xc1: {  	_ =	swait.ge [sflag:s17], $0x4000  }
0xc2: {  	[sflag:s17] =	ssyncset.done $0x0  }
0xc3: {  	s24 =	sadd.s32 s6, s10;
	[sflag:s17] =	ssyncadd.s32 $0xFFFFC000  }
0xc4: {  	[hbm4b:s24+s7] =	stream.linear.scatter [tilespmem:s21], [sflag:$0x5], $0x4000, $0x38;
	[tilespmem:$0x1E600] =	vst v63  }
0xc5: {  	s9 =	sadd.s32 $0x40000, s11;
	_ =	swait.ge [sflag:s12], $0x4000  }
0xc6: {  	s10 =	simm.s32 $0x800;
	s13 =	simm.s32 $0xD80;
	[sflag:s12] =	ssyncset.done $0x0  }
0xc7: {  	s11 =	sadd.s32 $0x200000, s25;
	s24 =	smov.u32 s25;
	[sflag:s12] =	ssyncadd.s32 $0xFFFFC000  }
.LBB2_4:
0xc8: {  	[tilespmem:s29], [sflag:$0x4] =	stream.indirect.gather [hbm4b:s2+s20], $0x80, s13, s20, $0xb8;
	[tilespmem:$0x1E600] =	vst v63  }
0xc9: {  	s13 =	smov.u32 s10  }
0xca: {  	p0 =	sne.s32 s10, $0x5000;
	s10 =	sadd.s32 $0x800, s10;
	_ =	swait.ge [sflag:s30], $0x4000  }
0xcb: {  	[sflag:s30] =	ssyncset.done $0x0  }
0xcc: {  	s23 =	sadd.s32 $0xFFFE0000, s9;
	[sflag:s30] =	ssyncadd.s32 $0xFFFFC000  }
0xcd: {  	[hbm4b:s23+s7] =	stream.linear.scatter [tilespmem:s22], [sflag:$0x6], $0x4000, $0x38;
	[tilespmem:$0x1E600] =	vst v63  }
0xce: {  	_ =	swait.ge [sflag:s31], $0x4000  }
0xcf: {  	s13 =	sshra.s32 s13, $0x2;
	[sflag:s31] =	ssyncset.done $0x0  }
0xd0: {  	s23 =	sadd.s32 $0xC00, s13;
	[sflag:s31] =	ssyncadd.s32 $0xFFFFC000  }
0xd1: {  	[tilespmem:s21], [sflag:$0x1] =	stream.indirect.gather [hbm4b:s2+s20], $0x80, s23, s20, $0xb8;
	[tilespmem:$0x1E600] =	vst v63  }
0xd2: {  	_ =	swait.ge [sflag:s8], $0x4000  }
0xd3: {  	[sflag:s8] =	ssyncset.done $0x0  }
0xd4: {  	s23 =	sadd.s32 $0xFFFF0000, s9;
	[sflag:s8] =	ssyncadd.s32 $0xFFFFC000  }
0xd5: {  	[hbm4b:s23+s7] =	stream.linear.scatter [tilespmem:s16], [sflag:$0x7], $0x4000, $0x38;
	[tilespmem:$0x1E600] =	vst v63  }
0xd6: {  	_ =	swait.ge [sflag:s0], $0x4000  }
0xd7: {  	[sflag:s0] =	ssyncset.done $0x0  }
0xd8: {  	s23 =	sadd.s32 $0xC80, s13;
	[sflag:s0] =	ssyncadd.s32 $0xFFFFC000  }
0xd9: {  	[tilespmem:s22], [sflag:$0x2] =	stream.indirect.gather [hbm4b:s2+s20], $0x80, s23, s20, $0xb8;
	[tilespmem:$0x1E600] =	vst v63  }
0xda: {  	_ =	swait.ge [sflag:s19], $0x4000  }
0xdb: {  	[sflag:s19] =	ssyncset.done $0x0  }
0xdc: {  	[sflag:s19] =	ssyncadd.s32 $0xFFFFC000  }
0xdd: {  	[hbm4b:s9+s7] =	stream.linear.scatter [tilespmem:s29], [sflag:$0x8], $0x4000, $0x38;
	[tilespmem:$0x1E600] =	vst v63  }
0xde: {  	_ =	swait.ge [sflag:s5], $0x4000  }
0xdf: {  	[sflag:s5] =	ssyncset.done $0x0  }
0xe0: {  	s23 =	sadd.s32 $0xD00, s13;
	[sflag:s5] =	ssyncadd.s32 $0xFFFFC000  }
0xe1: {  	[tilespmem:s16], [sflag:$0x3] =	stream.indirect.gather [hbm4b:s2+s20], $0x80, s23, s20, $0xb8;
	[tilespmem:$0x1E600] =	vst v63  }
0xe2: {  	_ =	swait.ge [sflag:s17], $0x4000  }
0xe3: {  	s23 =	sshrl.u32 s11, $0x3;
	[sflag:s17] =	ssyncset.done $0x0  }
.Ltmp1:
0xe4: {  	s23 =	sadd.s32 s6, s23;
	[sflag:s17] =	ssyncadd.s32 $0xFFFFC000;
	(pc) =	sbr.rel @p0 .LBB2_4-.Ltmp1, $4  }
0xe5: {  	[hbm4b:s23+s7] =	stream.linear.scatter [tilespmem:s21], [sflag:$0x5], $0x4000, $0x38;
	[tilespmem:$0x1E600] =	vst v63  }
0xe6: {  	_ =	swait.ge [sflag:s12], $0x4000  }
0xe7: {  	s9 =	sadd.s32 $0x40000, s9;
	[sflag:s12] =	ssyncset.done $0x0  }
0xe8: {  	s13 =	sadd.s32 $0xD80, s13;
	s11 =	sadd.s32 $0x200000, s11;
	[sflag:s12] =	ssyncadd.s32 $0xFFFFC000  }
0xe9: {  	[tilespmem:s29], [sflag:$0x4] =	stream.indirect.gather [hbm4b:s2+s20], $0x80, s13, s20, $0xb8;
	[tilespmem:$0x1E600] =	vst v63  }
0xea: {  	_ =	swait.ge [sflag:s30], $0x4000  }
0xeb: {  	[sflag:s30] =	ssyncset.done $0x0  }
0xec: {  	s9 =	simm.s32 $0x0;
	s10 =	rddreg [dreg:$0x1f];
	[sflag:s30] =	ssyncadd.s32 $0xFFFFC000  }
0xed: {  	[hbm4b:s10+s9] =	stream.linear.scatter [tilespmem:s22], [sflag:$0x6], $0x4000, $0x38;
	[tilespmem:$0x1E600] =	vst v63  }
0xee: {  	_ =	swait.ge [sflag:s31], $0x4000  }
0xef: {  	[sflag:s31] =	ssyncset.done $0x0  }
0xf0: {  	s23 =	simm.s32 $0x2200;
	[sflag:s31] =	ssyncadd.s32 $0xFFFFC000  }
0xf1: {  	[tilespmem:s21], [sflag:$0x1] =	stream.indirect.gather [hbm4b:s2+s20], $0x80, s23, s20, $0xb8;
	[tilespmem:$0x1E600] =	vst v63  }
0xf2: {  	_ =	swait.ge [sflag:s8], $0x4000  }
0xf3: {  	s25 =	sld [smem:$0x7FA]  }
0xf4: {  	[sflag:s8] =	ssyncset.done $0x0  }
0xf5: {  	[sflag:s8] =	ssyncadd.s32 $0xFFFFC000  }
0xf6: {  	[hbm4b:s25+s9] =	stream.linear.scatter [tilespmem:s16], [sflag:$0x7], $0x4000, $0x38;
	[tilespmem:$0x1E600] =	vst v63  }
0xf7: {  	_ =	swait.ge [sflag:s0], $0x4000  }
0xf8: {  	[sflag:s0] =	ssyncset.done $0x0  }
0xf9: {  	s11 =	simm.s32 $0x2280;
	[sflag:s0] =	ssyncadd.s32 $0xFFFFC000  }
0xfa: {  	[tilespmem:s22], [sflag:$0x2] =	stream.indirect.gather [hbm4b:s2+s20], $0x80, s11, s20, $0xb8;
	[tilespmem:$0x1E600] =	vst v63  }
0xfb: {  	_ =	swait.ge [sflag:s19], $0x4000  }
0xfc: {  	s13 =	sld [smem:$0x7FB]  }
0xfd: {  	[sflag:s19] =	ssyncset.done $0x0  }
0xfe: {  	[sflag:s19] =	ssyncadd.s32 $0xFFFFC000  }
0xff: {  	[hbm4b:s13+s9] =	stream.linear.scatter [tilespmem:s29], [sflag:$0x8], $0x4000, $0x38;
	[tilespmem:$0x1E600] =	vst v63  }
0x100: {  	_ =	swait.ge [sflag:s17], $0x4000  }
0x101: {  	s25 =	sld [smem:$0x7FC]  }
0x102: {  	[sflag:s17] =	ssyncset.done $0x0  }
0x103: {  	[sflag:s17] =	ssyncadd.s32 $0xFFFFC000  }
0x104: {  	[hbm4b:s25+s9] =	stream.linear.scatter [tilespmem:s21], [sflag:$0x5], $0x4000, $0x38;
	[tilespmem:$0x1E600] =	vst v63  }
0x105: {  	_ =	swait.ge [sflag:s30], $0x4000  }
0x106: {  	s11 =	sld [smem:$0x7FD]  }
0x107: {  	[sflag:s30] =	ssyncset.done $0x0  }
0x108: {  	[sflag:s30] =	ssyncadd.s32 $0xFFFFC000  }
0x109: {  	[hbm4b:s11+s9] =	stream.linear.scatter [tilespmem:s22], [sflag:$0x6], $0x4000, $0x38;
	[tilespmem:$0x1E600] =	vst v63  }
0x10a: {  	_ =	swait.ge [sflag:s5], $0x4000  }
0x10b: {  	[sflag:s5] =	ssyncset.done $0x0  }
0x10c: {  	[sflag:s5] =	ssyncadd.s32 $0xFFFFC000  }
0x10d: {  	_ =	swait.ge [sflag:s12], $0x4000  }
0x10e: {  	[sflag:s12] =	ssyncset.done $0x0  }
0x10f: {  	[sflag:s12] =	ssyncadd.s32 $0xFFFFC000  }
0x110: {  	_ =	swait.ge [sflag:s31], $0x4000  }
0x111: {  	[sflag:s31] =	ssyncset.done $0x0  }
0x112: {  	[sflag:s31] =	ssyncadd.s32 $0xFFFFC000  }
0x113: {  	_ =	swait.ge [sflag:s0], $0x4000  }
0x114: {  	[sflag:s0] =	ssyncset.done $0x0  }
0x115: {  	s25 =	simm.s32 $0x2400;
	s13 =	rddreg [dreg:$0xe];
	[sflag:s0] =	ssyncadd.s32 $0xFFFFC000  }
0x116: {  	[tilespmem:s25], [sflag:$0x9] =	stream.linear.gather [hbm4b:s13+s9], $0x3200, $0x38;
	[tilespmem:$0x1E600] =	vst v63  }
0x117: {  	_ =	swait.ge [sflag:s18], $0x3200  }
0x118: {  	[sflag:s18] =	ssyncset.done $0x0  }
0x119: {  	[sflag:s18] =	ssyncadd.s32 $0xFFFFCE00  }
0x11a: {  	[tilespmem:s21], [sflag:$0x1] =	stream.indirect.gather [hbm4b:s3+s14], $0x80, s25, s14, $0xb8;
	[tilespmem:$0x1E600] =	vst v63  }
0x11b: {  	s11 =	simm.s32 $0x24C8  }
0x11c: {  	[tilespmem:s22], [sflag:$0x2] =	stream.indirect.gather [hbm4b:s3+s14], $0x80, s11, s14, $0xb8;
	[tilespmem:$0x1E600] =	vst v63  }
0x11d: {  	s13 =	simm.s32 $0x2590  }
0x11e: {  	[tilespmem:s16], [sflag:$0x3] =	stream.indirect.gather [hbm4b:s3+s14], $0x80, s13, s14, $0xb8;
	[tilespmem:$0x1E600] =	vst v63  }
0x11f: {  	_ =	swait.ge [sflag:s17], $0x6400  }
0x120: {  	[sflag:s17] =	ssyncset.done $0x0  }
0x121: {  	s11 =	rddreg [dreg:$0xf];
	[sflag:s17] =	ssyncadd.s32 $0xFFFF9C00  }
0x122: {  	[hbm4b:s11+s9] =	stream.linear.scatter [tilespmem:s21], [sflag:$0x5], $0x6400, $0x38;
	[tilespmem:$0x1E600] =	vst v63  }
0x123: {  	s13 =	simm.s32 $0x2658  }
0x124: {  	[tilespmem:s29], [sflag:$0x4] =	stream.indirect.gather [hbm4b:s3+s14], $0x80, s13, s14, $0xb8;
	[tilespmem:$0x1E600] =	vst v63  }
0x125: {  	_ =	swait.ge [sflag:s30], $0x6400  }
0x126: {  	[sflag:s30] =	ssyncset.done $0x0  }
0x127: {  	s10 =	sadd.s32 $0xFFFFF380, s26;
	[sflag:s30] =	ssyncadd.s32 $0xFFFF9C00  }
0x128: {  	[hbm4b:s10+s7] =	stream.linear.scatter [tilespmem:s22], [sflag:$0x6], $0x6400, $0x38;
	[tilespmem:$0x1E600] =	vst v63  }
0x129: {  	_ =	swait.ge [sflag:s31], $0x6400  }
0x12a: {  	[sflag:s31] =	ssyncset.done $0x0  }
0x12b: {  	s11 =	simm.s32 $0x2720;
	[sflag:s31] =	ssyncadd.s32 $0xFFFF9C00  }
0x12c: {  	[tilespmem:s21], [sflag:$0x1] =	stream.indirect.gather [hbm4b:s3+s14], $0x80, s11, s14, $0xb8;
	[tilespmem:$0x1E600] =	vst v63  }
0x12d: {  	_ =	swait.ge [sflag:s8], $0x6400  }
0x12e: {  	[sflag:s8] =	ssyncset.done $0x0  }
0x12f: {  	[sflag:s8] =	ssyncadd.s32 $0xFFFF9C00  }
0x130: {  	[hbm4b:s26+s7] =	stream.linear.scatter [tilespmem:s16], [sflag:$0x7], $0x6400, $0x38;
	[tilespmem:$0x1E600] =	vst v63  }
0x131: {  	_ =	swait.ge [sflag:s0], $0x6400  }
0x132: {  	[sflag:s0] =	ssyncset.done $0x0  }
0x133: {  	s13 =	simm.s32 $0x27E8;
	[sflag:s0] =	ssyncadd.s32 $0xFFFF9C00  }
0x134: {  	[tilespmem:s22], [sflag:$0x2] =	stream.indirect.gather [hbm4b:s3+s14], $0x80, s13, s14, $0xb8;
	[tilespmem:$0x1E600] =	vst v63  }
0x135: {  	_ =	swait.ge [sflag:s19], $0x6400  }
0x136: {  	[sflag:s19] =	ssyncset.done $0x0  }
0x137: {  	s10 =	sadd.s32 $0xC80, s26;
	[sflag:s19] =	ssyncadd.s32 $0xFFFF9C00  }
0x138: {  	[hbm4b:s10+s7] =	stream.linear.scatter [tilespmem:s29], [sflag:$0x8], $0x6400, $0x38;
	[tilespmem:$0x1E600] =	vst v63  }
0x139: {  	_ =	swait.ge [sflag:s5], $0x6400  }
0x13a: {  	[sflag:s5] =	ssyncset.done $0x0  }
0x13b: {  	s11 =	simm.s32 $0x28B0;
	[sflag:s5] =	ssyncadd.s32 $0xFFFF9C00  }
0x13c: {  	[tilespmem:s16], [sflag:$0x3] =	stream.indirect.gather [hbm4b:s3+s14], $0x80, s11, s14, $0xb8;
	[tilespmem:$0x1E600] =	vst v63  }
0x13d: {  	_ =	swait.ge [sflag:s17], $0x6400  }
0x13e: {  	[sflag:s17] =	ssyncset.done $0x0  }
0x13f: {  	s13 =	sadd.s32 $0x1900, s26;
	[sflag:s17] =	ssyncadd.s32 $0xFFFF9C00  }
0x140: {  	[hbm4b:s13+s7] =	stream.linear.scatter [tilespmem:s21], [sflag:$0x5], $0x6400, $0x38;
	[tilespmem:$0x1E600] =	vst v63  }
0x141: {  	_ =	swait.ge [sflag:s12], $0x6400  }
0x142: {  	s9 =	simm.s32 $0xC80;
	[sflag:s12] =	ssyncset.done $0x0  }
0x143: {  	s10 =	sadd.s32 $0x3200, s26;
	s11 =	simm.s32 $0x2978;
	[sflag:s12] =	ssyncadd.s32 $0xFFFF9C00  }
.LBB2_6:
0x144: {  	[tilespmem:s29], [sflag:$0x4] =	stream.indirect.gather [hbm4b:s3+s14], $0x80, s11, s14, $0xb8;
	[tilespmem:$0x1E600] =	vst v63  }
0x145: {  	s11 =	smov.u32 s9  }
0x146: {  	p0 =	sne.s32 s9, $0xAF00;
	s9 =	sadd.s32 $0xC80, s9;
	_ =	swait.ge [sflag:s30], $0x6400  }
0x147: {  	[sflag:s30] =	ssyncset.done $0x0  }
0x148: {  	s13 =	sadd.s32 $0xFFFFF380, s10;
	[sflag:s30] =	ssyncadd.s32 $0xFFFF9C00  }
0x149: {  	[hbm4b:s13+s7] =	stream.linear.scatter [tilespmem:s22], [sflag:$0x6], $0x6400, $0x38;
	[tilespmem:$0x1E600] =	vst v63  }
0x14a: {  	_ =	swait.ge [sflag:s31], $0x6400  }
0x14b: {  	s11 =	sshra.s32 s11, $0x2;
	[sflag:s31] =	ssyncset.done $0x0  }
0x14c: {  	s13 =	sadd.s32 $0x2720, s11;
	[sflag:s31] =	ssyncadd.s32 $0xFFFF9C00  }
0x14d: {  	[tilespmem:s21], [sflag:$0x1] =	stream.indirect.gather [hbm4b:s3+s14], $0x80, s13, s14, $0xb8;
	[tilespmem:$0x1E600] =	vst v63  }
0x14e: {  	_ =	swait.ge [sflag:s8], $0x6400  }
0x14f: {  	[sflag:s8] =	ssyncset.done $0x0  }
0x150: {  	[sflag:s8] =	ssyncadd.s32 $0xFFFF9C00  }
0x151: {  	[hbm4b:s10+s7] =	stream.linear.scatter [tilespmem:s16], [sflag:$0x7], $0x6400, $0x38;
	[tilespmem:$0x1E600] =	vst v63  }
0x152: {  	_ =	swait.ge [sflag:s0], $0x6400  }
0x153: {  	[sflag:s0] =	ssyncset.done $0x0  }
0x154: {  	s13 =	sadd.s32 $0x27E8, s11;
	[sflag:s0] =	ssyncadd.s32 $0xFFFF9C00  }
0x155: {  	[tilespmem:s22], [sflag:$0x2] =	stream.indirect.gather [hbm4b:s3+s14], $0x80, s13, s14, $0xb8;
	[tilespmem:$0x1E600] =	vst v63  }
0x156: {  	_ =	swait.ge [sflag:s19], $0x6400  }
0x157: {  	[sflag:s19] =	ssyncset.done $0x0  }
0x158: {  	s13 =	sadd.s32 $0xC80, s10;
	[sflag:s19] =	ssyncadd.s32 $0xFFFF9C00  }
0x159: {  	[hbm4b:s13+s7] =	stream.linear.scatter [tilespmem:s29], [sflag:$0x8], $0x6400, $0x38;
	[tilespmem:$0x1E600] =	vst v63  }
0x15a: {  	_ =	swait.ge [sflag:s5], $0x6400  }
0x15b: {  	[sflag:s5] =	ssyncset.done $0x0  }
0x15c: {  	s13 =	sadd.s32 $0x28B0, s11;
	[sflag:s5] =	ssyncadd.s32 $0xFFFF9C00  }
0x15d: {  	[tilespmem:s16], [sflag:$0x3] =	stream.indirect.gather [hbm4b:s3+s14], $0x80, s13, s14, $0xb8;
	[tilespmem:$0x1E600] =	vst v63  }
0x15e: {  	_ =	swait.ge [sflag:s17], $0x6400  }
0x15f: {  	[sflag:s17] =	ssyncset.done $0x0  }
.Ltmp2:
0x160: {  	s13 =	sadd.s32 $0x1900, s10;
	[sflag:s17] =	ssyncadd.s32 $0xFFFF9C00;
	(pc) =	sbr.rel @p0 .LBB2_6-.Ltmp2, $4  }
0x161: {  	[hbm4b:s13+s7] =	stream.linear.scatter [tilespmem:s21], [sflag:$0x5], $0x6400, $0x38;
	[tilespmem:$0x1E600] =	vst v63  }
0x162: {  	_ =	swait.ge [sflag:s12], $0x6400  }
0x163: {  	[sflag:s12] =	ssyncset.done $0x0  }
0x164: {  	s11 =	sadd.s32 $0x2978, s11;
	s10 =	sadd.s32 $0x3200, s10;
	[sflag:s12] =	ssyncadd.s32 $0xFFFF9C00  }
0x165: {  	[tilespmem:s29], [sflag:$0x4] =	stream.indirect.gather [hbm4b:s3+s14], $0x80, s11, s14, $0xb8;
	[tilespmem:$0x1E600] =	vst v63  }
0x166: {  	_ =	swait.ge [sflag:s30], $0x6400  }
0x167: {  	[sflag:s30] =	ssyncset.done $0x0  }
0x168: {  	s9 =	simm.s32 $0x0;
	s10 =	rddreg [dreg:$0x10];
	[sflag:s30] =	ssyncadd.s32 $0xFFFF9C00  }
0x169: {  	[hbm4b:s10+s9] =	stream.linear.scatter [tilespmem:s22], [sflag:$0x6], $0x6400, $0x38;
	[tilespmem:$0x1E600] =	vst v63  }
0x16a: {  	_ =	swait.ge [sflag:s8], $0x6400  }
0x16b: {  	[sflag:s8] =	ssyncset.done $0x0  }
0x16c: {  	s13 =	rddreg [dreg:$0x11];
	[sflag:s8] =	ssyncadd.s32 $0xFFFF9C00  }
0x16d: {  	[hbm4b:s13+s9] =	stream.linear.scatter [tilespmem:s16], [sflag:$0x7], $0x6400, $0x38;
	[tilespmem:$0x1E600] =	vst v63  }
0x16e: {  	_ =	swait.ge [sflag:s19], $0x6400  }
0x16f: {  	[sflag:s19] =	ssyncset.done $0x0  }
0x170: {  	s11 =	rddreg [dreg:$0x12];
	[sflag:s19] =	ssyncadd.s32 $0xFFFF9C00  }
0x171: {  	[hbm4b:s11+s9] =	stream.linear.scatter [tilespmem:s29], [sflag:$0x8], $0x6400, $0x38;
	[tilespmem:$0x1E600] =	vst v63  }
0x172: {  	_ =	swait.ge [sflag:s31], $0x6400  }
0x173: {  	[sflag:s31] =	ssyncset.done $0x0  }
0x174: {  	[sflag:s31] =	ssyncadd.s32 $0xFFFF9C00  }
0x175: {  	_ =	swait.ge [sflag:s0], $0x6400  }
0x176: {  	[sflag:s0] =	ssyncset.done $0x0  }
0x177: {  	[sflag:s0] =	ssyncadd.s32 $0xFFFF9C00  }
0x178: {  	_ =	swait.ge [sflag:s5], $0x6400  }
0x179: {  	[sflag:s5] =	ssyncset.done $0x0  }
0x17a: {  	[sflag:s5] =	ssyncadd.s32 $0xFFFF9C00  }
0x17b: {  	_ =	swait.ge [sflag:s12], $0x6400  }
0x17c: {  	[sflag:s12] =	ssyncset.done $0x0  }
0x17d: {  	s13 =	rddreg [dreg:$0x13];
	[sflag:s12] =	ssyncadd.s32 $0xFFFF9C00  }
0x17e: {  	[tilespmem:s25], [sflag:$0x9] =	stream.linear.gather [hbm4b:s13+s9], $0x3200, $0x38;
	[tilespmem:$0x1E600] =	vst v63  }
0x17f: {  	_ =	swait.ge [sflag:s18], $0x3200  }
0x180: {  	[sflag:s18] =	ssyncset.done $0x0  }
0x181: {  	[sflag:s18] =	ssyncadd.s32 $0xFFFFCE00  }
0x182: {  	[tilespmem:s21], [sflag:$0x1] =	stream.indirect.gather [hbm4b:s3+s14], $0x80, s25, s14, $0xb8;
	[tilespmem:$0x1E600] =	vst v63  }
0x183: {  	s11 =	simm.s32 $0x24C8  }
0x184: {  	[tilespmem:s22], [sflag:$0x2] =	stream.indirect.gather [hbm4b:s3+s14], $0x80, s11, s14, $0xb8;
	[tilespmem:$0x1E600] =	vst v63  }
0x185: {  	s13 =	simm.s32 $0x2590  }
0x186: {  	[tilespmem:s16], [sflag:$0x3] =	stream.indirect.gather [hbm4b:s3+s14], $0x80, s13, s14, $0xb8;
	[tilespmem:$0x1E600] =	vst v63  }
0x187: {  	_ =	swait.ge [sflag:s17], $0x6400  }
0x188: {  	[sflag:s17] =	ssyncset.done $0x0  }
0x189: {  	s25 =	rddreg [dreg:$0x14];
	[sflag:s17] =	ssyncadd.s32 $0xFFFF9C00  }
0x18a: {  	[hbm4b:s25+s9] =	stream.linear.scatter [tilespmem:s21], [sflag:$0x5], $0x6400, $0x38;
	[tilespmem:$0x1E600] =	vst v63  }
0x18b: {  	s11 =	simm.s32 $0x2658  }
0x18c: {  	[tilespmem:s29], [sflag:$0x4] =	stream.indirect.gather [hbm4b:s3+s14], $0x80, s11, s14, $0xb8;
	[tilespmem:$0x1E600] =	vst v63  }
0x18d: {  	_ =	swait.ge [sflag:s30], $0x6400  }
0x18e: {  	[sflag:s30] =	ssyncset.done $0x0  }
0x18f: {  	[sflag:s30] =	ssyncadd.s32 $0xFFFF9C00  }
0x190: {  	[hbm4b:s28+s7] =	stream.linear.scatter [tilespmem:s22], [sflag:$0x6], $0x6400, $0x38;
	[tilespmem:$0x1E600] =	vst v63  }
0x191: {  	_ =	swait.ge [sflag:s31], $0x6400  }
0x192: {  	[sflag:s31] =	ssyncset.done $0x0  }
0x193: {  	s13 =	simm.s32 $0x2720;
	[sflag:s31] =	ssyncadd.s32 $0xFFFF9C00  }
0x194: {  	[tilespmem:s21], [sflag:$0x1] =	stream.indirect.gather [hbm4b:s3+s14], $0x80, s13, s14, $0xb8;
	[tilespmem:$0x1E600] =	vst v63  }
0x195: {  	_ =	swait.ge [sflag:s8], $0x6400  }
0x196: {  	[sflag:s8] =	ssyncset.done $0x0  }
0x197: {  	s25 =	sadd.s32 $0xC80, s28;
	[sflag:s8] =	ssyncadd.s32 $0xFFFF9C00  }
0x198: {  	[hbm4b:s25+s7] =	stream.linear.scatter [tilespmem:s16], [sflag:$0x7], $0x6400, $0x38;
	[tilespmem:$0x1E600] =	vst v63  }
0x199: {  	_ =	swait.ge [sflag:s0], $0x6400  }
0x19a: {  	[sflag:s0] =	ssyncset.done $0x0  }
0x19b: {  	s10 =	simm.s32 $0x27E8;
	[sflag:s0] =	ssyncadd.s32 $0xFFFF9C00  }
0x19c: {  	[tilespmem:s22], [sflag:$0x2] =	stream.indirect.gather [hbm4b:s3+s14], $0x80, s10, s14, $0xb8;
	[tilespmem:$0x1E600] =	vst v63  }
0x19d: {  	_ =	swait.ge [sflag:s19], $0x6400  }
0x19e: {  	[sflag:s19] =	ssyncset.done $0x0  }
0x19f: {  	s11 =	sadd.s32 $0x1900, s28;
	[sflag:s19] =	ssyncadd.s32 $0xFFFF9C00  }
0x1a0: {  	[hbm4b:s11+s7] =	stream.linear.scatter [tilespmem:s29], [sflag:$0x8], $0x6400, $0x38;
	[tilespmem:$0x1E600] =	vst v63  }
0x1a1: {  	_ =	swait.ge [sflag:s5], $0x6400  }
0x1a2: {  	[sflag:s5] =	ssyncset.done $0x0  }
0x1a3: {  	s13 =	simm.s32 $0x28B0;
	[sflag:s5] =	ssyncadd.s32 $0xFFFF9C00  }
0x1a4: {  	[tilespmem:s16], [sflag:$0x3] =	stream.indirect.gather [hbm4b:s3+s14], $0x80, s13, s14, $0xb8;
	[tilespmem:$0x1E600] =	vst v63  }
0x1a5: {  	_ =	swait.ge [sflag:s17], $0x6400  }
0x1a6: {  	[sflag:s17] =	ssyncset.done $0x0  }
0x1a7: {  	s25 =	sadd.s32 $0x2580, s28;
	[sflag:s17] =	ssyncadd.s32 $0xFFFF9C00  }
0x1a8: {  	[hbm4b:s25+s7] =	stream.linear.scatter [tilespmem:s21], [sflag:$0x5], $0x6400, $0x38;
	[tilespmem:$0x1E600] =	vst v63  }
0x1a9: {  	_ =	swait.ge [sflag:s12], $0x6400  }
0x1aa: {  	s9 =	simm.s32 $0xC80;
	[sflag:s12] =	ssyncset.done $0x0  }
0x1ab: {  	s10 =	sadd.s32 $0x3200, s28;
	s11 =	simm.s32 $0x2978;
	[sflag:s12] =	ssyncadd.s32 $0xFFFF9C00  }
.LBB2_8:
0x1ac: {  	[tilespmem:s29], [sflag:$0x4] =	stream.indirect.gather [hbm4b:s3+s14], $0x80, s11, s14, $0xb8;
	[tilespmem:$0x1E600] =	vst v63  }
0x1ad: {  	s11 =	smov.u32 s9  }
0x1ae: {  	p0 =	sne.s32 s9, $0xAF00;
	s9 =	sadd.s32 $0xC80, s9;
	_ =	swait.ge [sflag:s30], $0x6400  }
0x1af: {  	[sflag:s30] =	ssyncset.done $0x0  }
0x1b0: {  	[sflag:s30] =	ssyncadd.s32 $0xFFFF9C00  }
0x1b1: {  	[hbm4b:s10+s7] =	stream.linear.scatter [tilespmem:s22], [sflag:$0x6], $0x6400, $0x38;
	[tilespmem:$0x1E600] =	vst v63  }
0x1b2: {  	_ =	swait.ge [sflag:s31], $0x6400  }
0x1b3: {  	s11 =	sshra.s32 s11, $0x2;
	[sflag:s31] =	ssyncset.done $0x0  }
0x1b4: {  	s13 =	sadd.s32 $0x2720, s11;
	[sflag:s31] =	ssyncadd.s32 $0xFFFF9C00  }
0x1b5: {  	[tilespmem:s21], [sflag:$0x1] =	stream.indirect.gather [hbm4b:s3+s14], $0x80, s13, s14, $0xb8;
	[tilespmem:$0x1E600] =	vst v63  }
0x1b6: {  	_ =	swait.ge [sflag:s8], $0x6400  }
0x1b7: {  	[sflag:s8] =	ssyncset.done $0x0  }
0x1b8: {  	s13 =	sadd.s32 $0xC80, s10;
	[sflag:s8] =	ssyncadd.s32 $0xFFFF9C00  }
0x1b9: {  	[hbm4b:s13+s7] =	stream.linear.scatter [tilespmem:s16], [sflag:$0x7], $0x6400, $0x38;
	[tilespmem:$0x1E600] =	vst v63  }
0x1ba: {  	_ =	swait.ge [sflag:s0], $0x6400  }
0x1bb: {  	[sflag:s0] =	ssyncset.done $0x0  }
0x1bc: {  	s13 =	sadd.s32 $0x27E8, s11;
	[sflag:s0] =	ssyncadd.s32 $0xFFFF9C00  }
0x1bd: {  	[tilespmem:s22], [sflag:$0x2] =	stream.indirect.gather [hbm4b:s3+s14], $0x80, s13, s14, $0xb8;
	[tilespmem:$0x1E600] =	vst v63  }
0x1be: {  	_ =	swait.ge [sflag:s19], $0x6400  }
0x1bf: {  	[sflag:s19] =	ssyncset.done $0x0  }
0x1c0: {  	s13 =	sadd.s32 $0x1900, s10;
	[sflag:s19] =	ssyncadd.s32 $0xFFFF9C00  }
0x1c1: {  	[hbm4b:s13+s7] =	stream.linear.scatter [tilespmem:s29], [sflag:$0x8], $0x6400, $0x38;
	[tilespmem:$0x1E600] =	vst v63  }
0x1c2: {  	_ =	swait.ge [sflag:s5], $0x6400  }
0x1c3: {  	[sflag:s5] =	ssyncset.done $0x0  }
0x1c4: {  	s13 =	sadd.s32 $0x28B0, s11;
	[sflag:s5] =	ssyncadd.s32 $0xFFFF9C00  }
0x1c5: {  	[tilespmem:s16], [sflag:$0x3] =	stream.indirect.gather [hbm4b:s3+s14], $0x80, s13, s14, $0xb8;
	[tilespmem:$0x1E600] =	vst v63  }
0x1c6: {  	_ =	swait.ge [sflag:s17], $0x6400  }
0x1c7: {  	[sflag:s17] =	ssyncset.done $0x0  }
.Ltmp3:
0x1c8: {  	s13 =	sadd.s32 $0x2580, s10;
	[sflag:s17] =	ssyncadd.s32 $0xFFFF9C00;
	(pc) =	sbr.rel @p0 .LBB2_8-.Ltmp3, $4  }
0x1c9: {  	[hbm4b:s13+s7] =	stream.linear.scatter [tilespmem:s21], [sflag:$0x5], $0x6400, $0x38;
	[tilespmem:$0x1E600] =	vst v63  }
0x1ca: {  	_ =	swait.ge [sflag:s12], $0x6400  }
0x1cb: {  	[sflag:s12] =	ssyncset.done $0x0  }
0x1cc: {  	s11 =	sadd.s32 $0x2978, s11;
	s10 =	sadd.s32 $0x3200, s10;
	[sflag:s12] =	ssyncadd.s32 $0xFFFF9C00  }
0x1cd: {  	[tilespmem:s29], [sflag:$0x4] =	stream.indirect.gather [hbm4b:s3+s14], $0x80, s11, s14, $0xb8;
	[tilespmem:$0x1E600] =	vst v63  }
0x1ce: {  	_ =	swait.ge [sflag:s30], $0x6400  }
0x1cf: {  	[sflag:s30] =	ssyncset.done $0x0  }
0x1d0: {  	s9 =	rddreg [dreg:$0x15];
	[sflag:s30] =	ssyncadd.s32 $0xFFFF9C00  }
0x1d1: {  	[hbm4b:s9+s7] =	stream.linear.scatter [tilespmem:s22], [sflag:$0x6], $0x6400, $0x38;
	[tilespmem:$0x1E600] =	vst v63  }
0x1d2: {  	_ =	swait.ge [sflag:s8], $0x6400  }
0x1d3: {  	[sflag:s8] =	ssyncset.done $0x0  }
0x1d4: {  	s11 =	rddreg [dreg:$0x16];
	[sflag:s8] =	ssyncadd.s32 $0xFFFF9C00  }
0x1d5: {  	[hbm4b:s11+s7] =	stream.linear.scatter [tilespmem:s16], [sflag:$0x7], $0x6400, $0x38;
	[tilespmem:$0x1E600] =	vst v63  }
0x1d6: {  	_ =	swait.ge [sflag:s19], $0x6400  }
0x1d7: {  	[sflag:s19] =	ssyncset.done $0x0  }
0x1d8: {  	s13 =	rddreg [dreg:$0x17];
	[sflag:s19] =	ssyncadd.s32 $0xFFFF9C00  }
0x1d9: {  	[hbm4b:s13+s7] =	stream.linear.scatter [tilespmem:s29], [sflag:$0x8], $0x6400, $0x38;
	[tilespmem:$0x1E600] =	vst v63  }
0x1da: {  	_ =	swait.ge [sflag:s31], $0x6400  }
0x1db: {  	[sflag:s31] =	ssyncset.done $0x0  }
0x1dc: {  	[sflag:s31] =	ssyncadd.s32 $0xFFFF9C00  }
0x1dd: {  	_ =	swait.ge [sflag:s0], $0x6400  }
0x1de: {  	[sflag:s0] =	ssyncset.done $0x0  }
0x1df: {  	[sflag:s0] =	ssyncadd.s32 $0xFFFF9C00  }
0x1e0: {  	_ =	swait.ge [sflag:s5], $0x6400  }
0x1e1: {  	[sflag:s5] =	ssyncset.done $0x0  }
0x1e2: {  	[sflag:s5] =	ssyncadd.s32 $0xFFFF9C00  }
0x1e3: {  	_ =	swait.ge [sflag:s12], $0x6400  }
0x1e4: {  	s15 =	sadd.s32 $0x1, s15;
	s25 =	rddreg [dreg:$0x18]  }
0x1e5: {  	p0 =	sne.s32 s15, s25  }
.Ltmp4:
0x1e6: {  	_ = 	snop;
	(pc) =	sbr.rel @p0 .LBB2_1-.Ltmp4, $3  }
0x1e7: {  	_ =	sdelay $0x1  }
0x1e8: {  	[sflag:s12] =	ssyncset.done $0x0  }
0x1e9: {  	[sflag:s12] =	ssyncadd.s32 $0xFFFF9C00  }
0x1ea: {  	_ =	sfence.sel $0x180000  }
0x1eb: {  	[bflag:$0x0] =	sbarrier.arrive $0xFFFF  }
0x1ec: {  	_ =	strace $0x90000047  }
0x1ed: {  	s0 =	stileid.u32;
	[bflag:$0x2] =	sbarrier.arrive $0xFFFF  }
0x1ee: {  	p0 =	sne.s32 s0, $0x0;
	s0 =	rddreg [dreg:$0x9]  }
0x1ef: {  	s0 =	sadd.s32 @!p0 $0x100000, s0  }
0x1f0: {  	[sflag:s0] =	ssyncadd.tile.s32 @!p0 $0x1;
	_ =	shalt  }
.Lfunc_end2:
_tile_overlayer_lowered:
.L_overlay_start_2:
0x1f1: {  	(tag) =	ssettag $0x2  }
0x1f2: {  	s0 =	rddreg [dreg:$0x0];
	s2 =	stileid.u32  }
0x1f3: {  	s1 =	rddreg [dreg:$0x1];
	p0 =	sne.s32 s2, $0x0  }
0x1f4: {  	s3 =	rddreg [dreg:$0x2];
	[bflag:$0x3] =	sbarrier.arrive $0xFFFF;
	s2 =	simm.s32 @!p0 $0x1C09  }
0x1f5: {  	[timem:s3], [sflag:s2] =	dma.local @!p0 [hbm:s0], s1  }
0x1f6: {  	s0 =	simm.s32 @!p0 $0x9  }
0x1f7: {  	_ =	swait.ge @!p0 [sflag:s0], s1  }
0x1f8: {  	s1 =	ssub.s32 @!p0 $0x0, s1;
	[sflag:s0] =	ssyncset.done @!p0 $0x0  }
0x1f9: {  	[sflag:s0] =	ssyncadd.s32 @!p0 s1  }
0x1fa: {  	[bflag:$0x3] =	sbarrier.arrive $0xFFFF  }
0x1fb: {  	_ =	shalt  }

</sc_bundles>
